<compile_context>
chip_gen: v7x
topology: tpu7x:2x2x1
jax: 0.10.2.dev20260603
libtpu: 0.0.44.dev20260713+nightly
codegen_flags: <defaults>
</compile_context>

<pallas_src>
import jax
import jax.numpy as jnp
from jax import lax
from jax.experimental import pallas as pl
from jax.experimental.pallas import tpu as pltpu
from jax.experimental.pallas import tpu_sc as plsc

N = 10000
D = 128
E = 320000
HALF = 64
NC = 2
NS = 16
NW = NC * NS
EPT = E // NW
EPS = E // NS
CH = 80
NCHUNK = EPT // CH
NCHA = EPS // CH
RPT = 624
TAIL = N - NS * RPT
KBUF = 5


def _stage_a_body(x2_hbm, eidx_hbm, zeros_hbm, out_agg, out_deg,
                  agg_sh, srcf, dstf, deg,
                  r0, r1, r2, r3, r4, g0, g1, g2, g3, g4):
    c = lax.axis_index("c")
    s = lax.axis_index("s")
    rows = [r0, r1, r2, r3, r4]
    gsem = [g0, g1, g2, g3, g4]
    ones16 = jnp.ones((16,), jnp.float32)
    zero16 = jnp.zeros((16,), jnp.float32)

    pltpu.sync_copy(eidx_hbm.at[0, pl.ds(s * EPS, EPS)], srcf)
    pltpu.sync_copy(eidx_hbm.at[1, pl.ds(s * EPS, EPS)], dstf)
    cc = jnp.broadcast_to(c, (16,)).astype(jnp.int32)

    def fix(i, carry):
        v = srcf[pl.ds(i * 16, 16)]
        srcf[pl.ds(i * 16, 16)] = v + v + cc
        return carry

    lax.fori_loop(0, EPS // 16, fix, 0)
    for b in range(KBUF):
        pltpu.async_copy(x2_hbm.at[srcf.at[pl.ds(b * CH, CH)]],
                         rows[b], gsem[b])

    def zloop(i, carry):
        deg[pl.ds(i * 16, 16)] = zero16
        return carry

    lax.fori_loop(0, N // 16, zloop, 0)
    pltpu.sync_copy(zeros_hbm.at[pl.ds(0, RPT)], agg_sh.at[pl.ds(s * RPT, RPT)])

    @pl.when(s == NS - 1)
    def _():
        pltpu.sync_copy(zeros_hbm.at[pl.ds(0, TAIL)],
                        agg_sh.at[pl.ds(NS * RPT, TAIL)])

    plsc.subcore_barrier()

    def outer(o, carry):
        for b in range(KBUF):
            g = o * KBUF + b
            pltpu.make_async_copy(x2_hbm.at[pl.ds(0, CH)], rows[b],
                                  gsem[b]).wait()

            @pl.when(c == 0)
            def _():
                for k in range(CH // 16):
                    dv = dstf[pl.ds(g * CH + k * 16, 16)]
                    plsc.addupdate_scatter(deg, [dv], ones16)

            pltpu.sync_copy(rows[b], agg_sh.at[dstf.at[pl.ds(g * CH, CH)]],
                            add=True)
            nxt = g + KBUF

            @pl.when(nxt < NCHA)
            def _():
                pltpu.async_copy(x2_hbm.at[srcf.at[pl.ds(nxt * CH, CH)]],
                                 rows[b], gsem[b])
        return carry

    lax.fori_loop(0, NCHA // KBUF, outer, 0)
    plsc.subcore_barrier()

    pltpu.sync_copy(agg_sh.at[pl.ds(s * RPT, RPT)],
                    out_agg.at[pl.ds(s * RPT, RPT), pl.ds(c * HALF, HALF)])

    @pl.when(s == NS - 1)
    def _():
        pltpu.sync_copy(agg_sh.at[pl.ds(NS * RPT, TAIL)],
                        out_agg.at[pl.ds(NS * RPT, TAIL), pl.ds(c * HALF, HALF)])

    @pl.when(c == 0)
    def _():
        pltpu.sync_copy(deg, out_deg.at[s])


def _stage_a(x2, eidx, zeros):
    mesh = plsc.VectorSubcoreMesh(core_axis_name="c", subcore_axis_name="s")
    return pl.kernel(
        _stage_a_body,
        out_type=[jax.ShapeDtypeStruct((N, D), jnp.float32),
                  jax.ShapeDtypeStruct((NS, N), jnp.float32)],
        mesh=mesh,
        scratch_types=[
            pltpu.VMEM_SHARED((N, HALF), jnp.float32),
            pltpu.VMEM((EPS,), jnp.int32),
            pltpu.VMEM((EPS,), jnp.int32),
            pltpu.VMEM((N,), jnp.float32),
        ] + [pltpu.VMEM((CH, HALF), jnp.float32)] * KBUF
          + [pltpu.SemaphoreType.DMA] * KBUF,
        compiler_params=pltpu.CompilerParams(use_tc_tiling_on_sc=False, needs_layout_passes=False),
    )(x2, eidx, zeros)


def _stage_b_kernel(p_ref, dg_ref, wg_ref, bg_ref, w1_ref, b1_ref,
                    w2_ref, b2_ref, out_ref):
    deg = jnp.maximum(jnp.sum(dg_ref[...], axis=0), 1.0)
    mean = p_ref[...] / deg[:, None]
    xe = jnp.maximum(
        jnp.dot(mean, wg_ref[...], preferred_element_type=jnp.float32)
        + bg_ref[...], 0.0)
    h = jnp.maximum(
        jnp.dot(xe, w1_ref[...], preferred_element_type=jnp.float32)
        + b1_ref[...], 0.0)
    phi = jnp.dot(h, w2_ref[...], preferred_element_type=jnp.float32) + b2_ref[...]
    rows = xe.shape[0]
    out_ref[...] = jnp.concatenate(
        [xe[:, 0:3], phi, jnp.zeros((rows, 4), jnp.float32)], axis=1)


def _stage_b(partials, deg, wg, bg, w1, b1, w2, b2):
    return pl.pallas_call(
        _stage_b_kernel,
        grid=(1,),
        in_specs=[
            pl.BlockSpec((N, D), lambda i: (0, 0)),
            pl.BlockSpec((NS, N), lambda i: (0, 0)),
            pl.BlockSpec((D, D), lambda i: (0, 0)),
            pl.BlockSpec((1, D), lambda i: (0, 0)),
            pl.BlockSpec((D, 64), lambda i: (0, 0)),
            pl.BlockSpec((1, 64), lambda i: (0, 0)),
            pl.BlockSpec((64, 1), lambda i: (0, 0)),
            pl.BlockSpec((1, 1), lambda i: (0, 0)),
        ],
        out_specs=pl.BlockSpec((N, 8), lambda i: (0, 0)),
        out_shape=jax.ShapeDtypeStruct((N, 8), jnp.float32),
    )(partials, deg, wg, bg, w1, b1, w2, b2)


def _stage_c_body(small_hbm, eidx_hbm, out_hbm,
                  srcf, dstf, fbig,
                  ei0b, ei1b, ei2b, ei3b, ei4b,
                  ej0b, ej1b, ej2b, ej3b, ej4b,
                  gi0, gi1, gi2, gi3, gi4,
                  gj0, gj1, gj2, gj3, gj4):
    c = lax.axis_index("c")
    s = lax.axis_index("s")
    wid = c * NS + s
    eib = [ei0b, ei1b, ei2b, ei3b, ei4b]
    ejb = [ej0b, ej1b, ej2b, ej3b, ej4b]
    gi = [gi0, gi1, gi2, gi3, gi4]
    gj = [gj0, gj1, gj2, gj3, gj4]
    col = [jnp.full((16,), k, jnp.int32) for k in range(4)]

    pltpu.sync_copy(eidx_hbm.at[0, pl.ds(wid * EPT, EPT)], srcf)
    pltpu.sync_copy(eidx_hbm.at[1, pl.ds(wid * EPT, EPT)], dstf)
    for b in range(KBUF):
        pltpu.async_copy(small_hbm.at[srcf.at[pl.ds(b * CH, CH)]],
                         eib[b], gi[b])
        pltpu.async_copy(small_hbm.at[dstf.at[pl.ds(b * CH, CH)]],
                         ejb[b], gj[b])

    def outer(o, carry):
        for b in range(KBUF):
            g = o * KBUF + b
            pltpu.make_async_copy(small_hbm.at[pl.ds(0, CH)], eib[b],
                                  gi[b]).wait()
            pltpu.make_async_copy(small_hbm.at[pl.ds(0, CH)], ejb[b],
                                  gj[b]).wait()
            for v in range(CH // 16):
                r16 = lax.iota(jnp.int32, 16) + v * 16
                ei0 = plsc.load_gather(eib[b], [r16, col[0]])
                ei1 = plsc.load_gather(eib[b], [r16, col[1]])
                ei2 = plsc.load_gather(eib[b], [r16, col[2]])
                phi = plsc.load_gather(eib[b], [r16, col[3]])
                ej0 = plsc.load_gather(ejb[b], [r16, col[0]])
                ej1 = plsc.load_gather(ejb[b], [r16, col[1]])
                ej2 = plsc.load_gather(ejb[b], [r16, col[2]])
                o16 = g * CH + v * 16
                fbig[0, pl.ds(o16, 16)] = ej1 - ei1
                fbig[1, pl.ds(o16, 16)] = ej2 - ei2
                fbig[2, pl.ds(o16, 16)] = ej0 - ei0
                fbig[3, pl.ds(o16, 16)] = phi
            nxt = g + KBUF

            @pl.when(nxt < NCHUNK)
            def _():
                pltpu.async_copy(small_hbm.at[srcf.at[pl.ds(nxt * CH, CH)]],
                                 eib[b], gi[b])
                pltpu.async_copy(small_hbm.at[dstf.at[pl.ds(nxt * CH, CH)]],
                                 ejb[b], gj[b])
        return carry

    lax.fori_loop(0, NCHUNK // KBUF, outer, 0)
    for r in range(4):
        pltpu.sync_copy(fbig.at[r], out_hbm.at[r, pl.ds(wid * EPT, EPT)])


def _stage_c(small, eidx):
    mesh = plsc.VectorSubcoreMesh(core_axis_name="c", subcore_axis_name="s")
    return pl.kernel(
        _stage_c_body,
        out_type=jax.ShapeDtypeStruct((4, E), jnp.float32),
        mesh=mesh,
        scratch_types=[
            pltpu.VMEM((EPT,), jnp.int32),
            pltpu.VMEM((EPT,), jnp.int32),
            pltpu.VMEM((4, EPT), jnp.float32),
        ] + [pltpu.VMEM((CH, 8), jnp.float32)] * (2 * KBUF)
          + [pltpu.SemaphoreType.DMA] * (2 * KBUF),
        compiler_params=pltpu.CompilerParams(use_tc_tiling_on_sc=False, needs_layout_passes=False),
    )(small, eidx)


def _stage_d_kernel(f_ref, w1t_ref, b1_ref, w2t_ref, b2_ref, out_ref):
    f = f_ref[...]
    dx = f[0:1, :]
    dy = f[1:2, :]
    dt = f[2:3, :]
    phi = f[3:4, :]
    dx2 = dx * dx + dy * dy
    ds2 = dx2 - phi * (dt * dt)
    sp = jnp.sqrt(dx2)
    itl = jnp.where(ds2 < 0, 1.0, 0.0).astype(jnp.float32)
    zz = jnp.zeros_like(dx)
    feats = jnp.concatenate([dx, dy, dt, ds2, sp, itl, zz, zz], axis=0)
    h = jnp.maximum(
        jnp.dot(w1t_ref[...], feats, preferred_element_type=jnp.float32)
        + b1_ref[...], 0.0)
    o = jnp.dot(w2t_ref[...], h, preferred_element_type=jnp.float32) + b2_ref[...]
    out_ref[...] = jax.nn.sigmoid(o)


DBLK = 32000


def _stage_d(feat, w1t, b1c, w2t, b2):
    return pl.pallas_call(
        _stage_d_kernel,
        grid=(E // DBLK,),
        in_specs=[
            pl.BlockSpec((4, DBLK), lambda i: (0, i)),
            pl.BlockSpec((32, 8), lambda i: (0, 0)),
            pl.BlockSpec((32, 1), lambda i: (0, 0)),
            pl.BlockSpec((1, 32), lambda i: (0, 0)),
            pl.BlockSpec((1, 1), lambda i: (0, 0)),
        ],
        out_specs=pl.BlockSpec((1, DBLK), lambda i: (0, i)),
        out_shape=jax.ShapeDtypeStruct((1, E), jnp.float32),
    )(feat, w1t, b1c, w2t, b2)


def kernel(x, edge_index, W_gnn, b_gnn, W_phi1, b_phi1, W_phi2, b_phi2,
           W_ep1, b_ep1, W_ep2, b_ep2):
    x2 = x.reshape(2 * N, HALF)
    zeros = jnp.zeros((RPT, HALF), jnp.float32)

    agg, deg = _stage_a(x2, edge_index, zeros)
    small = _stage_b(agg, deg, W_gnn, b_gnn.reshape(1, D),
                     W_phi1, b_phi1.reshape(1, 64), W_phi2,
                     b_phi2.reshape(1, 1))
    feat = _stage_c(small, edge_index)

    w1t = jnp.concatenate([W_ep1, jnp.zeros((2, 32), jnp.float32)], axis=0).T
    probs = _stage_d(feat, w1t, b_ep1.reshape(32, 1),
                     W_ep2.T, b_ep2.reshape(1, 1))
    return probs.reshape(E)

# --- scband reference (transcript-rebuilt; emitter-appended) ---
"""Pipeline reference for scband-gravity-causal-wrapper-89464168775877 (READ-ONLY COPY).

The authoritative reference and input builder live on the scoring server;
editing this copy changes nothing except your own understanding.
"""

import jax, jax.numpy as jnp
import numpy as np

N = 10000
D = 128
E = 320000
PHI_H = 64
EP_H = 32


def setup_inputs(seed: int = 0) -> dict:
    key = jax.random.key(seed)
    ks = jax.random.split(key, 12)
    x = jax.random.normal(ks[0], (N, D), dtype=jnp.float32)
    edge_index = jax.random.randint(ks[1], (2, E), 0, N, dtype=jnp.int32)
    W_gnn = jax.random.normal(ks[2], (D, D), dtype=jnp.float32) * (1.0 / np.sqrt(D))
    b_gnn = jnp.zeros((D,), dtype=jnp.float32)
    W_phi1 = jax.random.normal(ks[3], (D, PHI_H), dtype=jnp.float32) * (1.0 / np.sqrt(D))
    b_phi1 = jnp.zeros((PHI_H,), dtype=jnp.float32)
    W_phi2 = jax.random.normal(ks[4], (PHI_H, 1), dtype=jnp.float32) * (1.0 / np.sqrt(PHI_H))
    b_phi2 = jnp.zeros((1,), dtype=jnp.float32)
    W_ep1 = jax.random.normal(ks[5], (6, EP_H), dtype=jnp.float32) * (1.0 / np.sqrt(6))
    b_ep1 = jnp.zeros((EP_H,), dtype=jnp.float32)
    W_ep2 = jax.random.normal(ks[6], (EP_H, 1), dtype=jnp.float32) * (1.0 / np.sqrt(EP_H))
    b_ep2 = jnp.zeros((1,), dtype=jnp.float32)
    return {"x": x, "edge_index": edge_index, "W_gnn": W_gnn, "b_gnn": b_gnn,
            "W_phi1": W_phi1, "b_phi1": b_phi1, "W_phi2": W_phi2, "b_phi2": b_phi2,
            "W_ep1": W_ep1, "b_ep1": b_ep1, "W_ep2": W_ep2, "b_ep2": b_ep2}


def reference(x, edge_index, W_gnn, b_gnn, W_phi1, b_phi1, W_phi2, b_phi2,
              W_ep1, b_ep1, W_ep2, b_ep2):
    src = edge_index[0]
    dst = edge_index[1]
    # gnn_model: mean-aggregation GCN layer -> linear -> relu
    agg = jax.ops.segment_sum(x[src], dst, num_segments=N)
    deg = jax.ops.segment_sum(jnp.ones((E,), jnp.float32), dst, num_segments=N)
    deg = jnp.clip(deg, 1.0, None)
    x_emb = jax.nn.relu((agg / deg[:, None]) @ W_gnn + b_gnn)
    # vectorized form of the per-edge python loop in the torch module
    ei = x_emb[src]
    ej = x_emb[dst]
    delta = ej - ei
    dt = delta[:, 0]
    dx = delta[:, 1]
    dy = delta[:, 2]
    dx2 = dx ** 2 + dy ** 2
    dt2 = dt ** 2
    # phi_model: MLP d -> 64 -> 1, scalar per source node embedding
    phi_i = (jax.nn.relu(ei @ W_phi1 + b_phi1) @ W_phi2 + b_phi2)[:, 0]
    ds2 = -phi_i * dt2 + dx2
    spatial_dist = jnp.sqrt(dx2)
    is_timelike = (ds2 < 0).astype(jnp.float32)
    edge_features = jnp.stack([dx, dy, dt, ds2, spatial_dist, is_timelike], axis=1)
    # edge_predictor: MLP 6 -> 32 -> 1 with sigmoid -> prob per edge
    h = jax.nn.relu(edge_features @ W_ep1 + b_ep1)
    edge_probs = jax.nn.sigmoid(h @ W_ep2 + b_ep2)[:, 0]
    return edge_probs

if __name__ == "__main__":
    import jax
    _d = setup_inputs()
    print(jax.jit(kernel)(*tuple(_d.values())))

</pallas_src>

<mosaic_0001>
#map = affine_map<(d0, d1) -> (0, 0)>
module attributes {stable_mosaic.version = 14 : i64} {
  func.func @_stage_c_body(%arg0: i32, %arg1: i32, %arg2: memref<10000x8xf32, #tpu.memory_space<hbm>>, %arg3: memref<2x320000xi32, #tpu.memory_space<hbm>>, %arg4: memref<4x320000xf32, #tpu.memory_space<hbm>>, %arg5: memref<10000xi32, #tpu.memory_space<vmem>>, %arg6: memref<10000xi32, #tpu.memory_space<vmem>>, %arg7: memref<4x10000xf32, #tpu.memory_space<vmem>>, %arg8: memref<80x8xf32, #tpu.memory_space<vmem>>, %arg9: memref<80x8xf32, #tpu.memory_space<vmem>>, %arg10: memref<80x8xf32, #tpu.memory_space<vmem>>, %arg11: memref<80x8xf32, #tpu.memory_space<vmem>>, %arg12: memref<80x8xf32, #tpu.memory_space<vmem>>, %arg13: memref<80x8xf32, #tpu.memory_space<vmem>>, %arg14: memref<80x8xf32, #tpu.memory_space<vmem>>, %arg15: memref<80x8xf32, #tpu.memory_space<vmem>>, %arg16: memref<80x8xf32, #tpu.memory_space<vmem>>, %arg17: memref<80x8xf32, #tpu.memory_space<vmem>>, %arg18: memref<!tpu.dma_semaphore, #tpu.memory_space<semaphore_mem>>, %arg19: memref<!tpu.dma_semaphore, #tpu.memory_space<semaphore_mem>>, %arg20: memref<!tpu.dma_semaphore, #tpu.memory_space<semaphore_mem>>, %arg21: memref<!tpu.dma_semaphore, #tpu.memory_space<semaphore_mem>>, %arg22: memref<!tpu.dma_semaphore, #tpu.memory_space<semaphore_mem>>, %arg23: memref<!tpu.dma_semaphore, #tpu.memory_space<semaphore_mem>>, %arg24: memref<!tpu.dma_semaphore, #tpu.memory_space<semaphore_mem>>, %arg25: memref<!tpu.dma_semaphore, #tpu.memory_space<semaphore_mem>>, %arg26: memref<!tpu.dma_semaphore, #tpu.memory_space<semaphore_mem>>, %arg27: memref<!tpu.dma_semaphore, #tpu.memory_space<semaphore_mem>>) attributes {dimension_semantics = [#tpu.dimension_semantics<core_parallel>, #tpu.dimension_semantics<subcore_parallel>], iteration_bounds = array<i64: 2, 16>, scalar_prefetch = 0 : i64, scratch_operands = 23 : i64, tpu.core_type = #tpu.core_type<sc_vector_subcore>, window_params = [{transform_indices = #map}, {transform_indices = #map}, {transform_indices = #map}]} {
    %mul3A = arith.constant 16 : i32
    %mul3A_0 = arith.muli %arg0, %mul3A : i32
    %add3A = arith.addi %mul3A_0, %arg1 : i32
    %broadcast_in_dim3A = arith.constant 0 : i32
    %broadcast_in_dim3A_1 = vector.broadcast %broadcast_in_dim3A : i32 to vector<16xi32>
    %broadcast_in_dim3A_2 = arith.constant 1 : i32
    %broadcast_in_dim3A_3 = vector.broadcast %broadcast_in_dim3A_2 : i32 to vector<16xi32>
    %broadcast_in_dim3A_4 = arith.constant 2 : i32
    %broadcast_in_dim3A_5 = vector.broadcast %broadcast_in_dim3A_4 : i32 to vector<16xi32>
    %broadcast_in_dim3A_6 = arith.constant 3 : i32
    %broadcast_in_dim3A_7 = vector.broadcast %broadcast_in_dim3A_6 : i32 to vector<16xi32>
    %mul3A_8 = arith.constant 10000 : i32
    %mul3A_9 = arith.muli %add3A, %mul3A_8 : i32
    %run_scoped3A = arith.constant 0 : i32
    "tpu.region"() ({
      %run_scoped3A_83 = tpu.sem_alloc : memref<!tpu.dma_semaphore, #tpu.memory_space<semaphore_mem>>
      %dma_start3A_84 = tpu.memref_slice %arg3[%run_scoped3A, %mul3A_9] : memref<2x320000xi32, #tpu.memory_space<hbm>> -> memref<1x10000xi32, #tpu.memory_space<hbm>>
      %dma_start3A_85 = tpu.memref_squeeze %dma_start3A_84 : memref<1x10000xi32, #tpu.memory_space<hbm>> -> memref<10000xi32, #tpu.memory_space<hbm>>
      %dma_start3A_86 = tpu.memref_slice %arg3[%run_scoped3A, %mul3A_9] : memref<2x320000xi32, #tpu.memory_space<hbm>> -> memref<1x10000xi32, #tpu.memory_space<hbm>>
      %dma_start3A_87 = tpu.memref_squeeze %dma_start3A_86 : memref<1x10000xi32, #tpu.memory_space<hbm>> -> memref<10000xi32, #tpu.memory_space<hbm>>
      tpu.enqueue_dma source(%dma_start3A_87 : memref<10000xi32, #tpu.memory_space<hbm>>) target(%arg5 : memref<10000xi32, #tpu.memory_space<vmem>>) target_semaphore(%run_scoped3A_83 : memref<!tpu.dma_semaphore, #tpu.memory_space<semaphore_mem>>)
      %dma_wait3A = tpu.memref_slice %arg3[%run_scoped3A, %mul3A_9] : memref<2x320000xi32, #tpu.memory_space<hbm>> -> memref<1x10000xi32, #tpu.memory_space<hbm>>
      %dma_wait3A_88 = tpu.memref_squeeze %dma_wait3A : memref<1x10000xi32, #tpu.memory_space<hbm>> -> memref<10000xi32, #tpu.memory_space<hbm>>
      %dma_wait3A_89 = tpu.memref_slice %arg3[%run_scoped3A, %mul3A_9] : memref<2x320000xi32, #tpu.memory_space<hbm>> -> memref<1x10000xi32, #tpu.memory_space<hbm>>
      %dma_wait3A_90 = tpu.memref_squeeze %dma_wait3A_89 : memref<1x10000xi32, #tpu.memory_space<hbm>> -> memref<10000xi32, #tpu.memory_space<hbm>>
      tpu.wait_dma2 semaphore(%run_scoped3A_83 : memref<!tpu.dma_semaphore, #tpu.memory_space<semaphore_mem>>) src(%dma_wait3A_90 : memref<10000xi32, #tpu.memory_space<hbm>>) dst(%arg5 : memref<10000xi32, #tpu.memory_space<vmem>>)
      tpu.yield
    }) : () -> ()
    %mul3A_10 = arith.constant 10000 : i32
    %mul3A_11 = arith.muli %add3A, %mul3A_10 : i32
    %run_scoped3A_12 = arith.constant 1 : i32
    "tpu.region"() ({
      %run_scoped3A_83 = tpu.sem_alloc : memref<!tpu.dma_semaphore, #tpu.memory_space<semaphore_mem>>
      %dma_start3A_84 = tpu.memref_slice %arg3[%run_scoped3A_12, %mul3A_11] : memref<2x320000xi32, #tpu.memory_space<hbm>> -> memref<1x10000xi32, #tpu.memory_space<hbm>>
      %dma_start3A_85 = tpu.memref_squeeze %dma_start3A_84 : memref<1x10000xi32, #tpu.memory_space<hbm>> -> memref<10000xi32, #tpu.memory_space<hbm>>
      %dma_start3A_86 = tpu.memref_slice %arg3[%run_scoped3A_12, %mul3A_11] : memref<2x320000xi32, #tpu.memory_space<hbm>> -> memref<1x10000xi32, #tpu.memory_space<hbm>>
      %dma_start3A_87 = tpu.memref_squeeze %dma_start3A_86 : memref<1x10000xi32, #tpu.memory_space<hbm>> -> memref<10000xi32, #tpu.memory_space<hbm>>
      tpu.enqueue_dma source(%dma_start3A_87 : memref<10000xi32, #tpu.memory_space<hbm>>) target(%arg6 : memref<10000xi32, #tpu.memory_space<vmem>>) target_semaphore(%run_scoped3A_83 : memref<!tpu.dma_semaphore, #tpu.memory_space<semaphore_mem>>)
      %dma_wait3A = tpu.memref_slice %arg3[%run_scoped3A_12, %mul3A_11] : memref<2x320000xi32, #tpu.memory_space<hbm>> -> memref<1x10000xi32, #tpu.memory_space<hbm>>
      %dma_wait3A_88 = tpu.memref_squeeze %dma_wait3A : memref<1x10000xi32, #tpu.memory_space<hbm>> -> memref<10000xi32, #tpu.memory_space<hbm>>
      %dma_wait3A_89 = tpu.memref_slice %arg3[%run_scoped3A_12, %mul3A_11] : memref<2x320000xi32, #tpu.memory_space<hbm>> -> memref<1x10000xi32, #tpu.memory_space<hbm>>
      %dma_wait3A_90 = tpu.memref_squeeze %dma_wait3A_89 : memref<1x10000xi32, #tpu.memory_space<hbm>> -> memref<10000xi32, #tpu.memory_space<hbm>>
      tpu.wait_dma2 semaphore(%run_scoped3A_83 : memref<!tpu.dma_semaphore, #tpu.memory_space<semaphore_mem>>) src(%dma_wait3A_90 : memref<10000xi32, #tpu.memory_space<hbm>>) dst(%arg6 : memref<10000xi32, #tpu.memory_space<vmem>>)
      tpu.yield
    }) : () -> ()
    %dma_start3A = arith.constant 0 : i32
    %dma_start3A_13 = tpu.memref_slice %arg5[%dma_start3A] : memref<10000xi32, #tpu.memory_space<vmem>> -> memref<80xi32, #tpu.memory_space<vmem>>
    %dma_start3A_14 = arith.constant 0 : i32
    %dma_start3A_15 = arith.constant 0 : i32
    %dma_start3A_16 = tpu.memref_slice %arg2[%dma_start3A_14, %dma_start3A_15] : memref<10000x8xf32, #tpu.memory_space<hbm>> -> memref<10000x8xf32, #tpu.memory_space<hbm>>
    tpu.enqueue_indirect_dma source(%dma_start3A_16 : memref<10000x8xf32, #tpu.memory_space<hbm>>) target(%arg8 : memref<80x8xf32, #tpu.memory_space<vmem>>) offsets(%dma_start3A_13 : memref<80xi32, #tpu.memory_space<vmem>>) semaphore(%arg18 : memref<!tpu.dma_semaphore, #tpu.memory_space<semaphore_mem>>)
    %dma_start3A_17 = arith.constant 0 : i32
    %dma_start3A_18 = tpu.memref_slice %arg6[%dma_start3A_17] : memref<10000xi32, #tpu.memory_space<vmem>> -> memref<80xi32, #tpu.memory_space<vmem>>
    %dma_start3A_19 = arith.constant 0 : i32
    %dma_start3A_20 = arith.constant 0 : i32
    %dma_start3A_21 = tpu.memref_slice %arg2[%dma_start3A_19, %dma_start3A_20] : memref<10000x8xf32, #tpu.memory_space<hbm>> -> memref<10000x8xf32, #tpu.memory_space<hbm>>
    tpu.enqueue_indirect_dma source(%dma_start3A_21 : memref<10000x8xf32, #tpu.memory_space<hbm>>) target(%arg13 : memref<80x8xf32, #tpu.memory_space<vmem>>) offsets(%dma_start3A_18 : memref<80xi32, #tpu.memory_space<vmem>>) semaphore(%arg23 : memref<!tpu.dma_semaphore, #tpu.memory_space<semaphore_mem>>)
    %dma_start3A_22 = arith.constant 80 : i32
    %dma_start3A_23 = tpu.memref_slice %arg5[%dma_start3A_22] : memref<10000xi32, #tpu.memory_space<vmem>> -> memref<80xi32, #tpu.memory_space<vmem>>
    %dma_start3A_24 = arith.constant 0 : i32
    %dma_start3A_25 = arith.constant 0 : i32
    %dma_start3A_26 = tpu.memref_slice %arg2[%dma_start3A_24, %dma_start3A_25] : memref<10000x8xf32, #tpu.memory_space<hbm>> -> memref<10000x8xf32, #tpu.memory_space<hbm>>
    tpu.enqueue_indirect_dma source(%dma_start3A_26 : memref<10000x8xf32, #tpu.memory_space<hbm>>) target(%arg9 : memref<80x8xf32, #tpu.memory_space<vmem>>) offsets(%dma_start3A_23 : memref<80xi32, #tpu.memory_space<vmem>>) semaphore(%arg19 : memref<!tpu.dma_semaphore, #tpu.memory_space<semaphore_mem>>)
    %dma_start3A_27 = arith.constant 80 : i32
    %dma_start3A_28 = tpu.memref_slice %arg6[%dma_start3A_27] : memref<10000xi32, #tpu.memory_space<vmem>> -> memref<80xi32, #tpu.memory_space<vmem>>
    %dma_start3A_29 = arith.constant 0 : i32
    %dma_start3A_30 = arith.constant 0 : i32
    %dma_start3A_31 = tpu.memref_slice %arg2[%dma_start3A_29, %dma_start3A_30] : memref<10000x8xf32, #tpu.memory_space<hbm>> -> memref<10000x8xf32, #tpu.memory_space<hbm>>
    tpu.enqueue_indirect_dma source(%dma_start3A_31 : memref<10000x8xf32, #tpu.memory_space<hbm>>) target(%arg14 : memref<80x8xf32, #tpu.memory_space<vmem>>) offsets(%dma_start3A_28 : memref<80xi32, #tpu.memory_space<vmem>>) semaphore(%arg24 : memref<!tpu.dma_semaphore, #tpu.memory_space<semaphore_mem>>)
    %dma_start3A_32 = arith.constant 160 : i32
    %dma_start3A_33 = tpu.memref_slice %arg5[%dma_start3A_32] : memref<10000xi32, #tpu.memory_space<vmem>> -> memref<80xi32, #tpu.memory_space<vmem>>
    %dma_start3A_34 = arith.constant 0 : i32
    %dma_start3A_35 = arith.constant 0 : i32
    %dma_start3A_36 = tpu.memref_slice %arg2[%dma_start3A_34, %dma_start3A_35] : memref<10000x8xf32, #tpu.memory_space<hbm>> -> memref<10000x8xf32, #tpu.memory_space<hbm>>
    tpu.enqueue_indirect_dma source(%dma_start3A_36 : memref<10000x8xf32, #tpu.memory_space<hbm>>) target(%arg10 : memref<80x8xf32, #tpu.memory_space<vmem>>) offsets(%dma_start3A_33 : memref<80xi32, #tpu.memory_space<vmem>>) semaphore(%arg20 : memref<!tpu.dma_semaphore, #tpu.memory_space<semaphore_mem>>)
    %dma_start3A_37 = arith.constant 160 : i32
    %dma_start3A_38 = tpu.memref_slice %arg6[%dma_start3A_37] : memref<10000xi32, #tpu.memory_space<vmem>> -> memref<80xi32, #tpu.memory_space<vmem>>
    %dma_start3A_39 = arith.constant 0 : i32
    %dma_start3A_40 = arith.constant 0 : i32
    %dma_start3A_41 = tpu.memref_slice %arg2[%dma_start3A_39, %dma_start3A_40] : memref<10000x8xf32, #tpu.memory_space<hbm>> -> memref<10000x8xf32, #tpu.memory_space<hbm>>
    tpu.enqueue_indirect_dma source(%dma_start3A_41 : memref<10000x8xf32, #tpu.memory_space<hbm>>) target(%arg15 : memref<80x8xf32, #tpu.memory_space<vmem>>) offsets(%dma_start3A_38 : memref<80xi32, #tpu.memory_space<vmem>>) semaphore(%arg25 : memref<!tpu.dma_semaphore, #tpu.memory_space<semaphore_mem>>)
    %dma_start3A_42 = arith.constant 240 : i32
    %dma_start3A_43 = tpu.memref_slice %arg5[%dma_start3A_42] : memref<10000xi32, #tpu.memory_space<vmem>> -> memref<80xi32, #tpu.memory_space<vmem>>
    %dma_start3A_44 = arith.constant 0 : i32
    %dma_start3A_45 = arith.constant 0 : i32
    %dma_start3A_46 = tpu.memref_slice %arg2[%dma_start3A_44, %dma_start3A_45] : memref<10000x8xf32, #tpu.memory_space<hbm>> -> memref<10000x8xf32, #tpu.memory_space<hbm>>
    tpu.enqueue_indirect_dma source(%dma_start3A_46 : memref<10000x8xf32, #tpu.memory_space<hbm>>) target(%arg11 : memref<80x8xf32, #tpu.memory_space<vmem>>) offsets(%dma_start3A_43 : memref<80xi32, #tpu.memory_space<vmem>>) semaphore(%arg21 : memref<!tpu.dma_semaphore, #tpu.memory_space<semaphore_mem>>)
    %dma_start3A_47 = arith.constant 240 : i32
    %dma_start3A_48 = tpu.memref_slice %arg6[%dma_start3A_47] : memref<10000xi32, #tpu.memory_space<vmem>> -> memref<80xi32, #tpu.memory_space<vmem>>
    %dma_start3A_49 = arith.constant 0 : i32
    %dma_start3A_50 = arith.constant 0 : i32
    %dma_start3A_51 = tpu.memref_slice %arg2[%dma_start3A_49, %dma_start3A_50] : memref<10000x8xf32, #tpu.memory_space<hbm>> -> memref<10000x8xf32, #tpu.memory_space<hbm>>
    tpu.enqueue_indirect_dma source(%dma_start3A_51 : memref<10000x8xf32, #tpu.memory_space<hbm>>) target(%arg16 : memref<80x8xf32, #tpu.memory_space<vmem>>) offsets(%dma_start3A_48 : memref<80xi32, #tpu.memory_space<vmem>>) semaphore(%arg26 : memref<!tpu.dma_semaphore, #tpu.memory_space<semaphore_mem>>)
    %dma_start3A_52 = arith.constant 320 : i32
    %dma_start3A_53 = tpu.memref_slice %arg5[%dma_start3A_52] : memref<10000xi32, #tpu.memory_space<vmem>> -> memref<80xi32, #tpu.memory_space<vmem>>
    %dma_start3A_54 = arith.constant 0 : i32
    %dma_start3A_55 = arith.constant 0 : i32
    %dma_start3A_56 = tpu.memref_slice %arg2[%dma_start3A_54, %dma_start3A_55] : memref<10000x8xf32, #tpu.memory_space<hbm>> -> memref<10000x8xf32, #tpu.memory_space<hbm>>
    tpu.enqueue_indirect_dma source(%dma_start3A_56 : memref<10000x8xf32, #tpu.memory_space<hbm>>) target(%arg12 : memref<80x8xf32, #tpu.memory_space<vmem>>) offsets(%dma_start3A_53 : memref<80xi32, #tpu.memory_space<vmem>>) semaphore(%arg22 : memref<!tpu.dma_semaphore, #tpu.memory_space<semaphore_mem>>)
    %dma_start3A_57 = arith.constant 320 : i32
    %dma_start3A_58 = tpu.memref_slice %arg6[%dma_start3A_57] : memref<10000xi32, #tpu.memory_space<vmem>> -> memref<80xi32, #tpu.memory_space<vmem>>
    %dma_start3A_59 = arith.constant 0 : i32
    %dma_start3A_60 = arith.constant 0 : i32
    %dma_start3A_61 = tpu.memref_slice %arg2[%dma_start3A_59, %dma_start3A_60] : memref<10000x8xf32, #tpu.memory_space<hbm>> -> memref<10000x8xf32, #tpu.memory_space<hbm>>
    tpu.enqueue_indirect_dma source(%dma_start3A_61 : memref<10000x8xf32, #tpu.memory_space<hbm>>) target(%arg17 : memref<80x8xf32, #tpu.memory_space<vmem>>) offsets(%dma_start3A_58 : memref<80xi32, #tpu.memory_space<vmem>>) semaphore(%arg27 : memref<!tpu.dma_semaphore, #tpu.memory_space<semaphore_mem>>)
    %scan3A = arith.constant 0 : i32
    %scan3A_62 = arith.constant 0 : i32
    %scan3A_63 = arith.constant 25 : i32
    %scan3A_64 = arith.addi %scan3A_62, %scan3A_63 : i32
    %scan3A_65 = arith.constant 1 : i32
    scf.for %scan3A_83 = %scan3A_62 to %scan3A_64 step %scan3A_65  : i32 {
      %mul3A_84 = arith.constant 5 : i32
      %mul3A_85 = arith.muli %scan3A_83, %mul3A_84 : i32
      %add3A_86 = arith.constant 0 : i32
      %add3A_87 = arith.addi %mul3A_85, %add3A_86 : i32
      %dma_wait3A = arith.constant 0 : i32
      %dma_wait3A_88 = arith.constant 0 : i32
      %dma_wait3A_89 = tpu.memref_slice %arg2[%dma_wait3A, %dma_wait3A_88] : memref<10000x8xf32, #tpu.memory_space<hbm>> -> memref<80x8xf32, #tpu.memory_space<hbm>>
      %dma_wait3A_90 = arith.constant 0 : i32
      %dma_wait3A_91 = arith.constant 0 : i32
      %dma_wait3A_92 = tpu.memref_slice %arg2[%dma_wait3A_90, %dma_wait3A_91] : memref<10000x8xf32, #tpu.memory_space<hbm>> -> memref<80x8xf32, #tpu.memory_space<hbm>>
      tpu.wait_dma2 semaphore(%arg18 : memref<!tpu.dma_semaphore, #tpu.memory_space<semaphore_mem>>) src(%dma_wait3A_92 : memref<80x8xf32, #tpu.memory_space<hbm>>) dst(%arg8 : memref<80x8xf32, #tpu.memory_space<vmem>>)
      %dma_wait3A_93 = arith.constant 0 : i32
      %dma_wait3A_94 = arith.constant 0 : i32
      %dma_wait3A_95 = tpu.memref_slice %arg2[%dma_wait3A_93, %dma_wait3A_94] : memref<10000x8xf32, #tpu.memory_space<hbm>> -> memref<80x8xf32, #tpu.memory_space<hbm>>
      %dma_wait3A_96 = arith.constant 0 : i32
      %dma_wait3A_97 = arith.constant 0 : i32
      %dma_wait3A_98 = tpu.memref_slice %arg2[%dma_wait3A_96, %dma_wait3A_97] : memref<10000x8xf32, #tpu.memory_space<hbm>> -> memref<80x8xf32, #tpu.memory_space<hbm>>
      tpu.wait_dma2 semaphore(%arg23 : memref<!tpu.dma_semaphore, #tpu.memory_space<semaphore_mem>>) src(%dma_wait3A_98 : memref<80x8xf32, #tpu.memory_space<hbm>>) dst(%arg13 : memref<80x8xf32, #tpu.memory_space<vmem>>)
      %iota3A = tpu.iota {dimensions = array<i32: 0>} : vector<16xi32>
      %add3A_99 = arith.constant 0 : i32
      %add3A_100 = vector.broadcast %add3A_99 : i32 to vector<16xi32>
      %add3A_101 = arith.addi %iota3A, %add3A_100 : vector<16xi32>
      %gather3A = tpu.vector_load_idx %arg8[%add3A_101, %broadcast_in_dim3A_1] : memref<80x8xf32, #tpu.memory_space<vmem>>[vector<16xi32>, vector<16xi32>], vector<16xf32>,
      %gather3A_102 = tpu.vector_load_idx %arg8[%add3A_101, %broadcast_in_dim3A_3] : memref<80x8xf32, #tpu.memory_space<vmem>>[vector<16xi32>, vector<16xi32>], vector<16xf32>,
      %gather3A_103 = tpu.vector_load_idx %arg8[%add3A_101, %broadcast_in_dim3A_5] : memref<80x8xf32, #tpu.memory_space<vmem>>[vector<16xi32>, vector<16xi32>], vector<16xf32>,
      %gather3A_104 = tpu.vector_load_idx %arg8[%add3A_101, %broadcast_in_dim3A_7] : memref<80x8xf32, #tpu.memory_space<vmem>>[vector<16xi32>, vector<16xi32>], vector<16xf32>,
      %gather3A_105 = tpu.vector_load_idx %arg13[%add3A_101, %broadcast_in_dim3A_1] : memref<80x8xf32, #tpu.memory_space<vmem>>[vector<16xi32>, vector<16xi32>], vector<16xf32>,
      %gather3A_106 = tpu.vector_load_idx %arg13[%add3A_101, %broadcast_in_dim3A_3] : memref<80x8xf32, #tpu.memory_space<vmem>>[vector<16xi32>, vector<16xi32>], vector<16xf32>,
      %gather3A_107 = tpu.vector_load_idx %arg13[%add3A_101, %broadcast_in_dim3A_5] : memref<80x8xf32, #tpu.memory_space<vmem>>[vector<16xi32>, vector<16xi32>], vector<16xf32>,
      %mul3A_108 = arith.constant 80 : i32
      %mul3A_109 = arith.muli %add3A_87, %mul3A_108 : i32
      %add3A_110 = arith.constant 0 : i32
      %add3A_111 = arith.addi %mul3A_109, %add3A_110 : i32
      %sub3A = arith.subf %gather3A_106, %gather3A_102 : vector<16xf32>
      %swap3A = arith.constant 0 : i32
      %swap3A_112 = arith.index_cast %swap3A : i32 to index
      %swap3A_113 = arith.index_cast %add3A_111 : i32 to index
      %swap3A_114 = tpu.vector_load %arg7[%swap3A_112, %swap3A_113] {strides = array<i32>} : memref<4x10000xf32, #tpu.memory_space<vmem>>, vector<16xf32>,
      tpu.vector_store %arg7[%swap3A_112, %swap3A_113], %sub3A {strides = array<i32>} : memref<4x10000xf32, #tpu.memory_space<vmem>>, vector<16xf32>,
      %sub3A_115 = arith.subf %gather3A_107, %gather3A_103 : vector<16xf32>
      %swap3A_116 = arith.constant 1 : i32
      %swap3A_117 = arith.index_cast %swap3A_116 : i32 to index
      %swap3A_118 = arith.index_cast %add3A_111 : i32 to index
      %swap3A_119 = tpu.vector_load %arg7[%swap3A_117, %swap3A_118] {strides = array<i32>} : memref<4x10000xf32, #tpu.memory_space<vmem>>, vector<16xf32>,
      tpu.vector_store %arg7[%swap3A_117, %swap3A_118], %sub3A_115 {strides = array<i32>} : memref<4x10000xf32, #tpu.memory_space<vmem>>, vector<16xf32>,
      %sub3A_120 = arith.subf %gather3A_105, %gather3A : vector<16xf32>
      %swap3A_121 = arith.constant 2 : i32
      %swap3A_122 = arith.index_cast %swap3A_121 : i32 to index
      %swap3A_123 = arith.index_cast %add3A_111 : i32 to index
      %swap3A_124 = tpu.vector_load %arg7[%swap3A_122, %swap3A_123] {strides = array<i32>} : memref<4x10000xf32, #tpu.memory_space<vmem>>, vector<16xf32>,
      tpu.vector_store %arg7[%swap3A_122, %swap3A_123], %sub3A_120 {strides = array<i32>} : memref<4x10000xf32, #tpu.memory_space<vmem>>, vector<16xf32>,
      %swap3A_125 = arith.constant 3 : i32
      %swap3A_126 = arith.index_cast %swap3A_125 : i32 to index
      %swap3A_127 = arith.index_cast %add3A_111 : i32 to index
      %swap3A_128 = tpu.vector_load %arg7[%swap3A_126, %swap3A_127] {strides = array<i32>} : memref<4x10000xf32, #tpu.memory_space<vmem>>, vector<16xf32>,
      tpu.vector_store %arg7[%swap3A_126, %swap3A_127], %gather3A_104 {strides = array<i32>} : memref<4x10000xf32, #tpu.memory_space<vmem>>, vector<16xf32>,
      %iota3A_129 = tpu.iota {dimensions = array<i32: 0>} : vector<16xi32>
      %add3A_130 = arith.constant 16 : i32
      %add3A_131 = vector.broadcast %add3A_130 : i32 to vector<16xi32>
      %add3A_132 = arith.addi %iota3A_129, %add3A_131 : vector<16xi32>
      %gather3A_133 = tpu.vector_load_idx %arg8[%add3A_132, %broadcast_in_dim3A_1] : memref<80x8xf32, #tpu.memory_space<vmem>>[vector<16xi32>, vector<16xi32>], vector<16xf32>,
      %gather3A_134 = tpu.vector_load_idx %arg8[%add3A_132, %broadcast_in_dim3A_3] : memref<80x8xf32, #tpu.memory_space<vmem>>[vector<16xi32>, vector<16xi32>], vector<16xf32>,
      %gather3A_135 = tpu.vector_load_idx %arg8[%add3A_132, %broadcast_in_dim3A_5] : memref<80x8xf32, #tpu.memory_space<vmem>>[vector<16xi32>, vector<16xi32>], vector<16xf32>,
      %gather3A_136 = tpu.vector_load_idx %arg8[%add3A_132, %broadcast_in_dim3A_7] : memref<80x8xf32, #tpu.memory_space<vmem>>[vector<16xi32>, vector<16xi32>], vector<16xf32>,
      %gather3A_137 = tpu.vector_load_idx %arg13[%add3A_132, %broadcast_in_dim3A_1] : memref<80x8xf32, #tpu.memory_space<vmem>>[vector<16xi32>, vector<16xi32>], vector<16xf32>,
      %gather3A_138 = tpu.vector_load_idx %arg13[%add3A_132, %broadcast_in_dim3A_3] : memref<80x8xf32, #tpu.memory_space<vmem>>[vector<16xi32>, vector<16xi32>], vector<16xf32>,
      %gather3A_139 = tpu.vector_load_idx %arg13[%add3A_132, %broadcast_in_dim3A_5] : memref<80x8xf32, #tpu.memory_space<vmem>>[vector<16xi32>, vector<16xi32>], vector<16xf32>,
      %mul3A_140 = arith.constant 80 : i32
      %mul3A_141 = arith.muli %add3A_87, %mul3A_140 : i32
      %add3A_142 = arith.constant 16 : i32
      %add3A_143 = arith.addi %mul3A_141, %add3A_142 : i32
      %sub3A_144 = arith.subf %gather3A_138, %gather3A_134 : vector<16xf32>
      %swap3A_145 = arith.constant 0 : i32
      %swap3A_146 = arith.index_cast %swap3A_145 : i32 to index
      %swap3A_147 = arith.index_cast %add3A_143 : i32 to index
      %swap3A_148 = tpu.vector_load %arg7[%swap3A_146, %swap3A_147] {strides = array<i32>} : memref<4x10000xf32, #tpu.memory_space<vmem>>, vector<16xf32>,
      tpu.vector_store %arg7[%swap3A_146, %swap3A_147], %sub3A_144 {strides = array<i32>} : memref<4x10000xf32, #tpu.memory_space<vmem>>, vector<16xf32>,
      %sub3A_149 = arith.subf %gather3A_139, %gather3A_135 : vector<16xf32>
      %swap3A_150 = arith.constant 1 : i32
      %swap3A_151 = arith.index_cast %swap3A_150 : i32 to index
      %swap3A_152 = arith.index_cast %add3A_143 : i32 to index
      %swap3A_153 = tpu.vector_load %arg7[%swap3A_151, %swap3A_152] {strides = array<i32>} : memref<4x10000xf32, #tpu.memory_space<vmem>>, vector<16xf32>,
      tpu.vector_store %arg7[%swap3A_151, %swap3A_152], %sub3A_149 {strides = array<i32>} : memref<4x10000xf32, #tpu.memory_space<vmem>>, vector<16xf32>,
      %sub3A_154 = arith.subf %gather3A_137, %gather3A_133 : vector<16xf32>
      %swap3A_155 = arith.constant 2 : i32
      %swap3A_156 = arith.index_cast %swap3A_155 : i32 to index
      %swap3A_157 = arith.index_cast %add3A_143 : i32 to index
      %swap3A_158 = tpu.vector_load %arg7[%swap3A_156, %swap3A_157] {strides = array<i32>} : memref<4x10000xf32, #tpu.memory_space<vmem>>, vector<16xf32>,
      tpu.vector_store %arg7[%swap3A_156, %swap3A_157], %sub3A_154 {strides = array<i32>} : memref<4x10000xf32, #tpu.memory_space<vmem>>, vector<16xf32>,
      %swap3A_159 = arith.constant 3 : i32
      %swap3A_160 = arith.index_cast %swap3A_159 : i32 to index
      %swap3A_161 = arith.index_cast %add3A_143 : i32 to index
      %swap3A_162 = tpu.vector_load %arg7[%swap3A_160, %swap3A_161] {strides = array<i32>} : memref<4x10000xf32, #tpu.memory_space<vmem>>, vector<16xf32>,
      tpu.vector_store %arg7[%swap3A_160, %swap3A_161], %gather3A_136 {strides = array<i32>} : memref<4x10000xf32, #tpu.memory_space<vmem>>, vector<16xf32>,
      %iota3A_163 = tpu.iota {dimensions = array<i32: 0>} : vector<16xi32>
      %add3A_164 = arith.constant 32 : i32
      %add3A_165 = vector.broadcast %add3A_164 : i32 to vector<16xi32>
      %add3A_166 = arith.addi %iota3A_163, %add3A_165 : vector<16xi32>
      %gather3A_167 = tpu.vector_load_idx %arg8[%add3A_166, %broadcast_in_dim3A_1] : memref<80x8xf32, #tpu.memory_space<vmem>>[vector<16xi32>, vector<16xi32>], vector<16xf32>,
      %gather3A_168 = tpu.vector_load_idx %arg8[%add3A_166, %broadcast_in_dim3A_3] : memref<80x8xf32, #tpu.memory_space<vmem>>[vector<16xi32>, vector<16xi32>], vector<16xf32>,
      %gather3A_169 = tpu.vector_load_idx %arg8[%add3A_166, %broadcast_in_dim3A_5] : memref<80x8xf32, #tpu.memory_space<vmem>>[vector<16xi32>, vector<16xi32>], vector<16xf32>,
      %gather3A_170 = tpu.vector_load_idx %arg8[%add3A_166, %broadcast_in_dim3A_7] : memref<80x8xf32, #tpu.memory_space<vmem>>[vector<16xi32>, vector<16xi32>], vector<16xf32>,
      %gather3A_171 = tpu.vector_load_idx %arg13[%add3A_166, %broadcast_in_dim3A_1] : memref<80x8xf32, #tpu.memory_space<vmem>>[vector<16xi32>, vector<16xi32>], vector<16xf32>,
      %gather3A_172 = tpu.vector_load_idx %arg13[%add3A_166, %broadcast_in_dim3A_3] : memref<80x8xf32, #tpu.memory_space<vmem>>[vector<16xi32>, vector<16xi32>], vector<16xf32>,
      %gather3A_173 = tpu.vector_load_idx %arg13[%add3A_166, %broadcast_in_dim3A_5] : memref<80x8xf32, #tpu.memory_space<vmem>>[vector<16xi32>, vector<16xi32>], vector<16xf32>,
      %mul3A_174 = arith.constant 80 : i32
      %mul3A_175 = arith.muli %add3A_87, %mul3A_174 : i32
      %add3A_176 = arith.constant 32 : i32
      %add3A_177 = arith.addi %mul3A_175, %add3A_176 : i32
      %sub3A_178 = arith.subf %gather3A_172, %gather3A_168 : vector<16xf32>
      %swap3A_179 = arith.constant 0 : i32
      %swap3A_180 = arith.index_cast %swap3A_179 : i32 to index
      %swap3A_181 = arith.index_cast %add3A_177 : i32 to index
      %swap3A_182 = tpu.vector_load %arg7[%swap3A_180, %swap3A_181] {strides = array<i32>} : memref<4x10000xf32, #tpu.memory_space<vmem>>, vector<16xf32>,
      tpu.vector_store %arg7[%swap3A_180, %swap3A_181], %sub3A_178 {strides = array<i32>} : memref<4x10000xf32, #tpu.memory_space<vmem>>, vector<16xf32>,
      %sub3A_183 = arith.subf %gather3A_173, %gather3A_169 : vector<16xf32>
      %swap3A_184 = arith.constant 1 : i32
      %swap3A_185 = arith.index_cast %swap3A_184 : i32 to index
      %swap3A_186 = arith.index_cast %add3A_177 : i32 to index
      %swap3A_187 = tpu.vector_load %arg7[%swap3A_185, %swap3A_186] {strides = array<i32>} : memref<4x10000xf32, #tpu.memory_space<vmem>>, vector<16xf32>,
      tpu.vector_store %arg7[%swap3A_185, %swap3A_186], %sub3A_183 {strides = array<i32>} : memref<4x10000xf32, #tpu.memory_space<vmem>>, vector<16xf32>,
      %sub3A_188 = arith.subf %gather3A_171, %gather3A_167 : vector<16xf32>
      %swap3A_189 = arith.constant 2 : i32
      %swap3A_190 = arith.index_cast %swap3A_189 : i32 to index
      %swap3A_191 = arith.index_cast %add3A_177 : i32 to index
      %swap3A_192 = tpu.vector_load %arg7[%swap3A_190, %swap3A_191] {strides = array<i32>} : memref<4x10000xf32, #tpu.memory_space<vmem>>, vector<16xf32>,
      tpu.vector_store %arg7[%swap3A_190, %swap3A_191], %sub3A_188 {strides = array<i32>} : memref<4x10000xf32, #tpu.memory_space<vmem>>, vector<16xf32>,
      %swap3A_193 = arith.constant 3 : i32
      %swap3A_194 = arith.index_cast %swap3A_193 : i32 to index
      %swap3A_195 = arith.index_cast %add3A_177 : i32 to index
      %swap3A_196 = tpu.vector_load %arg7[%swap3A_194, %swap3A_195] {strides = array<i32>} : memref<4x10000xf32, #tpu.memory_space<vmem>>, vector<16xf32>,
      tpu.vector_store %arg7[%swap3A_194, %swap3A_195], %gather3A_170 {strides = array<i32>} : memref<4x10000xf32, #tpu.memory_space<vmem>>, vector<16xf32>,
      %iota3A_197 = tpu.iota {dimensions = array<i32: 0>} : vector<16xi32>
      %add3A_198 = arith.constant 48 : i32
      %add3A_199 = vector.broadcast %add3A_198 : i32 to vector<16xi32>
      %add3A_200 = arith.addi %iota3A_197, %add3A_199 : vector<16xi32>
      %gather3A_201 = tpu.vector_load_idx %arg8[%add3A_200, %broadcast_in_dim3A_1] : memref<80x8xf32, #tpu.memory_space<vmem>>[vector<16xi32>, vector<16xi32>], vector<16xf32>,
      %gather3A_202 = tpu.vector_load_idx %arg8[%add3A_200, %broadcast_in_dim3A_3] : memref<80x8xf32, #tpu.memory_space<vmem>>[vector<16xi32>, vector<16xi32>], vector<16xf32>,
      %gather3A_203 = tpu.vector_load_idx %arg8[%add3A_200, %broadcast_in_dim3A_5] : memref<80x8xf32, #tpu.memory_space<vmem>>[vector<16xi32>, vector<16xi32>], vector<16xf32>,
      %gather3A_204 = tpu.vector_load_idx %arg8[%add3A_200, %broadcast_in_dim3A_7] : memref<80x8xf32, #tpu.memory_space<vmem>>[vector<16xi32>, vector<16xi32>], vector<16xf32>,
      %gather3A_205 = tpu.vector_load_idx %arg13[%add3A_200, %broadcast_in_dim3A_1] : memref<80x8xf32, #tpu.memory_space<vmem>>[vector<16xi32>, vector<16xi32>], vector<16xf32>,
      %gather3A_206 = tpu.vector_load_idx %arg13[%add3A_200, %broadcast_in_dim3A_3] : memref<80x8xf32, #tpu.memory_space<vmem>>[vector<16xi32>, vector<16xi32>], vector<16xf32>,
      %gather3A_207 = tpu.vector_load_idx %arg13[%add3A_200, %broadcast_in_dim3A_5] : memref<80x8xf32, #tpu.memory_space<vmem>>[vector<16xi32>, vector<16xi32>], vector<16xf32>,
      %mul3A_208 = arith.constant 80 : i32
      %mul3A_209 = arith.muli %add3A_87, %mul3A_208 : i32
      %add3A_210 = arith.constant 48 : i32
      %add3A_211 = arith.addi %mul3A_209, %add3A_210 : i32
      %sub3A_212 = arith.subf %gather3A_206, %gather3A_202 : vector<16xf32>
      %swap3A_213 = arith.constant 0 : i32
      %swap3A_214 = arith.index_cast %swap3A_213 : i32 to index
      %swap3A_215 = arith.index_cast %add3A_211 : i32 to index
      %swap3A_216 = tpu.vector_load %arg7[%swap3A_214, %swap3A_215] {strides = array<i32>} : memref<4x10000xf32, #tpu.memory_space<vmem>>, vector<16xf32>,
      tpu.vector_store %arg7[%swap3A_214, %swap3A_215], %sub3A_212 {strides = array<i32>} : memref<4x10000xf32, #tpu.memory_space<vmem>>, vector<16xf32>,
      %sub3A_217 = arith.subf %gather3A_207, %gather3A_203 : vector<16xf32>
      %swap3A_218 = arith.constant 1 : i32
      %swap3A_219 = arith.index_cast %swap3A_218 : i32 to index
      %swap3A_220 = arith.index_cast %add3A_211 : i32 to index
      %swap3A_221 = tpu.vector_load %arg7[%swap3A_219, %swap3A_220] {strides = array<i32>} : memref<4x10000xf32, #tpu.memory_space<vmem>>, vector<16xf32>,
      tpu.vector_store %arg7[%swap3A_219, %swap3A_220], %sub3A_217 {strides = array<i32>} : memref<4x10000xf32, #tpu.memory_space<vmem>>, vector<16xf32>,
      %sub3A_222 = arith.subf %gather3A_205, %gather3A_201 : vector<16xf32>
      %swap3A_223 = arith.constant 2 : i32
      %swap3A_224 = arith.index_cast %swap3A_223 : i32 to index
      %swap3A_225 = arith.index_cast %add3A_211 : i32 to index
      %swap3A_226 = tpu.vector_load %arg7[%swap3A_224, %swap3A_225] {strides = array<i32>} : memref<4x10000xf32, #tpu.memory_space<vmem>>, vector<16xf32>,
      tpu.vector_store %arg7[%swap3A_224, %swap3A_225], %sub3A_222 {strides = array<i32>} : memref<4x10000xf32, #tpu.memory_space<vmem>>, vector<16xf32>,
      %swap3A_227 = arith.constant 3 : i32
      %swap3A_228 = arith.index_cast %swap3A_227 : i32 to index
      %swap3A_229 = arith.index_cast %add3A_211 : i32 to index
      %swap3A_230 = tpu.vector_load %arg7[%swap3A_228, %swap3A_229] {strides = array<i32>} : memref<4x10000xf32, #tpu.memory_space<vmem>>, vector<16xf32>,
      tpu.vector_store %arg7[%swap3A_228, %swap3A_229], %gather3A_204 {strides = array<i32>} : memref<4x10000xf32, #tpu.memory_space<vmem>>, vector<16xf32>,
      %iota3A_231 = tpu.iota {dimensions = array<i32: 0>} : vector<16xi32>
      %add3A_232 = arith.constant 64 : i32
      %add3A_233 = vector.broadcast %add3A_232 : i32 to vector<16xi32>
      %add3A_234 = arith.addi %iota3A_231, %add3A_233 : vector<16xi32>
      %gather3A_235 = tpu.vector_load_idx %arg8[%add3A_234, %broadcast_in_dim3A_1] : memref<80x8xf32, #tpu.memory_space<vmem>>[vector<16xi32>, vector<16xi32>], vector<16xf32>,
      %gather3A_236 = tpu.vector_load_idx %arg8[%add3A_234, %broadcast_in_dim3A_3] : memref<80x8xf32, #tpu.memory_space<vmem>>[vector<16xi32>, vector<16xi32>], vector<16xf32>,
      %gather3A_237 = tpu.vector_load_idx %arg8[%add3A_234, %broadcast_in_dim3A_5] : memref<80x8xf32, #tpu.memory_space<vmem>>[vector<16xi32>, vector<16xi32>], vector<16xf32>,
      %gather3A_238 = tpu.vector_load_idx %arg8[%add3A_234, %broadcast_in_dim3A_7] : memref<80x8xf32, #tpu.memory_space<vmem>>[vector<16xi32>, vector<16xi32>], vector<16xf32>,
      %gather3A_239 = tpu.vector_load_idx %arg13[%add3A_234, %broadcast_in_dim3A_1] : memref<80x8xf32, #tpu.memory_space<vmem>>[vector<16xi32>, vector<16xi32>], vector<16xf32>,
      %gather3A_240 = tpu.vector_load_idx %arg13[%add3A_234, %broadcast_in_dim3A_3] : memref<80x8xf32, #tpu.memory_space<vmem>>[vector<16xi32>, vector<16xi32>], vector<16xf32>,
      %gather3A_241 = tpu.vector_load_idx %arg13[%add3A_234, %broadcast_in_dim3A_5] : memref<80x8xf32, #tpu.memory_space<vmem>>[vector<16xi32>, vector<16xi32>], vector<16xf32>,
      %mul3A_242 = arith.constant 80 : i32
      %mul3A_243 = arith.muli %add3A_87, %mul3A_242 : i32
      %add3A_244 = arith.constant 64 : i32
      %add3A_245 = arith.addi %mul3A_243, %add3A_244 : i32
      %sub3A_246 = arith.subf %gather3A_240, %gather3A_236 : vector<16xf32>
      %swap3A_247 = arith.constant 0 : i32
      %swap3A_248 = arith.index_cast %swap3A_247 : i32 to index
      %swap3A_249 = arith.index_cast %add3A_245 : i32 to index
      %swap3A_250 = tpu.vector_load %arg7[%swap3A_248, %swap3A_249] {strides = array<i32>} : memref<4x10000xf32, #tpu.memory_space<vmem>>, vector<16xf32>,
      tpu.vector_store %arg7[%swap3A_248, %swap3A_249], %sub3A_246 {strides = array<i32>} : memref<4x10000xf32, #tpu.memory_space<vmem>>, vector<16xf32>,
      %sub3A_251 = arith.subf %gather3A_241, %gather3A_237 : vector<16xf32>
      %swap3A_252 = arith.constant 1 : i32
      %swap3A_253 = arith.index_cast %swap3A_252 : i32 to index
      %swap3A_254 = arith.index_cast %add3A_245 : i32 to index
      %swap3A_255 = tpu.vector_load %arg7[%swap3A_253, %swap3A_254] {strides = array<i32>} : memref<4x10000xf32, #tpu.memory_space<vmem>>, vector<16xf32>,
      tpu.vector_store %arg7[%swap3A_253, %swap3A_254], %sub3A_251 {strides = array<i32>} : memref<4x10000xf32, #tpu.memory_space<vmem>>, vector<16xf32>,
      %sub3A_256 = arith.subf %gather3A_239, %gather3A_235 : vector<16xf32>
      %swap3A_257 = arith.constant 2 : i32
      %swap3A_258 = arith.index_cast %swap3A_257 : i32 to index
      %swap3A_259 = arith.index_cast %add3A_245 : i32 to index
      %swap3A_260 = tpu.vector_load %arg7[%swap3A_258, %swap3A_259] {strides = array<i32>} : memref<4x10000xf32, #tpu.memory_space<vmem>>, vector<16xf32>,
      tpu.vector_store %arg7[%swap3A_258, %swap3A_259], %sub3A_256 {strides = array<i32>} : memref<4x10000xf32, #tpu.memory_space<vmem>>, vector<16xf32>,
      %swap3A_261 = arith.constant 3 : i32
      %swap3A_262 = arith.index_cast %swap3A_261 : i32 to index
      %swap3A_263 = arith.index_cast %add3A_245 : i32 to index
      %swap3A_264 = tpu.vector_load %arg7[%swap3A_262, %swap3A_263] {strides = array<i32>} : memref<4x10000xf32, #tpu.memory_space<vmem>>, vector<16xf32>,
      tpu.vector_store %arg7[%swap3A_262, %swap3A_263], %gather3A_238 {strides = array<i32>} : memref<4x10000xf32, #tpu.memory_space<vmem>>, vector<16xf32>,
      %add3A_265 = arith.constant 5 : i32
      %add3A_266 = arith.addi %add3A_87, %add3A_265 : i32
      %lt3A = arith.constant 125 : i32
      %lt3A_267 = arith.cmpi slt, %add3A_266, %lt3A : i32
      %convert_element_type3A = arith.extui %lt3A_267 : i1 to i32
      %cond3A = arith.constant 0 : i32
      %cond3A_268 = arith.cmpi ne, %convert_element_type3A, %cond3A : i32
      scf.if %cond3A_268 {
        %mul3A_1041 = arith.constant 80 : i32
        %mul3A_1042 = arith.muli %add3A_266, %mul3A_1041 : i32
        %dma_start3A_1043 = tpu.memref_slice %arg5[%mul3A_1042] : memref<10000xi32, #tpu.memory_space<vmem>> -> memref<80xi32, #tpu.memory_space<vmem>>
        %dma_start3A_1044 = arith.constant 0 : i32
        %dma_start3A_1045 = arith.constant 0 : i32
        %dma_start3A_1046 = tpu.memref_slice %arg2[%dma_start3A_1044, %dma_start3A_1045] : memref<10000x8xf32, #tpu.memory_space<hbm>> -> memref<10000x8xf32, #tpu.memory_space<hbm>>
        tpu.enqueue_indirect_dma source(%dma_start3A_1046 : memref<10000x8xf32, #tpu.memory_space<hbm>>) target(%arg8 : memref<80x8xf32, #tpu.memory_space<vmem>>) offsets(%dma_start3A_1043 : memref<80xi32, #tpu.memory_space<vmem>>) semaphore(%arg18 : memref<!tpu.dma_semaphore, #tpu.memory_space<semaphore_mem>>)
        %mul3A_1047 = arith.constant 80 : i32
        %mul3A_1048 = arith.muli %add3A_266, %mul3A_1047 : i32
        %dma_start3A_1049 = tpu.memref_slice %arg6[%mul3A_1048] : memref<10000xi32, #tpu.memory_space<vmem>> -> memref<80xi32, #tpu.memory_space<vmem>>
        %dma_start3A_1050 = arith.constant 0 : i32
        %dma_start3A_1051 = arith.constant 0 : i32
        %dma_start3A_1052 = tpu.memref_slice %arg2[%dma_start3A_1050, %dma_start3A_1051] : memref<10000x8xf32, #tpu.memory_space<hbm>> -> memref<10000x8xf32, #tpu.memory_space<hbm>>
        tpu.enqueue_indirect_dma source(%dma_start3A_1052 : memref<10000x8xf32, #tpu.memory_space<hbm>>) target(%arg13 : memref<80x8xf32, #tpu.memory_space<vmem>>) offsets(%dma_start3A_1049 : memref<80xi32, #tpu.memory_space<vmem>>) semaphore(%arg23 : memref<!tpu.dma_semaphore, #tpu.memory_space<semaphore_mem>>)
      } else {
      }
      %mul3A_269 = arith.constant 5 : i32
      %mul3A_270 = arith.muli %scan3A_83, %mul3A_269 : i32
      %add3A_271 = arith.constant 1 : i32
      %add3A_272 = arith.addi %mul3A_270, %add3A_271 : i32
      %dma_wait3A_273 = arith.constant 0 : i32
      %dma_wait3A_274 = arith.constant 0 : i32
      %dma_wait3A_275 = tpu.memref_slice %arg2[%dma_wait3A_273, %dma_wait3A_274] : memref<10000x8xf32, #tpu.memory_space<hbm>> -> memref<80x8xf32, #tpu.memory_space<hbm>>
      %dma_wait3A_276 = arith.constant 0 : i32
      %dma_wait3A_277 = arith.constant 0 : i32
      %dma_wait3A_278 = tpu.memref_slice %arg2[%dma_wait3A_276, %dma_wait3A_277] : memref<10000x8xf32, #tpu.memory_space<hbm>> -> memref<80x8xf32, #tpu.memory_space<hbm>>
      tpu.wait_dma2 semaphore(%arg19 : memref<!tpu.dma_semaphore, #tpu.memory_space<semaphore_mem>>) src(%dma_wait3A_278 : memref<80x8xf32, #tpu.memory_space<hbm>>) dst(%arg9 : memref<80x8xf32, #tpu.memory_space<vmem>>)
      %dma_wait3A_279 = arith.constant 0 : i32
      %dma_wait3A_280 = arith.constant 0 : i32
      %dma_wait3A_281 = tpu.memref_slice %arg2[%dma_wait3A_279, %dma_wait3A_280] : memref<10000x8xf32, #tpu.memory_space<hbm>> -> memref<80x8xf32, #tpu.memory_space<hbm>>
      %dma_wait3A_282 = arith.constant 0 : i32
      %dma_wait3A_283 = arith.constant 0 : i32
      %dma_wait3A_284 = tpu.memref_slice %arg2[%dma_wait3A_282, %dma_wait3A_283] : memref<10000x8xf32, #tpu.memory_space<hbm>> -> memref<80x8xf32, #tpu.memory_space<hbm>>
      tpu.wait_dma2 semaphore(%arg24 : memref<!tpu.dma_semaphore, #tpu.memory_space<semaphore_mem>>) src(%dma_wait3A_284 : memref<80x8xf32, #tpu.memory_space<hbm>>) dst(%arg14 : memref<80x8xf32, #tpu.memory_space<vmem>>)
      %iota3A_285 = tpu.iota {dimensions = array<i32: 0>} : vector<16xi32>
      %add3A_286 = arith.constant 0 : i32
      %add3A_287 = vector.broadcast %add3A_286 : i32 to vector<16xi32>
      %add3A_288 = arith.addi %iota3A_285, %add3A_287 : vector<16xi32>
      %gather3A_289 = tpu.vector_load_idx %arg9[%add3A_288, %broadcast_in_dim3A_1] : memref<80x8xf32, #tpu.memory_space<vmem>>[vector<16xi32>, vector<16xi32>], vector<16xf32>,
      %gather3A_290 = tpu.vector_load_idx %arg9[%add3A_288, %broadcast_in_dim3A_3] : memref<80x8xf32, #tpu.memory_space<vmem>>[vector<16xi32>, vector<16xi32>], vector<16xf32>,
      %gather3A_291 = tpu.vector_load_idx %arg9[%add3A_288, %broadcast_in_dim3A_5] : memref<80x8xf32, #tpu.memory_space<vmem>>[vector<16xi32>, vector<16xi32>], vector<16xf32>,
      %gather3A_292 = tpu.vector_load_idx %arg9[%add3A_288, %broadcast_in_dim3A_7] : memref<80x8xf32, #tpu.memory_space<vmem>>[vector<16xi32>, vector<16xi32>], vector<16xf32>,
      %gather3A_293 = tpu.vector_load_idx %arg14[%add3A_288, %broadcast_in_dim3A_1] : memref<80x8xf32, #tpu.memory_space<vmem>>[vector<16xi32>, vector<16xi32>], vector<16xf32>,
      %gather3A_294 = tpu.vector_load_idx %arg14[%add3A_288, %broadcast_in_dim3A_3] : memref<80x8xf32, #tpu.memory_space<vmem>>[vector<16xi32>, vector<16xi32>], vector<16xf32>,
      %gather3A_295 = tpu.vector_load_idx %arg14[%add3A_288, %broadcast_in_dim3A_5] : memref<80x8xf32, #tpu.memory_space<vmem>>[vector<16xi32>, vector<16xi32>], vector<16xf32>,
      %mul3A_296 = arith.constant 80 : i32
      %mul3A_297 = arith.muli %add3A_272, %mul3A_296 : i32
      %add3A_298 = arith.constant 0 : i32
      %add3A_299 = arith.addi %mul3A_297, %add3A_298 : i32
      %sub3A_300 = arith.subf %gather3A_294, %gather3A_290 : vector<16xf32>
      %swap3A_301 = arith.constant 0 : i32
      %swap3A_302 = arith.index_cast %swap3A_301 : i32 to index
      %swap3A_303 = arith.index_cast %add3A_299 : i32 to index
      %swap3A_304 = tpu.vector_load %arg7[%swap3A_302, %swap3A_303] {strides = array<i32>} : memref<4x10000xf32, #tpu.memory_space<vmem>>, vector<16xf32>,
      tpu.vector_store %arg7[%swap3A_302, %swap3A_303], %sub3A_300 {strides = array<i32>} : memref<4x10000xf32, #tpu.memory_space<vmem>>, vector<16xf32>,
      %sub3A_305 = arith.subf %gather3A_295, %gather3A_291 : vector<16xf32>
      %swap3A_306 = arith.constant 1 : i32
      %swap3A_307 = arith.index_cast %swap3A_306 : i32 to index
      %swap3A_308 = arith.index_cast %add3A_299 : i32 to index
      %swap3A_309 = tpu.vector_load %arg7[%swap3A_307, %swap3A_308] {strides = array<i32>} : memref<4x10000xf32, #tpu.memory_space<vmem>>, vector<16xf32>,
      tpu.vector_store %arg7[%swap3A_307, %swap3A_308], %sub3A_305 {strides = array<i32>} : memref<4x10000xf32, #tpu.memory_space<vmem>>, vector<16xf32>,
      %sub3A_310 = arith.subf %gather3A_293, %gather3A_289 : vector<16xf32>
      %swap3A_311 = arith.constant 2 : i32
      %swap3A_312 = arith.index_cast %swap3A_311 : i32 to index
      %swap3A_313 = arith.index_cast %add3A_299 : i32 to index
      %swap3A_314 = tpu.vector_load %arg7[%swap3A_312, %swap3A_313] {strides = array<i32>} : memref<4x10000xf32, #tpu.memory_space<vmem>>, vector<16xf32>,
      tpu.vector_store %arg7[%swap3A_312, %swap3A_313], %sub3A_310 {strides = array<i32>} : memref<4x10000xf32, #tpu.memory_space<vmem>>, vector<16xf32>,
      %swap3A_315 = arith.constant 3 : i32
      %swap3A_316 = arith.index_cast %swap3A_315 : i32 to index
      %swap3A_317 = arith.index_cast %add3A_299 : i32 to index
      %swap3A_318 = tpu.vector_load %arg7[%swap3A_316, %swap3A_317] {strides = array<i32>} : memref<4x10000xf32, #tpu.memory_space<vmem>>, vector<16xf32>,
      tpu.vector_store %arg7[%swap3A_316, %swap3A_317], %gather3A_292 {strides = array<i32>} : memref<4x10000xf32, #tpu.memory_space<vmem>>, vector<16xf32>,
      %iota3A_319 = tpu.iota {dimensions = array<i32: 0>} : vector<16xi32>
      %add3A_320 = arith.constant 16 : i32
      %add3A_321 = vector.broadcast %add3A_320 : i32 to vector<16xi32>
      %add3A_322 = arith.addi %iota3A_319, %add3A_321 : vector<16xi32>
      %gather3A_323 = tpu.vector_load_idx %arg9[%add3A_322, %broadcast_in_dim3A_1] : memref<80x8xf32, #tpu.memory_space<vmem>>[vector<16xi32>, vector<16xi32>], vector<16xf32>,
      %gather3A_324 = tpu.vector_load_idx %arg9[%add3A_322, %broadcast_in_dim3A_3] : memref<80x8xf32, #tpu.memory_space<vmem>>[vector<16xi32>, vector<16xi32>], vector<16xf32>,
      %gather3A_325 = tpu.vector_load_idx %arg9[%add3A_322, %broadcast_in_dim3A_5] : memref<80x8xf32, #tpu.memory_space<vmem>>[vector<16xi32>, vector<16xi32>], vector<16xf32>,
      %gather3A_326 = tpu.vector_load_idx %arg9[%add3A_322, %broadcast_in_dim3A_7] : memref<80x8xf32, #tpu.memory_space<vmem>>[vector<16xi32>, vector<16xi32>], vector<16xf32>,
      %gather3A_327 = tpu.vector_load_idx %arg14[%add3A_322, %broadcast_in_dim3A_1] : memref<80x8xf32, #tpu.memory_space<vmem>>[vector<16xi32>, vector<16xi32>], vector<16xf32>,
      %gather3A_328 = tpu.vector_load_idx %arg14[%add3A_322, %broadcast_in_dim3A_3] : memref<80x8xf32, #tpu.memory_space<vmem>>[vector<16xi32>, vector<16xi32>], vector<16xf32>,
      %gather3A_329 = tpu.vector_load_idx %arg14[%add3A_322, %broadcast_in_dim3A_5] : memref<80x8xf32, #tpu.memory_space<vmem>>[vector<16xi32>, vector<16xi32>], vector<16xf32>,
      %mul3A_330 = arith.constant 80 : i32
      %mul3A_331 = arith.muli %add3A_272, %mul3A_330 : i32
      %add3A_332 = arith.constant 16 : i32
      %add3A_333 = arith.addi %mul3A_331, %add3A_332 : i32
      %sub3A_334 = arith.subf %gather3A_328, %gather3A_324 : vector<16xf32>
      %swap3A_335 = arith.constant 0 : i32
      %swap3A_336 = arith.index_cast %swap3A_335 : i32 to index
      %swap3A_337 = arith.index_cast %add3A_333 : i32 to index
      %swap3A_338 = tpu.vector_load %arg7[%swap3A_336, %swap3A_337] {strides = array<i32>} : memref<4x10000xf32, #tpu.memory_space<vmem>>, vector<16xf32>,
      tpu.vector_store %arg7[%swap3A_336, %swap3A_337], %sub3A_334 {strides = array<i32>} : memref<4x10000xf32, #tpu.memory_space<vmem>>, vector<16xf32>,
      %sub3A_339 = arith.subf %gather3A_329, %gather3A_325 : vector<16xf32>
      %swap3A_340 = arith.constant 1 : i32
      %swap3A_341 = arith.index_cast %swap3A_340 : i32 to index
      %swap3A_342 = arith.index_cast %add3A_333 : i32 to index
      %swap3A_343 = tpu.vector_load %arg7[%swap3A_341, %swap3A_342] {strides = array<i32>} : memref<4x10000xf32, #tpu.memory_space<vmem>>, vector<16xf32>,
      tpu.vector_store %arg7[%swap3A_341, %swap3A_342], %sub3A_339 {strides = array<i32>} : memref<4x10000xf32, #tpu.memory_space<vmem>>, vector<16xf32>,
      %sub3A_344 = arith.subf %gather3A_327, %gather3A_323 : vector<16xf32>
      %swap3A_345 = arith.constant 2 : i32
      %swap3A_346 = arith.index_cast %swap3A_345 : i32 to index
      %swap3A_347 = arith.index_cast %add3A_333 : i32 to index
      %swap3A_348 = tpu.vector_load %arg7[%swap3A_346, %swap3A_347] {strides = array<i32>} : memref<4x10000xf32, #tpu.memory_space<vmem>>, vector<16xf32>,
      tpu.vector_store %arg7[%swap3A_346, %swap3A_347], %sub3A_344 {strides = array<i32>} : memref<4x10000xf32, #tpu.memory_space<vmem>>, vector<16xf32>,
      %swap3A_349 = arith.constant 3 : i32
      %swap3A_350 = arith.index_cast %swap3A_349 : i32 to index
      %swap3A_351 = arith.index_cast %add3A_333 : i32 to index
      %swap3A_352 = tpu.vector_load %arg7[%swap3A_350, %swap3A_351] {strides = array<i32>} : memref<4x10000xf32, #tpu.memory_space<vmem>>, vector<16xf32>,
      tpu.vector_store %arg7[%swap3A_350, %swap3A_351], %gather3A_326 {strides = array<i32>} : memref<4x10000xf32, #tpu.memory_space<vmem>>, vector<16xf32>,
      %iota3A_353 = tpu.iota {dimensions = array<i32: 0>} : vector<16xi32>
      %add3A_354 = arith.constant 32 : i32
      %add3A_355 = vector.broadcast %add3A_354 : i32 to vector<16xi32>
      %add3A_356 = arith.addi %iota3A_353, %add3A_355 : vector<16xi32>
      %gather3A_357 = tpu.vector_load_idx %arg9[%add3A_356, %broadcast_in_dim3A_1] : memref<80x8xf32, #tpu.memory_space<vmem>>[vector<16xi32>, vector<16xi32>], vector<16xf32>,
      %gather3A_358 = tpu.vector_load_idx %arg9[%add3A_356, %broadcast_in_dim3A_3] : memref<80x8xf32, #tpu.memory_space<vmem>>[vector<16xi32>, vector<16xi32>], vector<16xf32>,
      %gather3A_359 = tpu.vector_load_idx %arg9[%add3A_356, %broadcast_in_dim3A_5] : memref<80x8xf32, #tpu.memory_space<vmem>>[vector<16xi32>, vector<16xi32>], vector<16xf32>,
      %gather3A_360 = tpu.vector_load_idx %arg9[%add3A_356, %broadcast_in_dim3A_7] : memref<80x8xf32, #tpu.memory_space<vmem>>[vector<16xi32>, vector<16xi32>], vector<16xf32>,
      %gather3A_361 = tpu.vector_load_idx %arg14[%add3A_356, %broadcast_in_dim3A_1] : memref<80x8xf32, #tpu.memory_space<vmem>>[vector<16xi32>, vector<16xi32>], vector<16xf32>,
      %gather3A_362 = tpu.vector_load_idx %arg14[%add3A_356, %broadcast_in_dim3A_3] : memref<80x8xf32, #tpu.memory_space<vmem>>[vector<16xi32>, vector<16xi32>], vector<16xf32>,
      %gather3A_363 = tpu.vector_load_idx %arg14[%add3A_356, %broadcast_in_dim3A_5] : memref<80x8xf32, #tpu.memory_space<vmem>>[vector<16xi32>, vector<16xi32>], vector<16xf32>,
      %mul3A_364 = arith.constant 80 : i32
      %mul3A_365 = arith.muli %add3A_272, %mul3A_364 : i32
      %add3A_366 = arith.constant 32 : i32
      %add3A_367 = arith.addi %mul3A_365, %add3A_366 : i32
      %sub3A_368 = arith.subf %gather3A_362, %gather3A_358 : vector<16xf32>
      %swap3A_369 = arith.constant 0 : i32
      %swap3A_370 = arith.index_cast %swap3A_369 : i32 to index
      %swap3A_371 = arith.index_cast %add3A_367 : i32 to index
      %swap3A_372 = tpu.vector_load %arg7[%swap3A_370, %swap3A_371] {strides = array<i32>} : memref<4x10000xf32, #tpu.memory_space<vmem>>, vector<16xf32>,
      tpu.vector_store %arg7[%swap3A_370, %swap3A_371], %sub3A_368 {strides = array<i32>} : memref<4x10000xf32, #tpu.memory_space<vmem>>, vector<16xf32>,
      %sub3A_373 = arith.subf %gather3A_363, %gather3A_359 : vector<16xf32>
      %swap3A_374 = arith.constant 1 : i32
      %swap3A_375 = arith.index_cast %swap3A_374 : i32 to index
      %swap3A_376 = arith.index_cast %add3A_367 : i32 to index
      %swap3A_377 = tpu.vector_load %arg7[%swap3A_375, %swap3A_376] {strides = array<i32>} : memref<4x10000xf32, #tpu.memory_space<vmem>>, vector<16xf32>,
      tpu.vector_store %arg7[%swap3A_375, %swap3A_376], %sub3A_373 {strides = array<i32>} : memref<4x10000xf32, #tpu.memory_space<vmem>>, vector<16xf32>,
      %sub3A_378 = arith.subf %gather3A_361, %gather3A_357 : vector<16xf32>
      %swap3A_379 = arith.constant 2 : i32
      %swap3A_380 = arith.index_cast %swap3A_379 : i32 to index
      %swap3A_381 = arith.index_cast %add3A_367 : i32 to index
      %swap3A_382 = tpu.vector_load %arg7[%swap3A_380, %swap3A_381] {strides = array<i32>} : memref<4x10000xf32, #tpu.memory_space<vmem>>, vector<16xf32>,
      tpu.vector_store %arg7[%swap3A_380, %swap3A_381], %sub3A_378 {strides = array<i32>} : memref<4x10000xf32, #tpu.memory_space<vmem>>, vector<16xf32>,
      %swap3A_383 = arith.constant 3 : i32
      %swap3A_384 = arith.index_cast %swap3A_383 : i32 to index
      %swap3A_385 = arith.index_cast %add3A_367 : i32 to index
      %swap3A_386 = tpu.vector_load %arg7[%swap3A_384, %swap3A_385] {strides = array<i32>} : memref<4x10000xf32, #tpu.memory_space<vmem>>, vector<16xf32>,
      tpu.vector_store %arg7[%swap3A_384, %swap3A_385], %gather3A_360 {strides = array<i32>} : memref<4x10000xf32, #tpu.memory_space<vmem>>, vector<16xf32>,
      %iota3A_387 = tpu.iota {dimensions = array<i32: 0>} : vector<16xi32>
      %add3A_388 = arith.constant 48 : i32
      %add3A_389 = vector.broadcast %add3A_388 : i32 to vector<16xi32>
      %add3A_390 = arith.addi %iota3A_387, %add3A_389 : vector<16xi32>
      %gather3A_391 = tpu.vector_load_idx %arg9[%add3A_390, %broadcast_in_dim3A_1] : memref<80x8xf32, #tpu.memory_space<vmem>>[vector<16xi32>, vector<16xi32>], vector<16xf32>,
      %gather3A_392 = tpu.vector_load_idx %arg9[%add3A_390, %broadcast_in_dim3A_3] : memref<80x8xf32, #tpu.memory_space<vmem>>[vector<16xi32>, vector<16xi32>], vector<16xf32>,
      %gather3A_393 = tpu.vector_load_idx %arg9[%add3A_390, %broadcast_in_dim3A_5] : memref<80x8xf32, #tpu.memory_space<vmem>>[vector<16xi32>, vector<16xi32>], vector<16xf32>,
      %gather3A_394 = tpu.vector_load_idx %arg9[%add3A_390, %broadcast_in_dim3A_7] : memref<80x8xf32, #tpu.memory_space<vmem>>[vector<16xi32>, vector<16xi32>], vector<16xf32>,
      %gather3A_395 = tpu.vector_load_idx %arg14[%add3A_390, %broadcast_in_dim3A_1] : memref<80x8xf32, #tpu.memory_space<vmem>>[vector<16xi32>, vector<16xi32>], vector<16xf32>,
      %gather3A_396 = tpu.vector_load_idx %arg14[%add3A_390, %broadcast_in_dim3A_3] : memref<80x8xf32, #tpu.memory_space<vmem>>[vector<16xi32>, vector<16xi32>], vector<16xf32>,
      %gather3A_397 = tpu.vector_load_idx %arg14[%add3A_390, %broadcast_in_dim3A_5] : memref<80x8xf32, #tpu.memory_space<vmem>>[vector<16xi32>, vector<16xi32>], vector<16xf32>,
      %mul3A_398 = arith.constant 80 : i32
      %mul3A_399 = arith.muli %add3A_272, %mul3A_398 : i32
      %add3A_400 = arith.constant 48 : i32
      %add3A_401 = arith.addi %mul3A_399, %add3A_400 : i32
      %sub3A_402 = arith.subf %gather3A_396, %gather3A_392 : vector<16xf32>
      %swap3A_403 = arith.constant 0 : i32
      %swap3A_404 = arith.index_cast %swap3A_403 : i32 to index
      %swap3A_405 = arith.index_cast %add3A_401 : i32 to index
      %swap3A_406 = tpu.vector_load %arg7[%swap3A_404, %swap3A_405] {strides = array<i32>} : memref<4x10000xf32, #tpu.memory_space<vmem>>, vector<16xf32>,
      tpu.vector_store %arg7[%swap3A_404, %swap3A_405], %sub3A_402 {strides = array<i32>} : memref<4x10000xf32, #tpu.memory_space<vmem>>, vector<16xf32>,
      %sub3A_407 = arith.subf %gather3A_397, %gather3A_393 : vector<16xf32>
      %swap3A_408 = arith.constant 1 : i32
      %swap3A_409 = arith.index_cast %swap3A_408 : i32 to index
      %swap3A_410 = arith.index_cast %add3A_401 : i32 to index
      %swap3A_411 = tpu.vector_load %arg7[%swap3A_409, %swap3A_410] {strides = array<i32>} : memref<4x10000xf32, #tpu.memory_space<vmem>>, vector<16xf32>,
      tpu.vector_store %arg7[%swap3A_409, %swap3A_410], %sub3A_407 {strides = array<i32>} : memref<4x10000xf32, #tpu.memory_space<vmem>>, vector<16xf32>,
      %sub3A_412 = arith.subf %gather3A_395, %gather3A_391 : vector<16xf32>
      %swap3A_413 = arith.constant 2 : i32
      %swap3A_414 = arith.index_cast %swap3A_413 : i32 to index
      %swap3A_415 = arith.index_cast %add3A_401 : i32 to index
      %swap3A_416 = tpu.vector_load %arg7[%swap3A_414, %swap3A_415] {strides = array<i32>} : memref<4x10000xf32, #tpu.memory_space<vmem>>, vector<16xf32>,
      tpu.vector_store %arg7[%swap3A_414, %swap3A_415], %sub3A_412 {strides = array<i32>} : memref<4x10000xf32, #tpu.memory_space<vmem>>, vector<16xf32>,
      %swap3A_417 = arith.constant 3 : i32
      %swap3A_418 = arith.index_cast %swap3A_417 : i32 to index
      %swap3A_419 = arith.index_cast %add3A_401 : i32 to index
      %swap3A_420 = tpu.vector_load %arg7[%swap3A_418, %swap3A_419] {strides = array<i32>} : memref<4x10000xf32, #tpu.memory_space<vmem>>, vector<16xf32>,
      tpu.vector_store %arg7[%swap3A_418, %swap3A_419], %gather3A_394 {strides = array<i32>} : memref<4x10000xf32, #tpu.memory_space<vmem>>, vector<16xf32>,
      %iota3A_421 = tpu.iota {dimensions = array<i32: 0>} : vector<16xi32>
      %add3A_422 = arith.constant 64 : i32
      %add3A_423 = vector.broadcast %add3A_422 : i32 to vector<16xi32>
      %add3A_424 = arith.addi %iota3A_421, %add3A_423 : vector<16xi32>
      %gather3A_425 = tpu.vector_load_idx %arg9[%add3A_424, %broadcast_in_dim3A_1] : memref<80x8xf32, #tpu.memory_space<vmem>>[vector<16xi32>, vector<16xi32>], vector<16xf32>,
      %gather3A_426 = tpu.vector_load_idx %arg9[%add3A_424, %broadcast_in_dim3A_3] : memref<80x8xf32, #tpu.memory_space<vmem>>[vector<16xi32>, vector<16xi32>], vector<16xf32>,
      %gather3A_427 = tpu.vector_load_idx %arg9[%add3A_424, %broadcast_in_dim3A_5] : memref<80x8xf32, #tpu.memory_space<vmem>>[vector<16xi32>, vector<16xi32>], vector<16xf32>,
      %gather3A_428 = tpu.vector_load_idx %arg9[%add3A_424, %broadcast_in_dim3A_7] : memref<80x8xf32, #tpu.memory_space<vmem>>[vector<16xi32>, vector<16xi32>], vector<16xf32>,
      %gather3A_429 = tpu.vector_load_idx %arg14[%add3A_424, %broadcast_in_dim3A_1] : memref<80x8xf32, #tpu.memory_space<vmem>>[vector<16xi32>, vector<16xi32>], vector<16xf32>,
      %gather3A_430 = tpu.vector_load_idx %arg14[%add3A_424, %broadcast_in_dim3A_3] : memref<80x8xf32, #tpu.memory_space<vmem>>[vector<16xi32>, vector<16xi32>], vector<16xf32>,
      %gather3A_431 = tpu.vector_load_idx %arg14[%add3A_424, %broadcast_in_dim3A_5] : memref<80x8xf32, #tpu.memory_space<vmem>>[vector<16xi32>, vector<16xi32>], vector<16xf32>,
      %mul3A_432 = arith.constant 80 : i32
      %mul3A_433 = arith.muli %add3A_272, %mul3A_432 : i32
      %add3A_434 = arith.constant 64 : i32
      %add3A_435 = arith.addi %mul3A_433, %add3A_434 : i32
      %sub3A_436 = arith.subf %gather3A_430, %gather3A_426 : vector<16xf32>
      %swap3A_437 = arith.constant 0 : i32
      %swap3A_438 = arith.index_cast %swap3A_437 : i32 to index
      %swap3A_439 = arith.index_cast %add3A_435 : i32 to index
      %swap3A_440 = tpu.vector_load %arg7[%swap3A_438, %swap3A_439] {strides = array<i32>} : memref<4x10000xf32, #tpu.memory_space<vmem>>, vector<16xf32>,
      tpu.vector_store %arg7[%swap3A_438, %swap3A_439], %sub3A_436 {strides = array<i32>} : memref<4x10000xf32, #tpu.memory_space<vmem>>, vector<16xf32>,
      %sub3A_441 = arith.subf %gather3A_431, %gather3A_427 : vector<16xf32>
      %swap3A_442 = arith.constant 1 : i32
      %swap3A_443 = arith.index_cast %swap3A_442 : i32 to index
      %swap3A_444 = arith.index_cast %add3A_435 : i32 to index
      %swap3A_445 = tpu.vector_load %arg7[%swap3A_443, %swap3A_444] {strides = array<i32>} : memref<4x10000xf32, #tpu.memory_space<vmem>>, vector<16xf32>,
      tpu.vector_store %arg7[%swap3A_443, %swap3A_444], %sub3A_441 {strides = array<i32>} : memref<4x10000xf32, #tpu.memory_space<vmem>>, vector<16xf32>,
      %sub3A_446 = arith.subf %gather3A_429, %gather3A_425 : vector<16xf32>
      %swap3A_447 = arith.constant 2 : i32
      %swap3A_448 = arith.index_cast %swap3A_447 : i32 to index
      %swap3A_449 = arith.index_cast %add3A_435 : i32 to index
      %swap3A_450 = tpu.vector_load %arg7[%swap3A_448, %swap3A_449] {strides = array<i32>} : memref<4x10000xf32, #tpu.memory_space<vmem>>, vector<16xf32>,
      tpu.vector_store %arg7[%swap3A_448, %swap3A_449], %sub3A_446 {strides = array<i32>} : memref<4x10000xf32, #tpu.memory_space<vmem>>, vector<16xf32>,
      %swap3A_451 = arith.constant 3 : i32
      %swap3A_452 = arith.index_cast %swap3A_451 : i32 to index
      %swap3A_453 = arith.index_cast %add3A_435 : i32 to index
      %swap3A_454 = tpu.vector_load %arg7[%swap3A_452, %swap3A_453] {strides = array<i32>} : memref<4x10000xf32, #tpu.memory_space<vmem>>, vector<16xf32>,
      tpu.vector_store %arg7[%swap3A_452, %swap3A_453], %gather3A_428 {strides = array<i32>} : memref<4x10000xf32, #tpu.memory_space<vmem>>, vector<16xf32>,
      %add3A_455 = arith.constant 5 : i32
      %add3A_456 = arith.addi %add3A_272, %add3A_455 : i32
      %lt3A_457 = arith.constant 125 : i32
      %lt3A_458 = arith.cmpi slt, %add3A_456, %lt3A_457 : i32
      %convert_element_type3A_459 = arith.extui %lt3A_458 : i1 to i32
      %cond3A_460 = arith.constant 0 : i32
      %cond3A_461 = arith.cmpi ne, %convert_element_type3A_459, %cond3A_460 : i32
      scf.if %cond3A_461 {
        %mul3A_1041 = arith.constant 80 : i32
        %mul3A_1042 = arith.muli %add3A_456, %mul3A_1041 : i32
        %dma_start3A_1043 = tpu.memref_slice %arg5[%mul3A_1042] : memref<10000xi32, #tpu.memory_space<vmem>> -> memref<80xi32, #tpu.memory_space<vmem>>
        %dma_start3A_1044 = arith.constant 0 : i32
        %dma_start3A_1045 = arith.constant 0 : i32
        %dma_start3A_1046 = tpu.memref_slice %arg2[%dma_start3A_1044, %dma_start3A_1045] : memref<10000x8xf32, #tpu.memory_space<hbm>> -> memref<10000x8xf32, #tpu.memory_space<hbm>>
        tpu.enqueue_indirect_dma source(%dma_start3A_1046 : memref<10000x8xf32, #tpu.memory_space<hbm>>) target(%arg9 : memref<80x8xf32, #tpu.memory_space<vmem>>) offsets(%dma_start3A_1043 : memref<80xi32, #tpu.memory_space<vmem>>) semaphore(%arg19 : memref<!tpu.dma_semaphore, #tpu.memory_space<semaphore_mem>>)
        %mul3A_1047 = arith.constant 80 : i32
        %mul3A_1048 = arith.muli %add3A_456, %mul3A_1047 : i32
        %dma_start3A_1049 = tpu.memref_slice %arg6[%mul3A_1048] : memref<10000xi32, #tpu.memory_space<vmem>> -> memref<80xi32, #tpu.memory_space<vmem>>
        %dma_start3A_1050 = arith.constant 0 : i32
        %dma_start3A_1051 = arith.constant 0 : i32
        %dma_start3A_1052 = tpu.memref_slice %arg2[%dma_start3A_1050, %dma_start3A_1051] : memref<10000x8xf32, #tpu.memory_space<hbm>> -> memref<10000x8xf32, #tpu.memory_space<hbm>>
        tpu.enqueue_indirect_dma source(%dma_start3A_1052 : memref<10000x8xf32, #tpu.memory_space<hbm>>) target(%arg14 : memref<80x8xf32, #tpu.memory_space<vmem>>) offsets(%dma_start3A_1049 : memref<80xi32, #tpu.memory_space<vmem>>) semaphore(%arg24 : memref<!tpu.dma_semaphore, #tpu.memory_space<semaphore_mem>>)
      } else {
      }
      %mul3A_462 = arith.constant 5 : i32
      %mul3A_463 = arith.muli %scan3A_83, %mul3A_462 : i32
      %add3A_464 = arith.constant 2 : i32
      %add3A_465 = arith.addi %mul3A_463, %add3A_464 : i32
      %dma_wait3A_466 = arith.constant 0 : i32
      %dma_wait3A_467 = arith.constant 0 : i32
      %dma_wait3A_468 = tpu.memref_slice %arg2[%dma_wait3A_466, %dma_wait3A_467] : memref<10000x8xf32, #tpu.memory_space<hbm>> -> memref<80x8xf32, #tpu.memory_space<hbm>>
      %dma_wait3A_469 = arith.constant 0 : i32
      %dma_wait3A_470 = arith.constant 0 : i32
      %dma_wait3A_471 = tpu.memref_slice %arg2[%dma_wait3A_469, %dma_wait3A_470] : memref<10000x8xf32, #tpu.memory_space<hbm>> -> memref<80x8xf32, #tpu.memory_space<hbm>>
      tpu.wait_dma2 semaphore(%arg20 : memref<!tpu.dma_semaphore, #tpu.memory_space<semaphore_mem>>) src(%dma_wait3A_471 : memref<80x8xf32, #tpu.memory_space<hbm>>) dst(%arg10 : memref<80x8xf32, #tpu.memory_space<vmem>>)
      %dma_wait3A_472 = arith.constant 0 : i32
      %dma_wait3A_473 = arith.constant 0 : i32
      %dma_wait3A_474 = tpu.memref_slice %arg2[%dma_wait3A_472, %dma_wait3A_473] : memref<10000x8xf32, #tpu.memory_space<hbm>> -> memref<80x8xf32, #tpu.memory_space<hbm>>
      %dma_wait3A_475 = arith.constant 0 : i32
      %dma_wait3A_476 = arith.constant 0 : i32
      %dma_wait3A_477 = tpu.memref_slice %arg2[%dma_wait3A_475, %dma_wait3A_476] : memref<10000x8xf32, #tpu.memory_space<hbm>> -> memref<80x8xf32, #tpu.memory_space<hbm>>
      tpu.wait_dma2 semaphore(%arg25 : memref<!tpu.dma_semaphore, #tpu.memory_space<semaphore_mem>>) src(%dma_wait3A_477 : memref<80x8xf32, #tpu.memory_space<hbm>>) dst(%arg15 : memref<80x8xf32, #tpu.memory_space<vmem>>)
      %iota3A_478 = tpu.iota {dimensions = array<i32: 0>} : vector<16xi32>
      %add3A_479 = arith.constant 0 : i32
      %add3A_480 = vector.broadcast %add3A_479 : i32 to vector<16xi32>
      %add3A_481 = arith.addi %iota3A_478, %add3A_480 : vector<16xi32>
      %gather3A_482 = tpu.vector_load_idx %arg10[%add3A_481, %broadcast_in_dim3A_1] : memref<80x8xf32, #tpu.memory_space<vmem>>[vector<16xi32>, vector<16xi32>], vector<16xf32>,
      %gather3A_483 = tpu.vector_load_idx %arg10[%add3A_481, %broadcast_in_dim3A_3] : memref<80x8xf32, #tpu.memory_space<vmem>>[vector<16xi32>, vector<16xi32>], vector<16xf32>,
      %gather3A_484 = tpu.vector_load_idx %arg10[%add3A_481, %broadcast_in_dim3A_5] : memref<80x8xf32, #tpu.memory_space<vmem>>[vector<16xi32>, vector<16xi32>], vector<16xf32>,
      %gather3A_485 = tpu.vector_load_idx %arg10[%add3A_481, %broadcast_in_dim3A_7] : memref<80x8xf32, #tpu.memory_space<vmem>>[vector<16xi32>, vector<16xi32>], vector<16xf32>,
      %gather3A_486 = tpu.vector_load_idx %arg15[%add3A_481, %broadcast_in_dim3A_1] : memref<80x8xf32, #tpu.memory_space<vmem>>[vector<16xi32>, vector<16xi32>], vector<16xf32>,
      %gather3A_487 = tpu.vector_load_idx %arg15[%add3A_481, %broadcast_in_dim3A_3] : memref<80x8xf32, #tpu.memory_space<vmem>>[vector<16xi32>, vector<16xi32>], vector<16xf32>,
      %gather3A_488 = tpu.vector_load_idx %arg15[%add3A_481, %broadcast_in_dim3A_5] : memref<80x8xf32, #tpu.memory_space<vmem>>[vector<16xi32>, vector<16xi32>], vector<16xf32>,
      %mul3A_489 = arith.constant 80 : i32
      %mul3A_490 = arith.muli %add3A_465, %mul3A_489 : i32
      %add3A_491 = arith.constant 0 : i32
      %add3A_492 = arith.addi %mul3A_490, %add3A_491 : i32
      %sub3A_493 = arith.subf %gather3A_487, %gather3A_483 : vector<16xf32>
      %swap3A_494 = arith.constant 0 : i32
      %swap3A_495 = arith.index_cast %swap3A_494 : i32 to index
      %swap3A_496 = arith.index_cast %add3A_492 : i32 to index
      %swap3A_497 = tpu.vector_load %arg7[%swap3A_495, %swap3A_496] {strides = array<i32>} : memref<4x10000xf32, #tpu.memory_space<vmem>>, vector<16xf32>,
      tpu.vector_store %arg7[%swap3A_495, %swap3A_496], %sub3A_493 {strides = array<i32>} : memref<4x10000xf32, #tpu.memory_space<vmem>>, vector<16xf32>,
      %sub3A_498 = arith.subf %gather3A_488, %gather3A_484 : vector<16xf32>
      %swap3A_499 = arith.constant 1 : i32
      %swap3A_500 = arith.index_cast %swap3A_499 : i32 to index
      %swap3A_501 = arith.index_cast %add3A_492 : i32 to index
      %swap3A_502 = tpu.vector_load %arg7[%swap3A_500, %swap3A_501] {strides = array<i32>} : memref<4x10000xf32, #tpu.memory_space<vmem>>, vector<16xf32>,
      tpu.vector_store %arg7[%swap3A_500, %swap3A_501], %sub3A_498 {strides = array<i32>} : memref<4x10000xf32, #tpu.memory_space<vmem>>, vector<16xf32>,
      %sub3A_503 = arith.subf %gather3A_486, %gather3A_482 : vector<16xf32>
      %swap3A_504 = arith.constant 2 : i32
      %swap3A_505 = arith.index_cast %swap3A_504 : i32 to index
      %swap3A_506 = arith.index_cast %add3A_492 : i32 to index
      %swap3A_507 = tpu.vector_load %arg7[%swap3A_505, %swap3A_506] {strides = array<i32>} : memref<4x10000xf32, #tpu.memory_space<vmem>>, vector<16xf32>,
      tpu.vector_store %arg7[%swap3A_505, %swap3A_506], %sub3A_503 {strides = array<i32>} : memref<4x10000xf32, #tpu.memory_space<vmem>>, vector<16xf32>,
      %swap3A_508 = arith.constant 3 : i32
      %swap3A_509 = arith.index_cast %swap3A_508 : i32 to index
      %swap3A_510 = arith.index_cast %add3A_492 : i32 to index
      %swap3A_511 = tpu.vector_load %arg7[%swap3A_509, %swap3A_510] {strides = array<i32>} : memref<4x10000xf32, #tpu.memory_space<vmem>>, vector<16xf32>,
      tpu.vector_store %arg7[%swap3A_509, %swap3A_510], %gather3A_485 {strides = array<i32>} : memref<4x10000xf32, #tpu.memory_space<vmem>>, vector<16xf32>,
      %iota3A_512 = tpu.iota {dimensions = array<i32: 0>} : vector<16xi32>
      %add3A_513 = arith.constant 16 : i32
      %add3A_514 = vector.broadcast %add3A_513 : i32 to vector<16xi32>
      %add3A_515 = arith.addi %iota3A_512, %add3A_514 : vector<16xi32>
      %gather3A_516 = tpu.vector_load_idx %arg10[%add3A_515, %broadcast_in_dim3A_1] : memref<80x8xf32, #tpu.memory_space<vmem>>[vector<16xi32>, vector<16xi32>], vector<16xf32>,
      %gather3A_517 = tpu.vector_load_idx %arg10[%add3A_515, %broadcast_in_dim3A_3] : memref<80x8xf32, #tpu.memory_space<vmem>>[vector<16xi32>, vector<16xi32>], vector<16xf32>,
      %gather3A_518 = tpu.vector_load_idx %arg10[%add3A_515, %broadcast_in_dim3A_5] : memref<80x8xf32, #tpu.memory_space<vmem>>[vector<16xi32>, vector<16xi32>], vector<16xf32>,
      %gather3A_519 = tpu.vector_load_idx %arg10[%add3A_515, %broadcast_in_dim3A_7] : memref<80x8xf32, #tpu.memory_space<vmem>>[vector<16xi32>, vector<16xi32>], vector<16xf32>,
      %gather3A_520 = tpu.vector_load_idx %arg15[%add3A_515, %broadcast_in_dim3A_1] : memref<80x8xf32, #tpu.memory_space<vmem>>[vector<16xi32>, vector<16xi32>], vector<16xf32>,
      %gather3A_521 = tpu.vector_load_idx %arg15[%add3A_515, %broadcast_in_dim3A_3] : memref<80x8xf32, #tpu.memory_space<vmem>>[vector<16xi32>, vector<16xi32>], vector<16xf32>,
      %gather3A_522 = tpu.vector_load_idx %arg15[%add3A_515, %broadcast_in_dim3A_5] : memref<80x8xf32, #tpu.memory_space<vmem>>[vector<16xi32>, vector<16xi32>], vector<16xf32>,
      %mul3A_523 = arith.constant 80 : i32
      %mul3A_524 = arith.muli %add3A_465, %mul3A_523 : i32
      %add3A_525 = arith.constant 16 : i32
      %add3A_526 = arith.addi %mul3A_524, %add3A_525 : i32
      %sub3A_527 = arith.subf %gather3A_521, %gather3A_517 : vector<16xf32>
      %swap3A_528 = arith.constant 0 : i32
      %swap3A_529 = arith.index_cast %swap3A_528 : i32 to index
      %swap3A_530 = arith.index_cast %add3A_526 : i32 to index
      %swap3A_531 = tpu.vector_load %arg7[%swap3A_529, %swap3A_530] {strides = array<i32>} : memref<4x10000xf32, #tpu.memory_space<vmem>>, vector<16xf32>,
      tpu.vector_store %arg7[%swap3A_529, %swap3A_530], %sub3A_527 {strides = array<i32>} : memref<4x10000xf32, #tpu.memory_space<vmem>>, vector<16xf32>,
      %sub3A_532 = arith.subf %gather3A_522, %gather3A_518 : vector<16xf32>
      %swap3A_533 = arith.constant 1 : i32
      %swap3A_534 = arith.index_cast %swap3A_533 : i32 to index
      %swap3A_535 = arith.index_cast %add3A_526 : i32 to index
      %swap3A_536 = tpu.vector_load %arg7[%swap3A_534, %swap3A_535] {strides = array<i32>} : memref<4x10000xf32, #tpu.memory_space<vmem>>, vector<16xf32>,
      tpu.vector_store %arg7[%swap3A_534, %swap3A_535], %sub3A_532 {strides = array<i32>} : memref<4x10000xf32, #tpu.memory_space<vmem>>, vector<16xf32>,
      %sub3A_537 = arith.subf %gather3A_520, %gather3A_516 : vector<16xf32>
      %swap3A_538 = arith.constant 2 : i32
      %swap3A_539 = arith.index_cast %swap3A_538 : i32 to index
      %swap3A_540 = arith.index_cast %add3A_526 : i32 to index
      %swap3A_541 = tpu.vector_load %arg7[%swap3A_539, %swap3A_540] {strides = array<i32>} : memref<4x10000xf32, #tpu.memory_space<vmem>>, vector<16xf32>,
      tpu.vector_store %arg7[%swap3A_539, %swap3A_540], %sub3A_537 {strides = array<i32>} : memref<4x10000xf32, #tpu.memory_space<vmem>>, vector<16xf32>,
      %swap3A_542 = arith.constant 3 : i32
      %swap3A_543 = arith.index_cast %swap3A_542 : i32 to index
      %swap3A_544 = arith.index_cast %add3A_526 : i32 to index
      %swap3A_545 = tpu.vector_load %arg7[%swap3A_543, %swap3A_544] {strides = array<i32>} : memref<4x10000xf32, #tpu.memory_space<vmem>>, vector<16xf32>,
      tpu.vector_store %arg7[%swap3A_543, %swap3A_544], %gather3A_519 {strides = array<i32>} : memref<4x10000xf32, #tpu.memory_space<vmem>>, vector<16xf32>,
      %iota3A_546 = tpu.iota {dimensions = array<i32: 0>} : vector<16xi32>
      %add3A_547 = arith.constant 32 : i32
      %add3A_548 = vector.broadcast %add3A_547 : i32 to vector<16xi32>
      %add3A_549 = arith.addi %iota3A_546, %add3A_548 : vector<16xi32>
      %gather3A_550 = tpu.vector_load_idx %arg10[%add3A_549, %broadcast_in_dim3A_1] : memref<80x8xf32, #tpu.memory_space<vmem>>[vector<16xi32>, vector<16xi32>], vector<16xf32>,
      %gather3A_551 = tpu.vector_load_idx %arg10[%add3A_549, %broadcast_in_dim3A_3] : memref<80x8xf32, #tpu.memory_space<vmem>>[vector<16xi32>, vector<16xi32>], vector<16xf32>,
      %gather3A_552 = tpu.vector_load_idx %arg10[%add3A_549, %broadcast_in_dim3A_5] : memref<80x8xf32, #tpu.memory_space<vmem>>[vector<16xi32>, vector<16xi32>], vector<16xf32>,
      %gather3A_553 = tpu.vector_load_idx %arg10[%add3A_549, %broadcast_in_dim3A_7] : memref<80x8xf32, #tpu.memory_space<vmem>>[vector<16xi32>, vector<16xi32>], vector<16xf32>,
      %gather3A_554 = tpu.vector_load_idx %arg15[%add3A_549, %broadcast_in_dim3A_1] : memref<80x8xf32, #tpu.memory_space<vmem>>[vector<16xi32>, vector<16xi32>], vector<16xf32>,
      %gather3A_555 = tpu.vector_load_idx %arg15[%add3A_549, %broadcast_in_dim3A_3] : memref<80x8xf32, #tpu.memory_space<vmem>>[vector<16xi32>, vector<16xi32>], vector<16xf32>,
      %gather3A_556 = tpu.vector_load_idx %arg15[%add3A_549, %broadcast_in_dim3A_5] : memref<80x8xf32, #tpu.memory_space<vmem>>[vector<16xi32>, vector<16xi32>], vector<16xf32>,
      %mul3A_557 = arith.constant 80 : i32
      %mul3A_558 = arith.muli %add3A_465, %mul3A_557 : i32
      %add3A_559 = arith.constant 32 : i32
      %add3A_560 = arith.addi %mul3A_558, %add3A_559 : i32
      %sub3A_561 = arith.subf %gather3A_555, %gather3A_551 : vector<16xf32>
      %swap3A_562 = arith.constant 0 : i32
      %swap3A_563 = arith.index_cast %swap3A_562 : i32 to index
      %swap3A_564 = arith.index_cast %add3A_560 : i32 to index
      %swap3A_565 = tpu.vector_load %arg7[%swap3A_563, %swap3A_564] {strides = array<i32>} : memref<4x10000xf32, #tpu.memory_space<vmem>>, vector<16xf32>,
      tpu.vector_store %arg7[%swap3A_563, %swap3A_564], %sub3A_561 {strides = array<i32>} : memref<4x10000xf32, #tpu.memory_space<vmem>>, vector<16xf32>,
      %sub3A_566 = arith.subf %gather3A_556, %gather3A_552 : vector<16xf32>
      %swap3A_567 = arith.constant 1 : i32
      %swap3A_568 = arith.index_cast %swap3A_567 : i32 to index
      %swap3A_569 = arith.index_cast %add3A_560 : i32 to index
      %swap3A_570 = tpu.vector_load %arg7[%swap3A_568, %swap3A_569] {strides = array<i32>} : memref<4x10000xf32, #tpu.memory_space<vmem>>, vector<16xf32>,
      tpu.vector_store %arg7[%swap3A_568, %swap3A_569], %sub3A_566 {strides = array<i32>} : memref<4x10000xf32, #tpu.memory_space<vmem>>, vector<16xf32>,
      %sub3A_571 = arith.subf %gather3A_554, %gather3A_550 : vector<16xf32>
      %swap3A_572 = arith.constant 2 : i32
      %swap3A_573 = arith.index_cast %swap3A_572 : i32 to index
      %swap3A_574 = arith.index_cast %add3A_560 : i32 to index
      %swap3A_575 = tpu.vector_load %arg7[%swap3A_573, %swap3A_574] {strides = array<i32>} : memref<4x10000xf32, #tpu.memory_space<vmem>>, vector<16xf32>,
      tpu.vector_store %arg7[%swap3A_573, %swap3A_574], %sub3A_571 {strides = array<i32>} : memref<4x10000xf32, #tpu.memory_space<vmem>>, vector<16xf32>,
      %swap3A_576 = arith.constant 3 : i32
      %swap3A_577 = arith.index_cast %swap3A_576 : i32 to index
      %swap3A_578 = arith.index_cast %add3A_560 : i32 to index
      %swap3A_579 = tpu.vector_load %arg7[%swap3A_577, %swap3A_578] {strides = array<i32>} : memref<4x10000xf32, #tpu.memory_space<vmem>>, vector<16xf32>,
      tpu.vector_store %arg7[%swap3A_577, %swap3A_578], %gather3A_553 {strides = array<i32>} : memref<4x10000xf32, #tpu.memory_space<vmem>>, vector<16xf32>,
      %iota3A_580 = tpu.iota {dimensions = array<i32: 0>} : vector<16xi32>
      %add3A_581 = arith.constant 48 : i32
      %add3A_582 = vector.broadcast %add3A_581 : i32 to vector<16xi32>
      %add3A_583 = arith.addi %iota3A_580, %add3A_582 : vector<16xi32>
      %gather3A_584 = tpu.vector_load_idx %arg10[%add3A_583, %broadcast_in_dim3A_1] : memref<80x8xf32, #tpu.memory_space<vmem>>[vector<16xi32>, vector<16xi32>], vector<16xf32>,
      %gather3A_585 = tpu.vector_load_idx %arg10[%add3A_583, %broadcast_in_dim3A_3] : memref<80x8xf32, #tpu.memory_space<vmem>>[vector<16xi32>, vector<16xi32>], vector<16xf32>,
      %gather3A_586 = tpu.vector_load_idx %arg10[%add3A_583, %broadcast_in_dim3A_5] : memref<80x8xf32, #tpu.memory_space<vmem>>[vector<16xi32>, vector<16xi32>], vector<16xf32>,
      %gather3A_587 = tpu.vector_load_idx %arg10[%add3A_583, %broadcast_in_dim3A_7] : memref<80x8xf32, #tpu.memory_space<vmem>>[vector<16xi32>, vector<16xi32>], vector<16xf32>,
      %gather3A_588 = tpu.vector_load_idx %arg15[%add3A_583, %broadcast_in_dim3A_1] : memref<80x8xf32, #tpu.memory_space<vmem>>[vector<16xi32>, vector<16xi32>], vector<16xf32>,
      %gather3A_589 = tpu.vector_load_idx %arg15[%add3A_583, %broadcast_in_dim3A_3] : memref<80x8xf32, #tpu.memory_space<vmem>>[vector<16xi32>, vector<16xi32>], vector<16xf32>,
      %gather3A_590 = tpu.vector_load_idx %arg15[%add3A_583, %broadcast_in_dim3A_5] : memref<80x8xf32, #tpu.memory_space<vmem>>[vector<16xi32>, vector<16xi32>], vector<16xf32>,
      %mul3A_591 = arith.constant 80 : i32
      %mul3A_592 = arith.muli %add3A_465, %mul3A_591 : i32
      %add3A_593 = arith.constant 48 : i32
      %add3A_594 = arith.addi %mul3A_592, %add3A_593 : i32
      %sub3A_595 = arith.subf %gather3A_589, %gather3A_585 : vector<16xf32>
      %swap3A_596 = arith.constant 0 : i32
      %swap3A_597 = arith.index_cast %swap3A_596 : i32 to index
      %swap3A_598 = arith.index_cast %add3A_594 : i32 to index
      %swap3A_599 = tpu.vector_load %arg7[%swap3A_597, %swap3A_598] {strides = array<i32>} : memref<4x10000xf32, #tpu.memory_space<vmem>>, vector<16xf32>,
      tpu.vector_store %arg7[%swap3A_597, %swap3A_598], %sub3A_595 {strides = array<i32>} : memref<4x10000xf32, #tpu.memory_space<vmem>>, vector<16xf32>,
      %sub3A_600 = arith.subf %gather3A_590, %gather3A_586 : vector<16xf32>
      %swap3A_601 = arith.constant 1 : i32
      %swap3A_602 = arith.index_cast %swap3A_601 : i32 to index
      %swap3A_603 = arith.index_cast %add3A_594 : i32 to index
      %swap3A_604 = tpu.vector_load %arg7[%swap3A_602, %swap3A_603] {strides = array<i32>} : memref<4x10000xf32, #tpu.memory_space<vmem>>, vector<16xf32>,
      tpu.vector_store %arg7[%swap3A_602, %swap3A_603], %sub3A_600 {strides = array<i32>} : memref<4x10000xf32, #tpu.memory_space<vmem>>, vector<16xf32>,
      %sub3A_605 = arith.subf %gather3A_588, %gather3A_584 : vector<16xf32>
      %swap3A_606 = arith.constant 2 : i32
      %swap3A_607 = arith.index_cast %swap3A_606 : i32 to index
      %swap3A_608 = arith.index_cast %add3A_594 : i32 to index
      %swap3A_609 = tpu.vector_load %arg7[%swap3A_607, %swap3A_608] {strides = array<i32>} : memref<4x10000xf32, #tpu.memory_space<vmem>>, vector<16xf32>,
      tpu.vector_store %arg7[%swap3A_607, %swap3A_608], %sub3A_605 {strides = array<i32>} : memref<4x10000xf32, #tpu.memory_space<vmem>>, vector<16xf32>,
      %swap3A_610 = arith.constant 3 : i32
      %swap3A_611 = arith.index_cast %swap3A_610 : i32 to index
      %swap3A_612 = arith.index_cast %add3A_594 : i32 to index
      %swap3A_613 = tpu.vector_load %arg7[%swap3A_611, %swap3A_612] {strides = array<i32>} : memref<4x10000xf32, #tpu.memory_space<vmem>>, vector<16xf32>,
      tpu.vector_store %arg7[%swap3A_611, %swap3A_612], %gather3A_587 {strides = array<i32>} : memref<4x10000xf32, #tpu.memory_space<vmem>>, vector<16xf32>,
      %iota3A_614 = tpu.iota {dimensions = array<i32: 0>} : vector<16xi32>
      %add3A_615 = arith.constant 64 : i32
      %add3A_616 = vector.broadcast %add3A_615 : i32 to vector<16xi32>
      %add3A_617 = arith.addi %iota3A_614, %add3A_616 : vector<16xi32>
      %gather3A_618 = tpu.vector_load_idx %arg10[%add3A_617, %broadcast_in_dim3A_1] : memref<80x8xf32, #tpu.memory_space<vmem>>[vector<16xi32>, vector<16xi32>], vector<16xf32>,
      %gather3A_619 = tpu.vector_load_idx %arg10[%add3A_617, %broadcast_in_dim3A_3] : memref<80x8xf32, #tpu.memory_space<vmem>>[vector<16xi32>, vector<16xi32>], vector<16xf32>,
      %gather3A_620 = tpu.vector_load_idx %arg10[%add3A_617, %broadcast_in_dim3A_5] : memref<80x8xf32, #tpu.memory_space<vmem>>[vector<16xi32>, vector<16xi32>], vector<16xf32>,
      %gather3A_621 = tpu.vector_load_idx %arg10[%add3A_617, %broadcast_in_dim3A_7] : memref<80x8xf32, #tpu.memory_space<vmem>>[vector<16xi32>, vector<16xi32>], vector<16xf32>,
      %gather3A_622 = tpu.vector_load_idx %arg15[%add3A_617, %broadcast_in_dim3A_1] : memref<80x8xf32, #tpu.memory_space<vmem>>[vector<16xi32>, vector<16xi32>], vector<16xf32>,
      %gather3A_623 = tpu.vector_load_idx %arg15[%add3A_617, %broadcast_in_dim3A_3] : memref<80x8xf32, #tpu.memory_space<vmem>>[vector<16xi32>, vector<16xi32>], vector<16xf32>,
      %gather3A_624 = tpu.vector_load_idx %arg15[%add3A_617, %broadcast_in_dim3A_5] : memref<80x8xf32, #tpu.memory_space<vmem>>[vector<16xi32>, vector<16xi32>], vector<16xf32>,
      %mul3A_625 = arith.constant 80 : i32
      %mul3A_626 = arith.muli %add3A_465, %mul3A_625 : i32
      %add3A_627 = arith.constant 64 : i32
      %add3A_628 = arith.addi %mul3A_626, %add3A_627 : i32
      %sub3A_629 = arith.subf %gather3A_623, %gather3A_619 : vector<16xf32>
      %swap3A_630 = arith.constant 0 : i32
      %swap3A_631 = arith.index_cast %swap3A_630 : i32 to index
      %swap3A_632 = arith.index_cast %add3A_628 : i32 to index
      %swap3A_633 = tpu.vector_load %arg7[%swap3A_631, %swap3A_632] {strides = array<i32>} : memref<4x10000xf32, #tpu.memory_space<vmem>>, vector<16xf32>,
      tpu.vector_store %arg7[%swap3A_631, %swap3A_632], %sub3A_629 {strides = array<i32>} : memref<4x10000xf32, #tpu.memory_space<vmem>>, vector<16xf32>,
      %sub3A_634 = arith.subf %gather3A_624, %gather3A_620 : vector<16xf32>
      %swap3A_635 = arith.constant 1 : i32
      %swap3A_636 = arith.index_cast %swap3A_635 : i32 to index
      %swap3A_637 = arith.index_cast %add3A_628 : i32 to index
      %swap3A_638 = tpu.vector_load %arg7[%swap3A_636, %swap3A_637] {strides = array<i32>} : memref<4x10000xf32, #tpu.memory_space<vmem>>, vector<16xf32>,
      tpu.vector_store %arg7[%swap3A_636, %swap3A_637], %sub3A_634 {strides = array<i32>} : memref<4x10000xf32, #tpu.memory_space<vmem>>, vector<16xf32>,
      %sub3A_639 = arith.subf %gather3A_622, %gather3A_618 : vector<16xf32>
      %swap3A_640 = arith.constant 2 : i32
      %swap3A_641 = arith.index_cast %swap3A_640 : i32 to index
      %swap3A_642 = arith.index_cast %add3A_628 : i32 to index
      %swap3A_643 = tpu.vector_load %arg7[%swap3A_641, %swap3A_642] {strides = array<i32>} : memref<4x10000xf32, #tpu.memory_space<vmem>>, vector<16xf32>,
      tpu.vector_store %arg7[%swap3A_641, %swap3A_642], %sub3A_639 {strides = array<i32>} : memref<4x10000xf32, #tpu.memory_space<vmem>>, vector<16xf32>,
      %swap3A_644 = arith.constant 3 : i32
      %swap3A_645 = arith.index_cast %swap3A_644 : i32 to index
      %swap3A_646 = arith.index_cast %add3A_628 : i32 to index
      %swap3A_647 = tpu.vector_load %arg7[%swap3A_645, %swap3A_646] {strides = array<i32>} : memref<4x10000xf32, #tpu.memory_space<vmem>>, vector<16xf32>,
      tpu.vector_store %arg7[%swap3A_645, %swap3A_646], %gather3A_621 {strides = array<i32>} : memref<4x10000xf32, #tpu.memory_space<vmem>>, vector<16xf32>,
      %add3A_648 = arith.constant 5 : i32
      %add3A_649 = arith.addi %add3A_465, %add3A_648 : i32
      %lt3A_650 = arith.constant 125 : i32
      %lt3A_651 = arith.cmpi slt, %add3A_649, %lt3A_650 : i32
      %convert_element_type3A_652 = arith.extui %lt3A_651 : i1 to i32
      %cond3A_653 = arith.constant 0 : i32
      %cond3A_654 = arith.cmpi ne, %convert_element_type3A_652, %cond3A_653 : i32
      scf.if %cond3A_654 {
        %mul3A_1041 = arith.constant 80 : i32
        %mul3A_1042 = arith.muli %add3A_649, %mul3A_1041 : i32
        %dma_start3A_1043 = tpu.memref_slice %arg5[%mul3A_1042] : memref<10000xi32, #tpu.memory_space<vmem>> -> memref<80xi32, #tpu.memory_space<vmem>>
        %dma_start3A_1044 = arith.constant 0 : i32
        %dma_start3A_1045 = arith.constant 0 : i32
        %dma_start3A_1046 = tpu.memref_slice %arg2[%dma_start3A_1044, %dma_start3A_1045] : memref<10000x8xf32, #tpu.memory_space<hbm>> -> memref<10000x8xf32, #tpu.memory_space<hbm>>
        tpu.enqueue_indirect_dma source(%dma_start3A_1046 : memref<10000x8xf32, #tpu.memory_space<hbm>>) target(%arg10 : memref<80x8xf32, #tpu.memory_space<vmem>>) offsets(%dma_start3A_1043 : memref<80xi32, #tpu.memory_space<vmem>>) semaphore(%arg20 : memref<!tpu.dma_semaphore, #tpu.memory_space<semaphore_mem>>)
        %mul3A_1047 = arith.constant 80 : i32
        %mul3A_1048 = arith.muli %add3A_649, %mul3A_1047 : i32
        %dma_start3A_1049 = tpu.memref_slice %arg6[%mul3A_1048] : memref<10000xi32, #tpu.memory_space<vmem>> -> memref<80xi32, #tpu.memory_space<vmem>>
        %dma_start3A_1050 = arith.constant 0 : i32
        %dma_start3A_1051 = arith.constant 0 : i32
        %dma_start3A_1052 = tpu.memref_slice %arg2[%dma_start3A_1050, %dma_start3A_1051] : memref<10000x8xf32, #tpu.memory_space<hbm>> -> memref<10000x8xf32, #tpu.memory_space<hbm>>
        tpu.enqueue_indirect_dma source(%dma_start3A_1052 : memref<10000x8xf32, #tpu.memory_space<hbm>>) target(%arg15 : memref<80x8xf32, #tpu.memory_space<vmem>>) offsets(%dma_start3A_1049 : memref<80xi32, #tpu.memory_space<vmem>>) semaphore(%arg25 : memref<!tpu.dma_semaphore, #tpu.memory_space<semaphore_mem>>)
      } else {
      }
      %mul3A_655 = arith.constant 5 : i32
      %mul3A_656 = arith.muli %scan3A_83, %mul3A_655 : i32
      %add3A_657 = arith.constant 3 : i32
      %add3A_658 = arith.addi %mul3A_656, %add3A_657 : i32
      %dma_wait3A_659 = arith.constant 0 : i32
      %dma_wait3A_660 = arith.constant 0 : i32
      %dma_wait3A_661 = tpu.memref_slice %arg2[%dma_wait3A_659, %dma_wait3A_660] : memref<10000x8xf32, #tpu.memory_space<hbm>> -> memref<80x8xf32, #tpu.memory_space<hbm>>
      %dma_wait3A_662 = arith.constant 0 : i32
      %dma_wait3A_663 = arith.constant 0 : i32
      %dma_wait3A_664 = tpu.memref_slice %arg2[%dma_wait3A_662, %dma_wait3A_663] : memref<10000x8xf32, #tpu.memory_space<hbm>> -> memref<80x8xf32, #tpu.memory_space<hbm>>
      tpu.wait_dma2 semaphore(%arg21 : memref<!tpu.dma_semaphore, #tpu.memory_space<semaphore_mem>>) src(%dma_wait3A_664 : memref<80x8xf32, #tpu.memory_space<hbm>>) dst(%arg11 : memref<80x8xf32, #tpu.memory_space<vmem>>)
      %dma_wait3A_665 = arith.constant 0 : i32
      %dma_wait3A_666 = arith.constant 0 : i32
      %dma_wait3A_667 = tpu.memref_slice %arg2[%dma_wait3A_665, %dma_wait3A_666] : memref<10000x8xf32, #tpu.memory_space<hbm>> -> memref<80x8xf32, #tpu.memory_space<hbm>>
      %dma_wait3A_668 = arith.constant 0 : i32
      %dma_wait3A_669 = arith.constant 0 : i32
      %dma_wait3A_670 = tpu.memref_slice %arg2[%dma_wait3A_668, %dma_wait3A_669] : memref<10000x8xf32, #tpu.memory_space<hbm>> -> memref<80x8xf32, #tpu.memory_space<hbm>>
      tpu.wait_dma2 semaphore(%arg26 : memref<!tpu.dma_semaphore, #tpu.memory_space<semaphore_mem>>) src(%dma_wait3A_670 : memref<80x8xf32, #tpu.memory_space<hbm>>) dst(%arg16 : memref<80x8xf32, #tpu.memory_space<vmem>>)
      %iota3A_671 = tpu.iota {dimensions = array<i32: 0>} : vector<16xi32>
      %add3A_672 = arith.constant 0 : i32
      %add3A_673 = vector.broadcast %add3A_672 : i32 to vector<16xi32>
      %add3A_674 = arith.addi %iota3A_671, %add3A_673 : vector<16xi32>
      %gather3A_675 = tpu.vector_load_idx %arg11[%add3A_674, %broadcast_in_dim3A_1] : memref<80x8xf32, #tpu.memory_space<vmem>>[vector<16xi32>, vector<16xi32>], vector<16xf32>,
      %gather3A_676 = tpu.vector_load_idx %arg11[%add3A_674, %broadcast_in_dim3A_3] : memref<80x8xf32, #tpu.memory_space<vmem>>[vector<16xi32>, vector<16xi32>], vector<16xf32>,
      %gather3A_677 = tpu.vector_load_idx %arg11[%add3A_674, %broadcast_in_dim3A_5] : memref<80x8xf32, #tpu.memory_space<vmem>>[vector<16xi32>, vector<16xi32>], vector<16xf32>,
      %gather3A_678 = tpu.vector_load_idx %arg11[%add3A_674, %broadcast_in_dim3A_7] : memref<80x8xf32, #tpu.memory_space<vmem>>[vector<16xi32>, vector<16xi32>], vector<16xf32>,
      %gather3A_679 = tpu.vector_load_idx %arg16[%add3A_674, %broadcast_in_dim3A_1] : memref<80x8xf32, #tpu.memory_space<vmem>>[vector<16xi32>, vector<16xi32>], vector<16xf32>,
      %gather3A_680 = tpu.vector_load_idx %arg16[%add3A_674, %broadcast_in_dim3A_3] : memref<80x8xf32, #tpu.memory_space<vmem>>[vector<16xi32>, vector<16xi32>], vector<16xf32>,
      %gather3A_681 = tpu.vector_load_idx %arg16[%add3A_674, %broadcast_in_dim3A_5] : memref<80x8xf32, #tpu.memory_space<vmem>>[vector<16xi32>, vector<16xi32>], vector<16xf32>,
      %mul3A_682 = arith.constant 80 : i32
      %mul3A_683 = arith.muli %add3A_658, %mul3A_682 : i32
      %add3A_684 = arith.constant 0 : i32
      %add3A_685 = arith.addi %mul3A_683, %add3A_684 : i32
      %sub3A_686 = arith.subf %gather3A_680, %gather3A_676 : vector<16xf32>
      %swap3A_687 = arith.constant 0 : i32
      %swap3A_688 = arith.index_cast %swap3A_687 : i32 to index
      %swap3A_689 = arith.index_cast %add3A_685 : i32 to index
      %swap3A_690 = tpu.vector_load %arg7[%swap3A_688, %swap3A_689] {strides = array<i32>} : memref<4x10000xf32, #tpu.memory_space<vmem>>, vector<16xf32>,
      tpu.vector_store %arg7[%swap3A_688, %swap3A_689], %sub3A_686 {strides = array<i32>} : memref<4x10000xf32, #tpu.memory_space<vmem>>, vector<16xf32>,
      %sub3A_691 = arith.subf %gather3A_681, %gather3A_677 : vector<16xf32>
      %swap3A_692 = arith.constant 1 : i32
      %swap3A_693 = arith.index_cast %swap3A_692 : i32 to index
      %swap3A_694 = arith.index_cast %add3A_685 : i32 to index
      %swap3A_695 = tpu.vector_load %arg7[%swap3A_693, %swap3A_694] {strides = array<i32>} : memref<4x10000xf32, #tpu.memory_space<vmem>>, vector<16xf32>,
      tpu.vector_store %arg7[%swap3A_693, %swap3A_694], %sub3A_691 {strides = array<i32>} : memref<4x10000xf32, #tpu.memory_space<vmem>>, vector<16xf32>,
      %sub3A_696 = arith.subf %gather3A_679, %gather3A_675 : vector<16xf32>
      %swap3A_697 = arith.constant 2 : i32
      %swap3A_698 = arith.index_cast %swap3A_697 : i32 to index
      %swap3A_699 = arith.index_cast %add3A_685 : i32 to index
      %swap3A_700 = tpu.vector_load %arg7[%swap3A_698, %swap3A_699] {strides = array<i32>} : memref<4x10000xf32, #tpu.memory_space<vmem>>, vector<16xf32>,
      tpu.vector_store %arg7[%swap3A_698, %swap3A_699], %sub3A_696 {strides = array<i32>} : memref<4x10000xf32, #tpu.memory_space<vmem>>, vector<16xf32>,
      %swap3A_701 = arith.constant 3 : i32
      %swap3A_702 = arith.index_cast %swap3A_701 : i32 to index
      %swap3A_703 = arith.index_cast %add3A_685 : i32 to index
      %swap3A_704 = tpu.vector_load %arg7[%swap3A_702, %swap3A_703] {strides = array<i32>} : memref<4x10000xf32, #tpu.memory_space<vmem>>, vector<16xf32>,
      tpu.vector_store %arg7[%swap3A_702, %swap3A_703], %gather3A_678 {strides = array<i32>} : memref<4x10000xf32, #tpu.memory_space<vmem>>, vector<16xf32>,
      %iota3A_705 = tpu.iota {dimensions = array<i32: 0>} : vector<16xi32>
      %add3A_706 = arith.constant 16 : i32
      %add3A_707 = vector.broadcast %add3A_706 : i32 to vector<16xi32>
      %add3A_708 = arith.addi %iota3A_705, %add3A_707 : vector<16xi32>
      %gather3A_709 = tpu.vector_load_idx %arg11[%add3A_708, %broadcast_in_dim3A_1] : memref<80x8xf32, #tpu.memory_space<vmem>>[vector<16xi32>, vector<16xi32>], vector<16xf32>,
      %gather3A_710 = tpu.vector_load_idx %arg11[%add3A_708, %broadcast_in_dim3A_3] : memref<80x8xf32, #tpu.memory_space<vmem>>[vector<16xi32>, vector<16xi32>], vector<16xf32>,
      %gather3A_711 = tpu.vector_load_idx %arg11[%add3A_708, %broadcast_in_dim3A_5] : memref<80x8xf32, #tpu.memory_space<vmem>>[vector<16xi32>, vector<16xi32>], vector<16xf32>,
      %gather3A_712 = tpu.vector_load_idx %arg11[%add3A_708, %broadcast_in_dim3A_7] : memref<80x8xf32, #tpu.memory_space<vmem>>[vector<16xi32>, vector<16xi32>], vector<16xf32>,
      %gather3A_713 = tpu.vector_load_idx %arg16[%add3A_708, %broadcast_in_dim3A_1] : memref<80x8xf32, #tpu.memory_space<vmem>>[vector<16xi32>, vector<16xi32>], vector<16xf32>,
      %gather3A_714 = tpu.vector_load_idx %arg16[%add3A_708, %broadcast_in_dim3A_3] : memref<80x8xf32, #tpu.memory_space<vmem>>[vector<16xi32>, vector<16xi32>], vector<16xf32>,
      %gather3A_715 = tpu.vector_load_idx %arg16[%add3A_708, %broadcast_in_dim3A_5] : memref<80x8xf32, #tpu.memory_space<vmem>>[vector<16xi32>, vector<16xi32>], vector<16xf32>,
      %mul3A_716 = arith.constant 80 : i32
      %mul3A_717 = arith.muli %add3A_658, %mul3A_716 : i32
      %add3A_718 = arith.constant 16 : i32
      %add3A_719 = arith.addi %mul3A_717, %add3A_718 : i32
      %sub3A_720 = arith.subf %gather3A_714, %gather3A_710 : vector<16xf32>
      %swap3A_721 = arith.constant 0 : i32
      %swap3A_722 = arith.index_cast %swap3A_721 : i32 to index
      %swap3A_723 = arith.index_cast %add3A_719 : i32 to index
      %swap3A_724 = tpu.vector_load %arg7[%swap3A_722, %swap3A_723] {strides = array<i32>} : memref<4x10000xf32, #tpu.memory_space<vmem>>, vector<16xf32>,
      tpu.vector_store %arg7[%swap3A_722, %swap3A_723], %sub3A_720 {strides = array<i32>} : memref<4x10000xf32, #tpu.memory_space<vmem>>, vector<16xf32>,
      %sub3A_725 = arith.subf %gather3A_715, %gather3A_711 : vector<16xf32>
      %swap3A_726 = arith.constant 1 : i32
      %swap3A_727 = arith.index_cast %swap3A_726 : i32 to index
      %swap3A_728 = arith.index_cast %add3A_719 : i32 to index
      %swap3A_729 = tpu.vector_load %arg7[%swap3A_727, %swap3A_728] {strides = array<i32>} : memref<4x10000xf32, #tpu.memory_space<vmem>>, vector<16xf32>,
      tpu.vector_store %arg7[%swap3A_727, %swap3A_728], %sub3A_725 {strides = array<i32>} : memref<4x10000xf32, #tpu.memory_space<vmem>>, vector<16xf32>,
      %sub3A_730 = arith.subf %gather3A_713, %gather3A_709 : vector<16xf32>
      %swap3A_731 = arith.constant 2 : i32
      %swap3A_732 = arith.index_cast %swap3A_731 : i32 to index
      %swap3A_733 = arith.index_cast %add3A_719 : i32 to index
      %swap3A_734 = tpu.vector_load %arg7[%swap3A_732, %swap3A_733] {strides = array<i32>} : memref<4x10000xf32, #tpu.memory_space<vmem>>, vector<16xf32>,
      tpu.vector_store %arg7[%swap3A_732, %swap3A_733], %sub3A_730 {strides = array<i32>} : memref<4x10000xf32, #tpu.memory_space<vmem>>, vector<16xf32>,
      %swap3A_735 = arith.constant 3 : i32
      %swap3A_736 = arith.index_cast %swap3A_735 : i32 to index
      %swap3A_737 = arith.index_cast %add3A_719 : i32 to index
      %swap3A_738 = tpu.vector_load %arg7[%swap3A_736, %swap3A_737] {strides = array<i32>} : memref<4x10000xf32, #tpu.memory_space<vmem>>, vector<16xf32>,
      tpu.vector_store %arg7[%swap3A_736, %swap3A_737], %gather3A_712 {strides = array<i32>} : memref<4x10000xf32, #tpu.memory_space<vmem>>, vector<16xf32>,
      %iota3A_739 = tpu.iota {dimensions = array<i32: 0>} : vector<16xi32>
      %add3A_740 = arith.constant 32 : i32
      %add3A_741 = vector.broadcast %add3A_740 : i32 to vector<16xi32>
      %add3A_742 = arith.addi %iota3A_739, %add3A_741 : vector<16xi32>
      %gather3A_743 = tpu.vector_load_idx %arg11[%add3A_742, %broadcast_in_dim3A_1] : memref<80x8xf32, #tpu.memory_space<vmem>>[vector<16xi32>, vector<16xi32>], vector<16xf32>,
      %gather3A_744 = tpu.vector_load_idx %arg11[%add3A_742, %broadcast_in_dim3A_3] : memref<80x8xf32, #tpu.memory_space<vmem>>[vector<16xi32>, vector<16xi32>], vector<16xf32>,
      %gather3A_745 = tpu.vector_load_idx %arg11[%add3A_742, %broadcast_in_dim3A_5] : memref<80x8xf32, #tpu.memory_space<vmem>>[vector<16xi32>, vector<16xi32>], vector<16xf32>,
      %gather3A_746 = tpu.vector_load_idx %arg11[%add3A_742, %broadcast_in_dim3A_7] : memref<80x8xf32, #tpu.memory_space<vmem>>[vector<16xi32>, vector<16xi32>], vector<16xf32>,
      %gather3A_747 = tpu.vector_load_idx %arg16[%add3A_742, %broadcast_in_dim3A_1] : memref<80x8xf32, #tpu.memory_space<vmem>>[vector<16xi32>, vector<16xi32>], vector<16xf32>,
      %gather3A_748 = tpu.vector_load_idx %arg16[%add3A_742, %broadcast_in_dim3A_3] : memref<80x8xf32, #tpu.memory_space<vmem>>[vector<16xi32>, vector<16xi32>], vector<16xf32>,
      %gather3A_749 = tpu.vector_load_idx %arg16[%add3A_742, %broadcast_in_dim3A_5] : memref<80x8xf32, #tpu.memory_space<vmem>>[vector<16xi32>, vector<16xi32>], vector<16xf32>,
      %mul3A_750 = arith.constant 80 : i32
      %mul3A_751 = arith.muli %add3A_658, %mul3A_750 : i32
      %add3A_752 = arith.constant 32 : i32
      %add3A_753 = arith.addi %mul3A_751, %add3A_752 : i32
      %sub3A_754 = arith.subf %gather3A_748, %gather3A_744 : vector<16xf32>
      %swap3A_755 = arith.constant 0 : i32
      %swap3A_756 = arith.index_cast %swap3A_755 : i32 to index
      %swap3A_757 = arith.index_cast %add3A_753 : i32 to index
      %swap3A_758 = tpu.vector_load %arg7[%swap3A_756, %swap3A_757] {strides = array<i32>} : memref<4x10000xf32, #tpu.memory_space<vmem>>, vector<16xf32>,
      tpu.vector_store %arg7[%swap3A_756, %swap3A_757], %sub3A_754 {strides = array<i32>} : memref<4x10000xf32, #tpu.memory_space<vmem>>, vector<16xf32>,
      %sub3A_759 = arith.subf %gather3A_749, %gather3A_745 : vector<16xf32>
      %swap3A_760 = arith.constant 1 : i32
      %swap3A_761 = arith.index_cast %swap3A_760 : i32 to index
      %swap3A_762 = arith.index_cast %add3A_753 : i32 to index
      %swap3A_763 = tpu.vector_load %arg7[%swap3A_761, %swap3A_762] {strides = array<i32>} : memref<4x10000xf32, #tpu.memory_space<vmem>>, vector<16xf32>,
      tpu.vector_store %arg7[%swap3A_761, %swap3A_762], %sub3A_759 {strides = array<i32>} : memref<4x10000xf32, #tpu.memory_space<vmem>>, vector<16xf32>,
      %sub3A_764 = arith.subf %gather3A_747, %gather3A_743 : vector<16xf32>
      %swap3A_765 = arith.constant 2 : i32
      %swap3A_766 = arith.index_cast %swap3A_765 : i32 to index
      %swap3A_767 = arith.index_cast %add3A_753 : i32 to index
      %swap3A_768 = tpu.vector_load %arg7[%swap3A_766, %swap3A_767] {strides = array<i32>} : memref<4x10000xf32, #tpu.memory_space<vmem>>, vector<16xf32>,
      tpu.vector_store %arg7[%swap3A_766, %swap3A_767], %sub3A_764 {strides = array<i32>} : memref<4x10000xf32, #tpu.memory_space<vmem>>, vector<16xf32>,
      %swap3A_769 = arith.constant 3 : i32
      %swap3A_770 = arith.index_cast %swap3A_769 : i32 to index
      %swap3A_771 = arith.index_cast %add3A_753 : i32 to index
      %swap3A_772 = tpu.vector_load %arg7[%swap3A_770, %swap3A_771] {strides = array<i32>} : memref<4x10000xf32, #tpu.memory_space<vmem>>, vector<16xf32>,
      tpu.vector_store %arg7[%swap3A_770, %swap3A_771], %gather3A_746 {strides = array<i32>} : memref<4x10000xf32, #tpu.memory_space<vmem>>, vector<16xf32>,
      %iota3A_773 = tpu.iota {dimensions = array<i32: 0>} : vector<16xi32>
      %add3A_774 = arith.constant 48 : i32
      %add3A_775 = vector.broadcast %add3A_774 : i32 to vector<16xi32>
      %add3A_776 = arith.addi %iota3A_773, %add3A_775 : vector<16xi32>
      %gather3A_777 = tpu.vector_load_idx %arg11[%add3A_776, %broadcast_in_dim3A_1] : memref<80x8xf32, #tpu.memory_space<vmem>>[vector<16xi32>, vector<16xi32>], vector<16xf32>,
      %gather3A_778 = tpu.vector_load_idx %arg11[%add3A_776, %broadcast_in_dim3A_3] : memref<80x8xf32, #tpu.memory_space<vmem>>[vector<16xi32>, vector<16xi32>], vector<16xf32>,
      %gather3A_779 = tpu.vector_load_idx %arg11[%add3A_776, %broadcast_in_dim3A_5] : memref<80x8xf32, #tpu.memory_space<vmem>>[vector<16xi32>, vector<16xi32>], vector<16xf32>,
      %gather3A_780 = tpu.vector_load_idx %arg11[%add3A_776, %broadcast_in_dim3A_7] : memref<80x8xf32, #tpu.memory_space<vmem>>[vector<16xi32>, vector<16xi32>], vector<16xf32>,
      %gather3A_781 = tpu.vector_load_idx %arg16[%add3A_776, %broadcast_in_dim3A_1] : memref<80x8xf32, #tpu.memory_space<vmem>>[vector<16xi32>, vector<16xi32>], vector<16xf32>,
      %gather3A_782 = tpu.vector_load_idx %arg16[%add3A_776, %broadcast_in_dim3A_3] : memref<80x8xf32, #tpu.memory_space<vmem>>[vector<16xi32>, vector<16xi32>], vector<16xf32>,
      %gather3A_783 = tpu.vector_load_idx %arg16[%add3A_776, %broadcast_in_dim3A_5] : memref<80x8xf32, #tpu.memory_space<vmem>>[vector<16xi32>, vector<16xi32>], vector<16xf32>,
      %mul3A_784 = arith.constant 80 : i32
      %mul3A_785 = arith.muli %add3A_658, %mul3A_784 : i32
      %add3A_786 = arith.constant 48 : i32
      %add3A_787 = arith.addi %mul3A_785, %add3A_786 : i32
      %sub3A_788 = arith.subf %gather3A_782, %gather3A_778 : vector<16xf32>
      %swap3A_789 = arith.constant 0 : i32
      %swap3A_790 = arith.index_cast %swap3A_789 : i32 to index
      %swap3A_791 = arith.index_cast %add3A_787 : i32 to index
      %swap3A_792 = tpu.vector_load %arg7[%swap3A_790, %swap3A_791] {strides = array<i32>} : memref<4x10000xf32, #tpu.memory_space<vmem>>, vector<16xf32>,
      tpu.vector_store %arg7[%swap3A_790, %swap3A_791], %sub3A_788 {strides = array<i32>} : memref<4x10000xf32, #tpu.memory_space<vmem>>, vector<16xf32>,
      %sub3A_793 = arith.subf %gather3A_783, %gather3A_779 : vector<16xf32>
      %swap3A_794 = arith.constant 1 : i32
      %swap3A_795 = arith.index_cast %swap3A_794 : i32 to index
      %swap3A_796 = arith.index_cast %add3A_787 : i32 to index
      %swap3A_797 = tpu.vector_load %arg7[%swap3A_795, %swap3A_796] {strides = array<i32>} : memref<4x10000xf32, #tpu.memory_space<vmem>>, vector<16xf32>,
      tpu.vector_store %arg7[%swap3A_795, %swap3A_796], %sub3A_793 {strides = array<i32>} : memref<4x10000xf32, #tpu.memory_space<vmem>>, vector<16xf32>,
      %sub3A_798 = arith.subf %gather3A_781, %gather3A_777 : vector<16xf32>
      %swap3A_799 = arith.constant 2 : i32
      %swap3A_800 = arith.index_cast %swap3A_799 : i32 to index
      %swap3A_801 = arith.index_cast %add3A_787 : i32 to index
      %swap3A_802 = tpu.vector_load %arg7[%swap3A_800, %swap3A_801] {strides = array<i32>} : memref<4x10000xf32, #tpu.memory_space<vmem>>, vector<16xf32>,
      tpu.vector_store %arg7[%swap3A_800, %swap3A_801], %sub3A_798 {strides = array<i32>} : memref<4x10000xf32, #tpu.memory_space<vmem>>, vector<16xf32>,
      %swap3A_803 = arith.constant 3 : i32
      %swap3A_804 = arith.index_cast %swap3A_803 : i32 to index
      %swap3A_805 = arith.index_cast %add3A_787 : i32 to index
      %swap3A_806 = tpu.vector_load %arg7[%swap3A_804, %swap3A_805] {strides = array<i32>} : memref<4x10000xf32, #tpu.memory_space<vmem>>, vector<16xf32>,
      tpu.vector_store %arg7[%swap3A_804, %swap3A_805], %gather3A_780 {strides = array<i32>} : memref<4x10000xf32, #tpu.memory_space<vmem>>, vector<16xf32>,
      %iota3A_807 = tpu.iota {dimensions = array<i32: 0>} : vector<16xi32>
      %add3A_808 = arith.constant 64 : i32
      %add3A_809 = vector.broadcast %add3A_808 : i32 to vector<16xi32>
      %add3A_810 = arith.addi %iota3A_807, %add3A_809 : vector<16xi32>
      %gather3A_811 = tpu.vector_load_idx %arg11[%add3A_810, %broadcast_in_dim3A_1] : memref<80x8xf32, #tpu.memory_space<vmem>>[vector<16xi32>, vector<16xi32>], vector<16xf32>,
      %gather3A_812 = tpu.vector_load_idx %arg11[%add3A_810, %broadcast_in_dim3A_3] : memref<80x8xf32, #tpu.memory_space<vmem>>[vector<16xi32>, vector<16xi32>], vector<16xf32>,
      %gather3A_813 = tpu.vector_load_idx %arg11[%add3A_810, %broadcast_in_dim3A_5] : memref<80x8xf32, #tpu.memory_space<vmem>>[vector<16xi32>, vector<16xi32>], vector<16xf32>,
      %gather3A_814 = tpu.vector_load_idx %arg11[%add3A_810, %broadcast_in_dim3A_7] : memref<80x8xf32, #tpu.memory_space<vmem>>[vector<16xi32>, vector<16xi32>], vector<16xf32>,
      %gather3A_815 = tpu.vector_load_idx %arg16[%add3A_810, %broadcast_in_dim3A_1] : memref<80x8xf32, #tpu.memory_space<vmem>>[vector<16xi32>, vector<16xi32>], vector<16xf32>,
      %gather3A_816 = tpu.vector_load_idx %arg16[%add3A_810, %broadcast_in_dim3A_3] : memref<80x8xf32, #tpu.memory_space<vmem>>[vector<16xi32>, vector<16xi32>], vector<16xf32>,
      %gather3A_817 = tpu.vector_load_idx %arg16[%add3A_810, %broadcast_in_dim3A_5] : memref<80x8xf32, #tpu.memory_space<vmem>>[vector<16xi32>, vector<16xi32>], vector<16xf32>,
      %mul3A_818 = arith.constant 80 : i32
      %mul3A_819 = arith.muli %add3A_658, %mul3A_818 : i32
      %add3A_820 = arith.constant 64 : i32
      %add3A_821 = arith.addi %mul3A_819, %add3A_820 : i32
      %sub3A_822 = arith.subf %gather3A_816, %gather3A_812 : vector<16xf32>
      %swap3A_823 = arith.constant 0 : i32
      %swap3A_824 = arith.index_cast %swap3A_823 : i32 to index
      %swap3A_825 = arith.index_cast %add3A_821 : i32 to index
      %swap3A_826 = tpu.vector_load %arg7[%swap3A_824, %swap3A_825] {strides = array<i32>} : memref<4x10000xf32, #tpu.memory_space<vmem>>, vector<16xf32>,
      tpu.vector_store %arg7[%swap3A_824, %swap3A_825], %sub3A_822 {strides = array<i32>} : memref<4x10000xf32, #tpu.memory_space<vmem>>, vector<16xf32>,
      %sub3A_827 = arith.subf %gather3A_817, %gather3A_813 : vector<16xf32>
      %swap3A_828 = arith.constant 1 : i32
      %swap3A_829 = arith.index_cast %swap3A_828 : i32 to index
      %swap3A_830 = arith.index_cast %add3A_821 : i32 to index
      %swap3A_831 = tpu.vector_load %arg7[%swap3A_829, %swap3A_830] {strides = array<i32>} : memref<4x10000xf32, #tpu.memory_space<vmem>>, vector<16xf32>,
      tpu.vector_store %arg7[%swap3A_829, %swap3A_830], %sub3A_827 {strides = array<i32>} : memref<4x10000xf32, #tpu.memory_space<vmem>>, vector<16xf32>,
      %sub3A_832 = arith.subf %gather3A_815, %gather3A_811 : vector<16xf32>
      %swap3A_833 = arith.constant 2 : i32
      %swap3A_834 = arith.index_cast %swap3A_833 : i32 to index
      %swap3A_835 = arith.index_cast %add3A_821 : i32 to index
      %swap3A_836 = tpu.vector_load %arg7[%swap3A_834, %swap3A_835] {strides = array<i32>} : memref<4x10000xf32, #tpu.memory_space<vmem>>, vector<16xf32>,
      tpu.vector_store %arg7[%swap3A_834, %swap3A_835], %sub3A_832 {strides = array<i32>} : memref<4x10000xf32, #tpu.memory_space<vmem>>, vector<16xf32>,
      %swap3A_837 = arith.constant 3 : i32
      %swap3A_838 = arith.index_cast %swap3A_837 : i32 to index
      %swap3A_839 = arith.index_cast %add3A_821 : i32 to index
      %swap3A_840 = tpu.vector_load %arg7[%swap3A_838, %swap3A_839] {strides = array<i32>} : memref<4x10000xf32, #tpu.memory_space<vmem>>, vector<16xf32>,
      tpu.vector_store %arg7[%swap3A_838, %swap3A_839], %gather3A_814 {strides = array<i32>} : memref<4x10000xf32, #tpu.memory_space<vmem>>, vector<16xf32>,
      %add3A_841 = arith.constant 5 : i32
      %add3A_842 = arith.addi %add3A_658, %add3A_841 : i32
      %lt3A_843 = arith.constant 125 : i32
      %lt3A_844 = arith.cmpi slt, %add3A_842, %lt3A_843 : i32
      %convert_element_type3A_845 = arith.extui %lt3A_844 : i1 to i32
      %cond3A_846 = arith.constant 0 : i32
      %cond3A_847 = arith.cmpi ne, %convert_element_type3A_845, %cond3A_846 : i32
      scf.if %cond3A_847 {
        %mul3A_1041 = arith.constant 80 : i32
        %mul3A_1042 = arith.muli %add3A_842, %mul3A_1041 : i32
        %dma_start3A_1043 = tpu.memref_slice %arg5[%mul3A_1042] : memref<10000xi32, #tpu.memory_space<vmem>> -> memref<80xi32, #tpu.memory_space<vmem>>
        %dma_start3A_1044 = arith.constant 0 : i32
        %dma_start3A_1045 = arith.constant 0 : i32
        %dma_start3A_1046 = tpu.memref_slice %arg2[%dma_start3A_1044, %dma_start3A_1045] : memref<10000x8xf32, #tpu.memory_space<hbm>> -> memref<10000x8xf32, #tpu.memory_space<hbm>>
        tpu.enqueue_indirect_dma source(%dma_start3A_1046 : memref<10000x8xf32, #tpu.memory_space<hbm>>) target(%arg11 : memref<80x8xf32, #tpu.memory_space<vmem>>) offsets(%dma_start3A_1043 : memref<80xi32, #tpu.memory_space<vmem>>) semaphore(%arg21 : memref<!tpu.dma_semaphore, #tpu.memory_space<semaphore_mem>>)
        %mul3A_1047 = arith.constant 80 : i32
        %mul3A_1048 = arith.muli %add3A_842, %mul3A_1047 : i32
        %dma_start3A_1049 = tpu.memref_slice %arg6[%mul3A_1048] : memref<10000xi32, #tpu.memory_space<vmem>> -> memref<80xi32, #tpu.memory_space<vmem>>
        %dma_start3A_1050 = arith.constant 0 : i32
        %dma_start3A_1051 = arith.constant 0 : i32
        %dma_start3A_1052 = tpu.memref_slice %arg2[%dma_start3A_1050, %dma_start3A_1051] : memref<10000x8xf32, #tpu.memory_space<hbm>> -> memref<10000x8xf32, #tpu.memory_space<hbm>>
        tpu.enqueue_indirect_dma source(%dma_start3A_1052 : memref<10000x8xf32, #tpu.memory_space<hbm>>) target(%arg16 : memref<80x8xf32, #tpu.memory_space<vmem>>) offsets(%dma_start3A_1049 : memref<80xi32, #tpu.memory_space<vmem>>) semaphore(%arg26 : memref<!tpu.dma_semaphore, #tpu.memory_space<semaphore_mem>>)
      } else {
      }
      %mul3A_848 = arith.constant 5 : i32
      %mul3A_849 = arith.muli %scan3A_83, %mul3A_848 : i32
      %add3A_850 = arith.constant 4 : i32
      %add3A_851 = arith.addi %mul3A_849, %add3A_850 : i32
      %dma_wait3A_852 = arith.constant 0 : i32
      %dma_wait3A_853 = arith.constant 0 : i32
      %dma_wait3A_854 = tpu.memref_slice %arg2[%dma_wait3A_852, %dma_wait3A_853] : memref<10000x8xf32, #tpu.memory_space<hbm>> -> memref<80x8xf32, #tpu.memory_space<hbm>>
      %dma_wait3A_855 = arith.constant 0 : i32
      %dma_wait3A_856 = arith.constant 0 : i32
      %dma_wait3A_857 = tpu.memref_slice %arg2[%dma_wait3A_855, %dma_wait3A_856] : memref<10000x8xf32, #tpu.memory_space<hbm>> -> memref<80x8xf32, #tpu.memory_space<hbm>>
      tpu.wait_dma2 semaphore(%arg22 : memref<!tpu.dma_semaphore, #tpu.memory_space<semaphore_mem>>) src(%dma_wait3A_857 : memref<80x8xf32, #tpu.memory_space<hbm>>) dst(%arg12 : memref<80x8xf32, #tpu.memory_space<vmem>>)
      %dma_wait3A_858 = arith.constant 0 : i32
      %dma_wait3A_859 = arith.constant 0 : i32
      %dma_wait3A_860 = tpu.memref_slice %arg2[%dma_wait3A_858, %dma_wait3A_859] : memref<10000x8xf32, #tpu.memory_space<hbm>> -> memref<80x8xf32, #tpu.memory_space<hbm>>
      %dma_wait3A_861 = arith.constant 0 : i32
      %dma_wait3A_862 = arith.constant 0 : i32
      %dma_wait3A_863 = tpu.memref_slice %arg2[%dma_wait3A_861, %dma_wait3A_862] : memref<10000x8xf32, #tpu.memory_space<hbm>> -> memref<80x8xf32, #tpu.memory_space<hbm>>
      tpu.wait_dma2 semaphore(%arg27 : memref<!tpu.dma_semaphore, #tpu.memory_space<semaphore_mem>>) src(%dma_wait3A_863 : memref<80x8xf32, #tpu.memory_space<hbm>>) dst(%arg17 : memref<80x8xf32, #tpu.memory_space<vmem>>)
      %iota3A_864 = tpu.iota {dimensions = array<i32: 0>} : vector<16xi32>
      %add3A_865 = arith.constant 0 : i32
      %add3A_866 = vector.broadcast %add3A_865 : i32 to vector<16xi32>
      %add3A_867 = arith.addi %iota3A_864, %add3A_866 : vector<16xi32>
      %gather3A_868 = tpu.vector_load_idx %arg12[%add3A_867, %broadcast_in_dim3A_1] : memref<80x8xf32, #tpu.memory_space<vmem>>[vector<16xi32>, vector<16xi32>], vector<16xf32>,
      %gather3A_869 = tpu.vector_load_idx %arg12[%add3A_867, %broadcast_in_dim3A_3] : memref<80x8xf32, #tpu.memory_space<vmem>>[vector<16xi32>, vector<16xi32>], vector<16xf32>,
      %gather3A_870 = tpu.vector_load_idx %arg12[%add3A_867, %broadcast_in_dim3A_5] : memref<80x8xf32, #tpu.memory_space<vmem>>[vector<16xi32>, vector<16xi32>], vector<16xf32>,
      %gather3A_871 = tpu.vector_load_idx %arg12[%add3A_867, %broadcast_in_dim3A_7] : memref<80x8xf32, #tpu.memory_space<vmem>>[vector<16xi32>, vector<16xi32>], vector<16xf32>,
      %gather3A_872 = tpu.vector_load_idx %arg17[%add3A_867, %broadcast_in_dim3A_1] : memref<80x8xf32, #tpu.memory_space<vmem>>[vector<16xi32>, vector<16xi32>], vector<16xf32>,
      %gather3A_873 = tpu.vector_load_idx %arg17[%add3A_867, %broadcast_in_dim3A_3] : memref<80x8xf32, #tpu.memory_space<vmem>>[vector<16xi32>, vector<16xi32>], vector<16xf32>,
      %gather3A_874 = tpu.vector_load_idx %arg17[%add3A_867, %broadcast_in_dim3A_5] : memref<80x8xf32, #tpu.memory_space<vmem>>[vector<16xi32>, vector<16xi32>], vector<16xf32>,
      %mul3A_875 = arith.constant 80 : i32
      %mul3A_876 = arith.muli %add3A_851, %mul3A_875 : i32
      %add3A_877 = arith.constant 0 : i32
      %add3A_878 = arith.addi %mul3A_876, %add3A_877 : i32
      %sub3A_879 = arith.subf %gather3A_873, %gather3A_869 : vector<16xf32>
      %swap3A_880 = arith.constant 0 : i32
      %swap3A_881 = arith.index_cast %swap3A_880 : i32 to index
      %swap3A_882 = arith.index_cast %add3A_878 : i32 to index
      %swap3A_883 = tpu.vector_load %arg7[%swap3A_881, %swap3A_882] {strides = array<i32>} : memref<4x10000xf32, #tpu.memory_space<vmem>>, vector<16xf32>,
      tpu.vector_store %arg7[%swap3A_881, %swap3A_882], %sub3A_879 {strides = array<i32>} : memref<4x10000xf32, #tpu.memory_space<vmem>>, vector<16xf32>,
      %sub3A_884 = arith.subf %gather3A_874, %gather3A_870 : vector<16xf32>
      %swap3A_885 = arith.constant 1 : i32
      %swap3A_886 = arith.index_cast %swap3A_885 : i32 to index
      %swap3A_887 = arith.index_cast %add3A_878 : i32 to index
      %swap3A_888 = tpu.vector_load %arg7[%swap3A_886, %swap3A_887] {strides = array<i32>} : memref<4x10000xf32, #tpu.memory_space<vmem>>, vector<16xf32>,
      tpu.vector_store %arg7[%swap3A_886, %swap3A_887], %sub3A_884 {strides = array<i32>} : memref<4x10000xf32, #tpu.memory_space<vmem>>, vector<16xf32>,
      %sub3A_889 = arith.subf %gather3A_872, %gather3A_868 : vector<16xf32>
      %swap3A_890 = arith.constant 2 : i32
      %swap3A_891 = arith.index_cast %swap3A_890 : i32 to index
      %swap3A_892 = arith.index_cast %add3A_878 : i32 to index
      %swap3A_893 = tpu.vector_load %arg7[%swap3A_891, %swap3A_892] {strides = array<i32>} : memref<4x10000xf32, #tpu.memory_space<vmem>>, vector<16xf32>,
      tpu.vector_store %arg7[%swap3A_891, %swap3A_892], %sub3A_889 {strides = array<i32>} : memref<4x10000xf32, #tpu.memory_space<vmem>>, vector<16xf32>,
      %swap3A_894 = arith.constant 3 : i32
      %swap3A_895 = arith.index_cast %swap3A_894 : i32 to index
      %swap3A_896 = arith.index_cast %add3A_878 : i32 to index
      %swap3A_897 = tpu.vector_load %arg7[%swap3A_895, %swap3A_896] {strides = array<i32>} : memref<4x10000xf32, #tpu.memory_space<vmem>>, vector<16xf32>,
      tpu.vector_store %arg7[%swap3A_895, %swap3A_896], %gather3A_871 {strides = array<i32>} : memref<4x10000xf32, #tpu.memory_space<vmem>>, vector<16xf32>,
      %iota3A_898 = tpu.iota {dimensions = array<i32: 0>} : vector<16xi32>
      %add3A_899 = arith.constant 16 : i32
      %add3A_900 = vector.broadcast %add3A_899 : i32 to vector<16xi32>
      %add3A_901 = arith.addi %iota3A_898, %add3A_900 : vector<16xi32>
      %gather3A_902 = tpu.vector_load_idx %arg12[%add3A_901, %broadcast_in_dim3A_1] : memref<80x8xf32, #tpu.memory_space<vmem>>[vector<16xi32>, vector<16xi32>], vector<16xf32>,
      %gather3A_903 = tpu.vector_load_idx %arg12[%add3A_901, %broadcast_in_dim3A_3] : memref<80x8xf32, #tpu.memory_space<vmem>>[vector<16xi32>, vector<16xi32>], vector<16xf32>,
      %gather3A_904 = tpu.vector_load_idx %arg12[%add3A_901, %broadcast_in_dim3A_5] : memref<80x8xf32, #tpu.memory_space<vmem>>[vector<16xi32>, vector<16xi32>], vector<16xf32>,
      %gather3A_905 = tpu.vector_load_idx %arg12[%add3A_901, %broadcast_in_dim3A_7] : memref<80x8xf32, #tpu.memory_space<vmem>>[vector<16xi32>, vector<16xi32>], vector<16xf32>,
      %gather3A_906 = tpu.vector_load_idx %arg17[%add3A_901, %broadcast_in_dim3A_1] : memref<80x8xf32, #tpu.memory_space<vmem>>[vector<16xi32>, vector<16xi32>], vector<16xf32>,
      %gather3A_907 = tpu.vector_load_idx %arg17[%add3A_901, %broadcast_in_dim3A_3] : memref<80x8xf32, #tpu.memory_space<vmem>>[vector<16xi32>, vector<16xi32>], vector<16xf32>,
      %gather3A_908 = tpu.vector_load_idx %arg17[%add3A_901, %broadcast_in_dim3A_5] : memref<80x8xf32, #tpu.memory_space<vmem>>[vector<16xi32>, vector<16xi32>], vector<16xf32>,
      %mul3A_909 = arith.constant 80 : i32
      %mul3A_910 = arith.muli %add3A_851, %mul3A_909 : i32
      %add3A_911 = arith.constant 16 : i32
      %add3A_912 = arith.addi %mul3A_910, %add3A_911 : i32
      %sub3A_913 = arith.subf %gather3A_907, %gather3A_903 : vector<16xf32>
      %swap3A_914 = arith.constant 0 : i32
      %swap3A_915 = arith.index_cast %swap3A_914 : i32 to index
      %swap3A_916 = arith.index_cast %add3A_912 : i32 to index
      %swap3A_917 = tpu.vector_load %arg7[%swap3A_915, %swap3A_916] {strides = array<i32>} : memref<4x10000xf32, #tpu.memory_space<vmem>>, vector<16xf32>,
      tpu.vector_store %arg7[%swap3A_915, %swap3A_916], %sub3A_913 {strides = array<i32>} : memref<4x10000xf32, #tpu.memory_space<vmem>>, vector<16xf32>,
      %sub3A_918 = arith.subf %gather3A_908, %gather3A_904 : vector<16xf32>
      %swap3A_919 = arith.constant 1 : i32
      %swap3A_920 = arith.index_cast %swap3A_919 : i32 to index
      %swap3A_921 = arith.index_cast %add3A_912 : i32 to index
      %swap3A_922 = tpu.vector_load %arg7[%swap3A_920, %swap3A_921] {strides = array<i32>} : memref<4x10000xf32, #tpu.memory_space<vmem>>, vector<16xf32>,
      tpu.vector_store %arg7[%swap3A_920, %swap3A_921], %sub3A_918 {strides = array<i32>} : memref<4x10000xf32, #tpu.memory_space<vmem>>, vector<16xf32>,
      %sub3A_923 = arith.subf %gather3A_906, %gather3A_902 : vector<16xf32>
      %swap3A_924 = arith.constant 2 : i32
      %swap3A_925 = arith.index_cast %swap3A_924 : i32 to index
      %swap3A_926 = arith.index_cast %add3A_912 : i32 to index
      %swap3A_927 = tpu.vector_load %arg7[%swap3A_925, %swap3A_926] {strides = array<i32>} : memref<4x10000xf32, #tpu.memory_space<vmem>>, vector<16xf32>,
      tpu.vector_store %arg7[%swap3A_925, %swap3A_926], %sub3A_923 {strides = array<i32>} : memref<4x10000xf32, #tpu.memory_space<vmem>>, vector<16xf32>,
      %swap3A_928 = arith.constant 3 : i32
      %swap3A_929 = arith.index_cast %swap3A_928 : i32 to index
      %swap3A_930 = arith.index_cast %add3A_912 : i32 to index
      %swap3A_931 = tpu.vector_load %arg7[%swap3A_929, %swap3A_930] {strides = array<i32>} : memref<4x10000xf32, #tpu.memory_space<vmem>>, vector<16xf32>,
      tpu.vector_store %arg7[%swap3A_929, %swap3A_930], %gather3A_905 {strides = array<i32>} : memref<4x10000xf32, #tpu.memory_space<vmem>>, vector<16xf32>,
      %iota3A_932 = tpu.iota {dimensions = array<i32: 0>} : vector<16xi32>
      %add3A_933 = arith.constant 32 : i32
      %add3A_934 = vector.broadcast %add3A_933 : i32 to vector<16xi32>
      %add3A_935 = arith.addi %iota3A_932, %add3A_934 : vector<16xi32>
      %gather3A_936 = tpu.vector_load_idx %arg12[%add3A_935, %broadcast_in_dim3A_1] : memref<80x8xf32, #tpu.memory_space<vmem>>[vector<16xi32>, vector<16xi32>], vector<16xf32>,
      %gather3A_937 = tpu.vector_load_idx %arg12[%add3A_935, %broadcast_in_dim3A_3] : memref<80x8xf32, #tpu.memory_space<vmem>>[vector<16xi32>, vector<16xi32>], vector<16xf32>,
      %gather3A_938 = tpu.vector_load_idx %arg12[%add3A_935, %broadcast_in_dim3A_5] : memref<80x8xf32, #tpu.memory_space<vmem>>[vector<16xi32>, vector<16xi32>], vector<16xf32>,
      %gather3A_939 = tpu.vector_load_idx %arg12[%add3A_935, %broadcast_in_dim3A_7] : memref<80x8xf32, #tpu.memory_space<vmem>>[vector<16xi32>, vector<16xi32>], vector<16xf32>,
      %gather3A_940 = tpu.vector_load_idx %arg17[%add3A_935, %broadcast_in_dim3A_1] : memref<80x8xf32, #tpu.memory_space<vmem>>[vector<16xi32>, vector<16xi32>], vector<16xf32>,
      %gather3A_941 = tpu.vector_load_idx %arg17[%add3A_935, %broadcast_in_dim3A_3] : memref<80x8xf32, #tpu.memory_space<vmem>>[vector<16xi32>, vector<16xi32>], vector<16xf32>,
      %gather3A_942 = tpu.vector_load_idx %arg17[%add3A_935, %broadcast_in_dim3A_5] : memref<80x8xf32, #tpu.memory_space<vmem>>[vector<16xi32>, vector<16xi32>], vector<16xf32>,
      %mul3A_943 = arith.constant 80 : i32
      %mul3A_944 = arith.muli %add3A_851, %mul3A_943 : i32
      %add3A_945 = arith.constant 32 : i32
      %add3A_946 = arith.addi %mul3A_944, %add3A_945 : i32
      %sub3A_947 = arith.subf %gather3A_941, %gather3A_937 : vector<16xf32>
      %swap3A_948 = arith.constant 0 : i32
      %swap3A_949 = arith.index_cast %swap3A_948 : i32 to index
      %swap3A_950 = arith.index_cast %add3A_946 : i32 to index
      %swap3A_951 = tpu.vector_load %arg7[%swap3A_949, %swap3A_950] {strides = array<i32>} : memref<4x10000xf32, #tpu.memory_space<vmem>>, vector<16xf32>,
      tpu.vector_store %arg7[%swap3A_949, %swap3A_950], %sub3A_947 {strides = array<i32>} : memref<4x10000xf32, #tpu.memory_space<vmem>>, vector<16xf32>,
      %sub3A_952 = arith.subf %gather3A_942, %gather3A_938 : vector<16xf32>
      %swap3A_953 = arith.constant 1 : i32
      %swap3A_954 = arith.index_cast %swap3A_953 : i32 to index
      %swap3A_955 = arith.index_cast %add3A_946 : i32 to index
      %swap3A_956 = tpu.vector_load %arg7[%swap3A_954, %swap3A_955] {strides = array<i32>} : memref<4x10000xf32, #tpu.memory_space<vmem>>, vector<16xf32>,
      tpu.vector_store %arg7[%swap3A_954, %swap3A_955], %sub3A_952 {strides = array<i32>} : memref<4x10000xf32, #tpu.memory_space<vmem>>, vector<16xf32>,
      %sub3A_957 = arith.subf %gather3A_940, %gather3A_936 : vector<16xf32>
      %swap3A_958 = arith.constant 2 : i32
      %swap3A_959 = arith.index_cast %swap3A_958 : i32 to index
      %swap3A_960 = arith.index_cast %add3A_946 : i32 to index
      %swap3A_961 = tpu.vector_load %arg7[%swap3A_959, %swap3A_960] {strides = array<i32>} : memref<4x10000xf32, #tpu.memory_space<vmem>>, vector<16xf32>,
      tpu.vector_store %arg7[%swap3A_959, %swap3A_960], %sub3A_957 {strides = array<i32>} : memref<4x10000xf32, #tpu.memory_space<vmem>>, vector<16xf32>,
      %swap3A_962 = arith.constant 3 : i32
      %swap3A_963 = arith.index_cast %swap3A_962 : i32 to index
      %swap3A_964 = arith.index_cast %add3A_946 : i32 to index
      %swap3A_965 = tpu.vector_load %arg7[%swap3A_963, %swap3A_964] {strides = array<i32>} : memref<4x10000xf32, #tpu.memory_space<vmem>>, vector<16xf32>,
      tpu.vector_store %arg7[%swap3A_963, %swap3A_964], %gather3A_939 {strides = array<i32>} : memref<4x10000xf32, #tpu.memory_space<vmem>>, vector<16xf32>,
      %iota3A_966 = tpu.iota {dimensions = array<i32: 0>} : vector<16xi32>
      %add3A_967 = arith.constant 48 : i32
      %add3A_968 = vector.broadcast %add3A_967 : i32 to vector<16xi32>
      %add3A_969 = arith.addi %iota3A_966, %add3A_968 : vector<16xi32>
      %gather3A_970 = tpu.vector_load_idx %arg12[%add3A_969, %broadcast_in_dim3A_1] : memref<80x8xf32, #tpu.memory_space<vmem>>[vector<16xi32>, vector<16xi32>], vector<16xf32>,
      %gather3A_971 = tpu.vector_load_idx %arg12[%add3A_969, %broadcast_in_dim3A_3] : memref<80x8xf32, #tpu.memory_space<vmem>>[vector<16xi32>, vector<16xi32>], vector<16xf32>,
      %gather3A_972 = tpu.vector_load_idx %arg12[%add3A_969, %broadcast_in_dim3A_5] : memref<80x8xf32, #tpu.memory_space<vmem>>[vector<16xi32>, vector<16xi32>], vector<16xf32>,
      %gather3A_973 = tpu.vector_load_idx %arg12[%add3A_969, %broadcast_in_dim3A_7] : memref<80x8xf32, #tpu.memory_space<vmem>>[vector<16xi32>, vector<16xi32>], vector<16xf32>,
      %gather3A_974 = tpu.vector_load_idx %arg17[%add3A_969, %broadcast_in_dim3A_1] : memref<80x8xf32, #tpu.memory_space<vmem>>[vector<16xi32>, vector<16xi32>], vector<16xf32>,
      %gather3A_975 = tpu.vector_load_idx %arg17[%add3A_969, %broadcast_in_dim3A_3] : memref<80x8xf32, #tpu.memory_space<vmem>>[vector<16xi32>, vector<16xi32>], vector<16xf32>,
      %gather3A_976 = tpu.vector_load_idx %arg17[%add3A_969, %broadcast_in_dim3A_5] : memref<80x8xf32, #tpu.memory_space<vmem>>[vector<16xi32>, vector<16xi32>], vector<16xf32>,
      %mul3A_977 = arith.constant 80 : i32
      %mul3A_978 = arith.muli %add3A_851, %mul3A_977 : i32
      %add3A_979 = arith.constant 48 : i32
      %add3A_980 = arith.addi %mul3A_978, %add3A_979 : i32
      %sub3A_981 = arith.subf %gather3A_975, %gather3A_971 : vector<16xf32>
      %swap3A_982 = arith.constant 0 : i32
      %swap3A_983 = arith.index_cast %swap3A_982 : i32 to index
      %swap3A_984 = arith.index_cast %add3A_980 : i32 to index
      %swap3A_985 = tpu.vector_load %arg7[%swap3A_983, %swap3A_984] {strides = array<i32>} : memref<4x10000xf32, #tpu.memory_space<vmem>>, vector<16xf32>,
      tpu.vector_store %arg7[%swap3A_983, %swap3A_984], %sub3A_981 {strides = array<i32>} : memref<4x10000xf32, #tpu.memory_space<vmem>>, vector<16xf32>,
      %sub3A_986 = arith.subf %gather3A_976, %gather3A_972 : vector<16xf32>
      %swap3A_987 = arith.constant 1 : i32
      %swap3A_988 = arith.index_cast %swap3A_987 : i32 to index
      %swap3A_989 = arith.index_cast %add3A_980 : i32 to index
      %swap3A_990 = tpu.vector_load %arg7[%swap3A_988, %swap3A_989] {strides = array<i32>} : memref<4x10000xf32, #tpu.memory_space<vmem>>, vector<16xf32>,
      tpu.vector_store %arg7[%swap3A_988, %swap3A_989], %sub3A_986 {strides = array<i32>} : memref<4x10000xf32, #tpu.memory_space<vmem>>, vector<16xf32>,
      %sub3A_991 = arith.subf %gather3A_974, %gather3A_970 : vector<16xf32>
      %swap3A_992 = arith.constant 2 : i32
      %swap3A_993 = arith.index_cast %swap3A_992 : i32 to index
      %swap3A_994 = arith.index_cast %add3A_980 : i32 to index
      %swap3A_995 = tpu.vector_load %arg7[%swap3A_993, %swap3A_994] {strides = array<i32>} : memref<4x10000xf32, #tpu.memory_space<vmem>>, vector<16xf32>,
      tpu.vector_store %arg7[%swap3A_993, %swap3A_994], %sub3A_991 {strides = array<i32>} : memref<4x10000xf32, #tpu.memory_space<vmem>>, vector<16xf32>,
      %swap3A_996 = arith.constant 3 : i32
      %swap3A_997 = arith.index_cast %swap3A_996 : i32 to index
      %swap3A_998 = arith.index_cast %add3A_980 : i32 to index
      %swap3A_999 = tpu.vector_load %arg7[%swap3A_997, %swap3A_998] {strides = array<i32>} : memref<4x10000xf32, #tpu.memory_space<vmem>>, vector<16xf32>,
      tpu.vector_store %arg7[%swap3A_997, %swap3A_998], %gather3A_973 {strides = array<i32>} : memref<4x10000xf32, #tpu.memory_space<vmem>>, vector<16xf32>,
      %iota3A_1000 = tpu.iota {dimensions = array<i32: 0>} : vector<16xi32>
      %add3A_1001 = arith.constant 64 : i32
      %add3A_1002 = vector.broadcast %add3A_1001 : i32 to vector<16xi32>
      %add3A_1003 = arith.addi %iota3A_1000, %add3A_1002 : vector<16xi32>
      %gather3A_1004 = tpu.vector_load_idx %arg12[%add3A_1003, %broadcast_in_dim3A_1] : memref<80x8xf32, #tpu.memory_space<vmem>>[vector<16xi32>, vector<16xi32>], vector<16xf32>,
      %gather3A_1005 = tpu.vector_load_idx %arg12[%add3A_1003, %broadcast_in_dim3A_3] : memref<80x8xf32, #tpu.memory_space<vmem>>[vector<16xi32>, vector<16xi32>], vector<16xf32>,
      %gather3A_1006 = tpu.vector_load_idx %arg12[%add3A_1003, %broadcast_in_dim3A_5] : memref<80x8xf32, #tpu.memory_space<vmem>>[vector<16xi32>, vector<16xi32>], vector<16xf32>,
      %gather3A_1007 = tpu.vector_load_idx %arg12[%add3A_1003, %broadcast_in_dim3A_7] : memref<80x8xf32, #tpu.memory_space<vmem>>[vector<16xi32>, vector<16xi32>], vector<16xf32>,
      %gather3A_1008 = tpu.vector_load_idx %arg17[%add3A_1003, %broadcast_in_dim3A_1] : memref<80x8xf32, #tpu.memory_space<vmem>>[vector<16xi32>, vector<16xi32>], vector<16xf32>,
      %gather3A_1009 = tpu.vector_load_idx %arg17[%add3A_1003, %broadcast_in_dim3A_3] : memref<80x8xf32, #tpu.memory_space<vmem>>[vector<16xi32>, vector<16xi32>], vector<16xf32>,
      %gather3A_1010 = tpu.vector_load_idx %arg17[%add3A_1003, %broadcast_in_dim3A_5] : memref<80x8xf32, #tpu.memory_space<vmem>>[vector<16xi32>, vector<16xi32>], vector<16xf32>,
      %mul3A_1011 = arith.constant 80 : i32
      %mul3A_1012 = arith.muli %add3A_851, %mul3A_1011 : i32
      %add3A_1013 = arith.constant 64 : i32
      %add3A_1014 = arith.addi %mul3A_1012, %add3A_1013 : i32
      %sub3A_1015 = arith.subf %gather3A_1009, %gather3A_1005 : vector<16xf32>
      %swap3A_1016 = arith.constant 0 : i32
      %swap3A_1017 = arith.index_cast %swap3A_1016 : i32 to index
      %swap3A_1018 = arith.index_cast %add3A_1014 : i32 to index
      %swap3A_1019 = tpu.vector_load %arg7[%swap3A_1017, %swap3A_1018] {strides = array<i32>} : memref<4x10000xf32, #tpu.memory_space<vmem>>, vector<16xf32>,
      tpu.vector_store %arg7[%swap3A_1017, %swap3A_1018], %sub3A_1015 {strides = array<i32>} : memref<4x10000xf32, #tpu.memory_space<vmem>>, vector<16xf32>,
      %sub3A_1020 = arith.subf %gather3A_1010, %gather3A_1006 : vector<16xf32>
      %swap3A_1021 = arith.constant 1 : i32
      %swap3A_1022 = arith.index_cast %swap3A_1021 : i32 to index
      %swap3A_1023 = arith.index_cast %add3A_1014 : i32 to index
      %swap3A_1024 = tpu.vector_load %arg7[%swap3A_1022, %swap3A_1023] {strides = array<i32>} : memref<4x10000xf32, #tpu.memory_space<vmem>>, vector<16xf32>,
      tpu.vector_store %arg7[%swap3A_1022, %swap3A_1023], %sub3A_1020 {strides = array<i32>} : memref<4x10000xf32, #tpu.memory_space<vmem>>, vector<16xf32>,
      %sub3A_1025 = arith.subf %gather3A_1008, %gather3A_1004 : vector<16xf32>
      %swap3A_1026 = arith.constant 2 : i32
      %swap3A_1027 = arith.index_cast %swap3A_1026 : i32 to index
      %swap3A_1028 = arith.index_cast %add3A_1014 : i32 to index
      %swap3A_1029 = tpu.vector_load %arg7[%swap3A_1027, %swap3A_1028] {strides = array<i32>} : memref<4x10000xf32, #tpu.memory_space<vmem>>, vector<16xf32>,
      tpu.vector_store %arg7[%swap3A_1027, %swap3A_1028], %sub3A_1025 {strides = array<i32>} : memref<4x10000xf32, #tpu.memory_space<vmem>>, vector<16xf32>,
      %swap3A_1030 = arith.constant 3 : i32
      %swap3A_1031 = arith.index_cast %swap3A_1030 : i32 to index
      %swap3A_1032 = arith.index_cast %add3A_1014 : i32 to index
      %swap3A_1033 = tpu.vector_load %arg7[%swap3A_1031, %swap3A_1032] {strides = array<i32>} : memref<4x10000xf32, #tpu.memory_space<vmem>>, vector<16xf32>,
      tpu.vector_store %arg7[%swap3A_1031, %swap3A_1032], %gather3A_1007 {strides = array<i32>} : memref<4x10000xf32, #tpu.memory_space<vmem>>, vector<16xf32>,
      %add3A_1034 = arith.constant 5 : i32
      %add3A_1035 = arith.addi %add3A_851, %add3A_1034 : i32
      %lt3A_1036 = arith.constant 125 : i32
      %lt3A_1037 = arith.cmpi slt, %add3A_1035, %lt3A_1036 : i32
      %convert_element_type3A_1038 = arith.extui %lt3A_1037 : i1 to i32
      %cond3A_1039 = arith.constant 0 : i32
      %cond3A_1040 = arith.cmpi ne, %convert_element_type3A_1038, %cond3A_1039 : i32
      scf.if %cond3A_1040 {
        %mul3A_1041 = arith.constant 80 : i32
        %mul3A_1042 = arith.muli %add3A_1035, %mul3A_1041 : i32
        %dma_start3A_1043 = tpu.memref_slice %arg5[%mul3A_1042] : memref<10000xi32, #tpu.memory_space<vmem>> -> memref<80xi32, #tpu.memory_space<vmem>>
        %dma_start3A_1044 = arith.constant 0 : i32
        %dma_start3A_1045 = arith.constant 0 : i32
        %dma_start3A_1046 = tpu.memref_slice %arg2[%dma_start3A_1044, %dma_start3A_1045] : memref<10000x8xf32, #tpu.memory_space<hbm>> -> memref<10000x8xf32, #tpu.memory_space<hbm>>
        tpu.enqueue_indirect_dma source(%dma_start3A_1046 : memref<10000x8xf32, #tpu.memory_space<hbm>>) target(%arg12 : memref<80x8xf32, #tpu.memory_space<vmem>>) offsets(%dma_start3A_1043 : memref<80xi32, #tpu.memory_space<vmem>>) semaphore(%arg22 : memref<!tpu.dma_semaphore, #tpu.memory_space<semaphore_mem>>)
        %mul3A_1047 = arith.constant 80 : i32
        %mul3A_1048 = arith.muli %add3A_1035, %mul3A_1047 : i32
        %dma_start3A_1049 = tpu.memref_slice %arg6[%mul3A_1048] : memref<10000xi32, #tpu.memory_space<vmem>> -> memref<80xi32, #tpu.memory_space<vmem>>
        %dma_start3A_1050 = arith.constant 0 : i32
        %dma_start3A_1051 = arith.constant 0 : i32
        %dma_start3A_1052 = tpu.memref_slice %arg2[%dma_start3A_1050, %dma_start3A_1051] : memref<10000x8xf32, #tpu.memory_space<hbm>> -> memref<10000x8xf32, #tpu.memory_space<hbm>>
        tpu.enqueue_indirect_dma source(%dma_start3A_1052 : memref<10000x8xf32, #tpu.memory_space<hbm>>) target(%arg17 : memref<80x8xf32, #tpu.memory_space<vmem>>) offsets(%dma_start3A_1049 : memref<80xi32, #tpu.memory_space<vmem>>) semaphore(%arg27 : memref<!tpu.dma_semaphore, #tpu.memory_space<semaphore_mem>>)
      } else {
      }
    }
    %scan3A_66 = arith.constant 25 : i32
    %mul3A_67 = arith.constant 10000 : i32
    %mul3A_68 = arith.muli %add3A, %mul3A_67 : i32
    %run_scoped3A_69 = arith.constant 0 : i32
    %run_scoped3A_70 = arith.constant 0 : i32
    "tpu.region"() ({
      %run_scoped3A_83 = tpu.sem_alloc : memref<!tpu.dma_semaphore, #tpu.memory_space<semaphore_mem>>
      %dma_start3A_84 = arith.constant 0 : i32
      %dma_start3A_85 = tpu.memref_slice %arg7[%run_scoped3A_69, %dma_start3A_84] : memref<4x10000xf32, #tpu.memory_space<vmem>> -> memref<1x10000xf32, #tpu.memory_space<vmem>>
      %dma_start3A_86 = tpu.memref_squeeze %dma_start3A_85 : memref<1x10000xf32, #tpu.memory_space<vmem>> -> memref<10000xf32, #tpu.memory_space<vmem>>
      %dma_start3A_87 = tpu.memref_slice %arg4[%run_scoped3A_70, %mul3A_68] : memref<4x320000xf32, #tpu.memory_space<hbm>> -> memref<1x10000xf32, #tpu.memory_space<hbm>>
      %dma_start3A_88 = tpu.memref_squeeze %dma_start3A_87 : memref<1x10000xf32, #tpu.memory_space<hbm>> -> memref<10000xf32, #tpu.memory_space<hbm>>
      %dma_start3A_89 = tpu.memref_slice %arg4[%run_scoped3A_70, %mul3A_68] : memref<4x320000xf32, #tpu.memory_space<hbm>> -> memref<1x10000xf32, #tpu.memory_space<hbm>>
      %dma_start3A_90 = tpu.memref_squeeze %dma_start3A_89 : memref<1x10000xf32, #tpu.memory_space<hbm>> -> memref<10000xf32, #tpu.memory_space<hbm>>
      %dma_start3A_91 = arith.constant 0 : i32
      %dma_start3A_92 = tpu.memref_slice %arg7[%run_scoped3A_69, %dma_start3A_91] : memref<4x10000xf32, #tpu.memory_space<vmem>> -> memref<1x10000xf32, #tpu.memory_space<vmem>>
      %dma_start3A_93 = tpu.memref_squeeze %dma_start3A_92 : memref<1x10000xf32, #tpu.memory_space<vmem>> -> memref<10000xf32, #tpu.memory_space<vmem>>
      tpu.enqueue_dma source(%dma_start3A_93 : memref<10000xf32, #tpu.memory_space<vmem>>) target(%dma_start3A_90 : memref<10000xf32, #tpu.memory_space<hbm>>) target_semaphore(%run_scoped3A_83 : memref<!tpu.dma_semaphore, #tpu.memory_space<semaphore_mem>>)
      %dma_wait3A = arith.constant 0 : i32
      %dma_wait3A_94 = tpu.memref_slice %arg7[%run_scoped3A_69, %dma_wait3A] : memref<4x10000xf32, #tpu.memory_space<vmem>> -> memref<1x10000xf32, #tpu.memory_space<vmem>>
      %dma_wait3A_95 = tpu.memref_squeeze %dma_wait3A_94 : memref<1x10000xf32, #tpu.memory_space<vmem>> -> memref<10000xf32, #tpu.memory_space<vmem>>
      %dma_wait3A_96 = tpu.memref_slice %arg4[%run_scoped3A_70, %mul3A_68] : memref<4x320000xf32, #tpu.memory_space<hbm>> -> memref<1x10000xf32, #tpu.memory_space<hbm>>
      %dma_wait3A_97 = tpu.memref_squeeze %dma_wait3A_96 : memref<1x10000xf32, #tpu.memory_space<hbm>> -> memref<10000xf32, #tpu.memory_space<hbm>>
      %dma_wait3A_98 = tpu.memref_slice %arg4[%run_scoped3A_70, %mul3A_68] : memref<4x320000xf32, #tpu.memory_space<hbm>> -> memref<1x10000xf32, #tpu.memory_space<hbm>>
      %dma_wait3A_99 = tpu.memref_squeeze %dma_wait3A_98 : memref<1x10000xf32, #tpu.memory_space<hbm>> -> memref<10000xf32, #tpu.memory_space<hbm>>
      %dma_wait3A_100 = arith.constant 0 : i32
      %dma_wait3A_101 = tpu.memref_slice %arg7[%run_scoped3A_69, %dma_wait3A_100] : memref<4x10000xf32, #tpu.memory_space<vmem>> -> memref<1x10000xf32, #tpu.memory_space<vmem>>
      %dma_wait3A_102 = tpu.memref_squeeze %dma_wait3A_101 : memref<1x10000xf32, #tpu.memory_space<vmem>> -> memref<10000xf32, #tpu.memory_space<vmem>>
      tpu.wait_dma2 semaphore(%run_scoped3A_83 : memref<!tpu.dma_semaphore, #tpu.memory_space<semaphore_mem>>) src(%dma_wait3A_102 : memref<10000xf32, #tpu.memory_space<vmem>>) dst(%dma_wait3A_99 : memref<10000xf32, #tpu.memory_space<hbm>>)
      tpu.yield
    }) : () -> ()
    %mul3A_71 = arith.constant 10000 : i32
    %mul3A_72 = arith.muli %add3A, %mul3A_71 : i32
    %run_scoped3A_73 = arith.constant 1 : i32
    %run_scoped3A_74 = arith.constant 1 : i32
    "tpu.region"() ({
      %run_scoped3A_83 = tpu.sem_alloc : memref<!tpu.dma_semaphore, #tpu.memory_space<semaphore_mem>>
      %dma_start3A_84 = arith.constant 0 : i32
      %dma_start3A_85 = tpu.memref_slice %arg7[%run_scoped3A_73, %dma_start3A_84] : memref<4x10000xf32, #tpu.memory_space<vmem>> -> memref<1x10000xf32, #tpu.memory_space<vmem>>
      %dma_start3A_86 = tpu.memref_squeeze %dma_start3A_85 : memref<1x10000xf32, #tpu.memory_space<vmem>> -> memref<10000xf32, #tpu.memory_space<vmem>>
      %dma_start3A_87 = tpu.memref_slice %arg4[%run_scoped3A_74, %mul3A_72] : memref<4x320000xf32, #tpu.memory_space<hbm>> -> memref<1x10000xf32, #tpu.memory_space<hbm>>
      %dma_start3A_88 = tpu.memref_squeeze %dma_start3A_87 : memref<1x10000xf32, #tpu.memory_space<hbm>> -> memref<10000xf32, #tpu.memory_space<hbm>>
      %dma_start3A_89 = tpu.memref_slice %arg4[%run_scoped3A_74, %mul3A_72] : memref<4x320000xf32, #tpu.memory_space<hbm>> -> memref<1x10000xf32, #tpu.memory_space<hbm>>
      %dma_start3A_90 = tpu.memref_squeeze %dma_start3A_89 : memref<1x10000xf32, #tpu.memory_space<hbm>> -> memref<10000xf32, #tpu.memory_space<hbm>>
      %dma_start3A_91 = arith.constant 0 : i32
      %dma_start3A_92 = tpu.memref_slice %arg7[%run_scoped3A_73, %dma_start3A_91] : memref<4x10000xf32, #tpu.memory_space<vmem>> -> memref<1x10000xf32, #tpu.memory_space<vmem>>
      %dma_start3A_93 = tpu.memref_squeeze %dma_start3A_92 : memref<1x10000xf32, #tpu.memory_space<vmem>> -> memref<10000xf32, #tpu.memory_space<vmem>>
      tpu.enqueue_dma source(%dma_start3A_93 : memref<10000xf32, #tpu.memory_space<vmem>>) target(%dma_start3A_90 : memref<10000xf32, #tpu.memory_space<hbm>>) target_semaphore(%run_scoped3A_83 : memref<!tpu.dma_semaphore, #tpu.memory_space<semaphore_mem>>)
      %dma_wait3A = arith.constant 0 : i32
      %dma_wait3A_94 = tpu.memref_slice %arg7[%run_scoped3A_73, %dma_wait3A] : memref<4x10000xf32, #tpu.memory_space<vmem>> -> memref<1x10000xf32, #tpu.memory_space<vmem>>
      %dma_wait3A_95 = tpu.memref_squeeze %dma_wait3A_94 : memref<1x10000xf32, #tpu.memory_space<vmem>> -> memref<10000xf32, #tpu.memory_space<vmem>>
      %dma_wait3A_96 = tpu.memref_slice %arg4[%run_scoped3A_74, %mul3A_72] : memref<4x320000xf32, #tpu.memory_space<hbm>> -> memref<1x10000xf32, #tpu.memory_space<hbm>>
      %dma_wait3A_97 = tpu.memref_squeeze %dma_wait3A_96 : memref<1x10000xf32, #tpu.memory_space<hbm>> -> memref<10000xf32, #tpu.memory_space<hbm>>
      %dma_wait3A_98 = tpu.memref_slice %arg4[%run_scoped3A_74, %mul3A_72] : memref<4x320000xf32, #tpu.memory_space<hbm>> -> memref<1x10000xf32, #tpu.memory_space<hbm>>
      %dma_wait3A_99 = tpu.memref_squeeze %dma_wait3A_98 : memref<1x10000xf32, #tpu.memory_space<hbm>> -> memref<10000xf32, #tpu.memory_space<hbm>>
      %dma_wait3A_100 = arith.constant 0 : i32
      %dma_wait3A_101 = tpu.memref_slice %arg7[%run_scoped3A_73, %dma_wait3A_100] : memref<4x10000xf32, #tpu.memory_space<vmem>> -> memref<1x10000xf32, #tpu.memory_space<vmem>>
      %dma_wait3A_102 = tpu.memref_squeeze %dma_wait3A_101 : memref<1x10000xf32, #tpu.memory_space<vmem>> -> memref<10000xf32, #tpu.memory_space<vmem>>
      tpu.wait_dma2 semaphore(%run_scoped3A_83 : memref<!tpu.dma_semaphore, #tpu.memory_space<semaphore_mem>>) src(%dma_wait3A_102 : memref<10000xf32, #tpu.memory_space<vmem>>) dst(%dma_wait3A_99 : memref<10000xf32, #tpu.memory_space<hbm>>)
      tpu.yield
    }) : () -> ()
    %mul3A_75 = arith.constant 10000 : i32
    %mul3A_76 = arith.muli %add3A, %mul3A_75 : i32
    %run_scoped3A_77 = arith.constant 2 : i32
    %run_scoped3A_78 = arith.constant 2 : i32
    "tpu.region"() ({
      %run_scoped3A_83 = tpu.sem_alloc : memref<!tpu.dma_semaphore, #tpu.memory_space<semaphore_mem>>
      %dma_start3A_84 = arith.constant 0 : i32
      %dma_start3A_85 = tpu.memref_slice %arg7[%run_scoped3A_77, %dma_start3A_84] : memref<4x10000xf32, #tpu.memory_space<vmem>> -> memref<1x10000xf32, #tpu.memory_space<vmem>>
      %dma_start3A_86 = tpu.memref_squeeze %dma_start3A_85 : memref<1x10000xf32, #tpu.memory_space<vmem>> -> memref<10000xf32, #tpu.memory_space<vmem>>
      %dma_start3A_87 = tpu.memref_slice %arg4[%run_scoped3A_78, %mul3A_76] : memref<4x320000xf32, #tpu.memory_space<hbm>> -> memref<1x10000xf32, #tpu.memory_space<hbm>>
      %dma_start3A_88 = tpu.memref_squeeze %dma_start3A_87 : memref<1x10000xf32, #tpu.memory_space<hbm>> -> memref<10000xf32, #tpu.memory_space<hbm>>
      %dma_start3A_89 = tpu.memref_slice %arg4[%run_scoped3A_78, %mul3A_76] : memref<4x320000xf32, #tpu.memory_space<hbm>> -> memref<1x10000xf32, #tpu.memory_space<hbm>>
      %dma_start3A_90 = tpu.memref_squeeze %dma_start3A_89 : memref<1x10000xf32, #tpu.memory_space<hbm>> -> memref<10000xf32, #tpu.memory_space<hbm>>
      %dma_start3A_91 = arith.constant 0 : i32
      %dma_start3A_92 = tpu.memref_slice %arg7[%run_scoped3A_77, %dma_start3A_91] : memref<4x10000xf32, #tpu.memory_space<vmem>> -> memref<1x10000xf32, #tpu.memory_space<vmem>>
      %dma_start3A_93 = tpu.memref_squeeze %dma_start3A_92 : memref<1x10000xf32, #tpu.memory_space<vmem>> -> memref<10000xf32, #tpu.memory_space<vmem>>
      tpu.enqueue_dma source(%dma_start3A_93 : memref<10000xf32, #tpu.memory_space<vmem>>) target(%dma_start3A_90 : memref<10000xf32, #tpu.memory_space<hbm>>) target_semaphore(%run_scoped3A_83 : memref<!tpu.dma_semaphore, #tpu.memory_space<semaphore_mem>>)
      %dma_wait3A = arith.constant 0 : i32
      %dma_wait3A_94 = tpu.memref_slice %arg7[%run_scoped3A_77, %dma_wait3A] : memref<4x10000xf32, #tpu.memory_space<vmem>> -> memref<1x10000xf32, #tpu.memory_space<vmem>>
      %dma_wait3A_95 = tpu.memref_squeeze %dma_wait3A_94 : memref<1x10000xf32, #tpu.memory_space<vmem>> -> memref<10000xf32, #tpu.memory_space<vmem>>
      %dma_wait3A_96 = tpu.memref_slice %arg4[%run_scoped3A_78, %mul3A_76] : memref<4x320000xf32, #tpu.memory_space<hbm>> -> memref<1x10000xf32, #tpu.memory_space<hbm>>
      %dma_wait3A_97 = tpu.memref_squeeze %dma_wait3A_96 : memref<1x10000xf32, #tpu.memory_space<hbm>> -> memref<10000xf32, #tpu.memory_space<hbm>>
      %dma_wait3A_98 = tpu.memref_slice %arg4[%run_scoped3A_78, %mul3A_76] : memref<4x320000xf32, #tpu.memory_space<hbm>> -> memref<1x10000xf32, #tpu.memory_space<hbm>>
      %dma_wait3A_99 = tpu.memref_squeeze %dma_wait3A_98 : memref<1x10000xf32, #tpu.memory_space<hbm>> -> memref<10000xf32, #tpu.memory_space<hbm>>
      %dma_wait3A_100 = arith.constant 0 : i32
      %dma_wait3A_101 = tpu.memref_slice %arg7[%run_scoped3A_77, %dma_wait3A_100] : memref<4x10000xf32, #tpu.memory_space<vmem>> -> memref<1x10000xf32, #tpu.memory_space<vmem>>
      %dma_wait3A_102 = tpu.memref_squeeze %dma_wait3A_101 : memref<1x10000xf32, #tpu.memory_space<vmem>> -> memref<10000xf32, #tpu.memory_space<vmem>>
      tpu.wait_dma2 semaphore(%run_scoped3A_83 : memref<!tpu.dma_semaphore, #tpu.memory_space<semaphore_mem>>) src(%dma_wait3A_102 : memref<10000xf32, #tpu.memory_space<vmem>>) dst(%dma_wait3A_99 : memref<10000xf32, #tpu.memory_space<hbm>>)
      tpu.yield
    }) : () -> ()
    %mul3A_79 = arith.constant 10000 : i32
    %mul3A_80 = arith.muli %add3A, %mul3A_79 : i32
    %run_scoped3A_81 = arith.constant 3 : i32
    %run_scoped3A_82 = arith.constant 3 : i32
    "tpu.region"() ({
      %run_scoped3A_83 = tpu.sem_alloc : memref<!tpu.dma_semaphore, #tpu.memory_space<semaphore_mem>>
      %dma_start3A_84 = arith.constant 0 : i32
      %dma_start3A_85 = tpu.memref_slice %arg7[%run_scoped3A_81, %dma_start3A_84] : memref<4x10000xf32, #tpu.memory_space<vmem>> -> memref<1x10000xf32, #tpu.memory_space<vmem>>
      %dma_start3A_86 = tpu.memref_squeeze %dma_start3A_85 : memref<1x10000xf32, #tpu.memory_space<vmem>> -> memref<10000xf32, #tpu.memory_space<vmem>>
      %dma_start3A_87 = tpu.memref_slice %arg4[%run_scoped3A_82, %mul3A_80] : memref<4x320000xf32, #tpu.memory_space<hbm>> -> memref<1x10000xf32, #tpu.memory_space<hbm>>
      %dma_start3A_88 = tpu.memref_squeeze %dma_start3A_87 : memref<1x10000xf32, #tpu.memory_space<hbm>> -> memref<10000xf32, #tpu.memory_space<hbm>>
      %dma_start3A_89 = tpu.memref_slice %arg4[%run_scoped3A_82, %mul3A_80] : memref<4x320000xf32, #tpu.memory_space<hbm>> -> memref<1x10000xf32, #tpu.memory_space<hbm>>
      %dma_start3A_90 = tpu.memref_squeeze %dma_start3A_89 : memref<1x10000xf32, #tpu.memory_space<hbm>> -> memref<10000xf32, #tpu.memory_space<hbm>>
      %dma_start3A_91 = arith.constant 0 : i32
      %dma_start3A_92 = tpu.memref_slice %arg7[%run_scoped3A_81, %dma_start3A_91] : memref<4x10000xf32, #tpu.memory_space<vmem>> -> memref<1x10000xf32, #tpu.memory_space<vmem>>
      %dma_start3A_93 = tpu.memref_squeeze %dma_start3A_92 : memref<1x10000xf32, #tpu.memory_space<vmem>> -> memref<10000xf32, #tpu.memory_space<vmem>>
      tpu.enqueue_dma source(%dma_start3A_93 : memref<10000xf32, #tpu.memory_space<vmem>>) target(%dma_start3A_90 : memref<10000xf32, #tpu.memory_space<hbm>>) target_semaphore(%run_scoped3A_83 : memref<!tpu.dma_semaphore, #tpu.memory_space<semaphore_mem>>)
      %dma_wait3A = arith.constant 0 : i32
      %dma_wait3A_94 = tpu.memref_slice %arg7[%run_scoped3A_81, %dma_wait3A] : memref<4x10000xf32, #tpu.memory_space<vmem>> -> memref<1x10000xf32, #tpu.memory_space<vmem>>
      %dma_wait3A_95 = tpu.memref_squeeze %dma_wait3A_94 : memref<1x10000xf32, #tpu.memory_space<vmem>> -> memref<10000xf32, #tpu.memory_space<vmem>>
      %dma_wait3A_96 = tpu.memref_slice %arg4[%run_scoped3A_82, %mul3A_80] : memref<4x320000xf32, #tpu.memory_space<hbm>> -> memref<1x10000xf32, #tpu.memory_space<hbm>>
      %dma_wait3A_97 = tpu.memref_squeeze %dma_wait3A_96 : memref<1x10000xf32, #tpu.memory_space<hbm>> -> memref<10000xf32, #tpu.memory_space<hbm>>
      %dma_wait3A_98 = tpu.memref_slice %arg4[%run_scoped3A_82, %mul3A_80] : memref<4x320000xf32, #tpu.memory_space<hbm>> -> memref<1x10000xf32, #tpu.memory_space<hbm>>
      %dma_wait3A_99 = tpu.memref_squeeze %dma_wait3A_98 : memref<1x10000xf32, #tpu.memory_space<hbm>> -> memref<10000xf32, #tpu.memory_space<hbm>>
      %dma_wait3A_100 = arith.constant 0 : i32
      %dma_wait3A_101 = tpu.memref_slice %arg7[%run_scoped3A_81, %dma_wait3A_100] : memref<4x10000xf32, #tpu.memory_space<vmem>> -> memref<1x10000xf32, #tpu.memory_space<vmem>>
      %dma_wait3A_102 = tpu.memref_squeeze %dma_wait3A_101 : memref<1x10000xf32, #tpu.memory_space<vmem>> -> memref<10000xf32, #tpu.memory_space<vmem>>
      tpu.wait_dma2 semaphore(%run_scoped3A_83 : memref<!tpu.dma_semaphore, #tpu.memory_space<semaphore_mem>>) src(%dma_wait3A_102 : memref<10000xf32, #tpu.memory_space<vmem>>) dst(%dma_wait3A_99 : memref<10000xf32, #tpu.memory_space<hbm>>)
      tpu.yield
    }) : () -> ()
    return
  }
}

#map = affine_map<(d0, d1) -> (0, 0)>
module attributes {stable_mosaic.version = 14 : i64} {
  func.func @_stage_a_body(%arg0: i32, %arg1: i32, %arg2: memref<20000x64xf32, #tpu.memory_space<hbm>>, %arg3: memref<2x320000xi32, #tpu.memory_space<hbm>>, %arg4: memref<624x64xf32, #tpu.memory_space<hbm>>, %arg5: memref<10000x128xf32, #tpu.memory_space<hbm>>, %arg6: memref<16x10000xf32, #tpu.memory_space<hbm>>, %arg7: memref<10000x64xf32, #tpu.memory_space<vmem_shared>>, %arg8: memref<20000xi32, #tpu.memory_space<vmem>>, %arg9: memref<20000xi32, #tpu.memory_space<vmem>>, %arg10: memref<10000xf32, #tpu.memory_space<vmem>>, %arg11: memref<80x64xf32, #tpu.memory_space<vmem>>, %arg12: memref<80x64xf32, #tpu.memory_space<vmem>>, %arg13: memref<80x64xf32, #tpu.memory_space<vmem>>, %arg14: memref<80x64xf32, #tpu.memory_space<vmem>>, %arg15: memref<80x64xf32, #tpu.memory_space<vmem>>, %arg16: memref<!tpu.dma_semaphore, #tpu.memory_space<semaphore_mem>>, %arg17: memref<!tpu.dma_semaphore, #tpu.memory_space<semaphore_mem>>, %arg18: memref<!tpu.dma_semaphore, #tpu.memory_space<semaphore_mem>>, %arg19: memref<!tpu.dma_semaphore, #tpu.memory_space<semaphore_mem>>, %arg20: memref<!tpu.dma_semaphore, #tpu.memory_space<semaphore_mem>>) attributes {dimension_semantics = [#tpu.dimension_semantics<core_parallel>, #tpu.dimension_semantics<subcore_parallel>], iteration_bounds = array<i64: 2, 16>, scalar_prefetch = 0 : i64, scratch_operands = 14 : i64, tpu.core_type = #tpu.core_type<sc_vector_subcore>, window_params = [{transform_indices = #map}, {transform_indices = #map}, {transform_indices = #map}, {transform_indices = #map}, {transform_indices = #map}]} {
    %broadcast_in_dim3A = arith.constant 1.000000e+00 : f32
    %broadcast_in_dim3A_0 = vector.broadcast %broadcast_in_dim3A : f32 to vector<16xf32>
    %broadcast_in_dim3A_1 = arith.constant 0.000000e+00 : f32
    %broadcast_in_dim3A_2 = vector.broadcast %broadcast_in_dim3A_1 : f32 to vector<16xf32>
    %mul3A = arith.constant 20000 : i32
    %mul3A_3 = arith.muli %arg1, %mul3A : i32
    %run_scoped3A = arith.constant 0 : i32
    "tpu.region"() ({
      %run_scoped3A_70 = tpu.sem_alloc : memref<!tpu.dma_semaphore, #tpu.memory_space<semaphore_mem>>
      %dma_start3A_71 = tpu.memref_slice %arg3[%run_scoped3A, %mul3A_3] : memref<2x320000xi32, #tpu.memory_space<hbm>> -> memref<1x20000xi32, #tpu.memory_space<hbm>>
      %dma_start3A_72 = tpu.memref_squeeze %dma_start3A_71 : memref<1x20000xi32, #tpu.memory_space<hbm>> -> memref<20000xi32, #tpu.memory_space<hbm>>
      %dma_start3A_73 = tpu.memref_slice %arg3[%run_scoped3A, %mul3A_3] : memref<2x320000xi32, #tpu.memory_space<hbm>> -> memref<1x20000xi32, #tpu.memory_space<hbm>>
      %dma_start3A_74 = tpu.memref_squeeze %dma_start3A_73 : memref<1x20000xi32, #tpu.memory_space<hbm>> -> memref<20000xi32, #tpu.memory_space<hbm>>
      tpu.enqueue_dma source(%dma_start3A_74 : memref<20000xi32, #tpu.memory_space<hbm>>) target(%arg8 : memref<20000xi32, #tpu.memory_space<vmem>>) target_semaphore(%run_scoped3A_70 : memref<!tpu.dma_semaphore, #tpu.memory_space<semaphore_mem>>)
      %dma_wait3A = tpu.memref_slice %arg3[%run_scoped3A, %mul3A_3] : memref<2x320000xi32, #tpu.memory_space<hbm>> -> memref<1x20000xi32, #tpu.memory_space<hbm>>
      %dma_wait3A_75 = tpu.memref_squeeze %dma_wait3A : memref<1x20000xi32, #tpu.memory_space<hbm>> -> memref<20000xi32, #tpu.memory_space<hbm>>
      %dma_wait3A_76 = tpu.memref_slice %arg3[%run_scoped3A, %mul3A_3] : memref<2x320000xi32, #tpu.memory_space<hbm>> -> memref<1x20000xi32, #tpu.memory_space<hbm>>
      %dma_wait3A_77 = tpu.memref_squeeze %dma_wait3A_76 : memref<1x20000xi32, #tpu.memory_space<hbm>> -> memref<20000xi32, #tpu.memory_space<hbm>>
      tpu.wait_dma2 semaphore(%run_scoped3A_70 : memref<!tpu.dma_semaphore, #tpu.memory_space<semaphore_mem>>) src(%dma_wait3A_77 : memref<20000xi32, #tpu.memory_space<hbm>>) dst(%arg8 : memref<20000xi32, #tpu.memory_space<vmem>>)
      tpu.yield
    }) : () -> ()
    %mul3A_4 = arith.constant 20000 : i32
    %mul3A_5 = arith.muli %arg1, %mul3A_4 : i32
    %run_scoped3A_6 = arith.constant 1 : i32
    "tpu.region"() ({
      %run_scoped3A_70 = tpu.sem_alloc : memref<!tpu.dma_semaphore, #tpu.memory_space<semaphore_mem>>
      %dma_start3A_71 = tpu.memref_slice %arg3[%run_scoped3A_6, %mul3A_5] : memref<2x320000xi32, #tpu.memory_space<hbm>> -> memref<1x20000xi32, #tpu.memory_space<hbm>>
      %dma_start3A_72 = tpu.memref_squeeze %dma_start3A_71 : memref<1x20000xi32, #tpu.memory_space<hbm>> -> memref<20000xi32, #tpu.memory_space<hbm>>
      %dma_start3A_73 = tpu.memref_slice %arg3[%run_scoped3A_6, %mul3A_5] : memref<2x320000xi32, #tpu.memory_space<hbm>> -> memref<1x20000xi32, #tpu.memory_space<hbm>>
      %dma_start3A_74 = tpu.memref_squeeze %dma_start3A_73 : memref<1x20000xi32, #tpu.memory_space<hbm>> -> memref<20000xi32, #tpu.memory_space<hbm>>
      tpu.enqueue_dma source(%dma_start3A_74 : memref<20000xi32, #tpu.memory_space<hbm>>) target(%arg9 : memref<20000xi32, #tpu.memory_space<vmem>>) target_semaphore(%run_scoped3A_70 : memref<!tpu.dma_semaphore, #tpu.memory_space<semaphore_mem>>)
      %dma_wait3A = tpu.memref_slice %arg3[%run_scoped3A_6, %mul3A_5] : memref<2x320000xi32, #tpu.memory_space<hbm>> -> memref<1x20000xi32, #tpu.memory_space<hbm>>
      %dma_wait3A_75 = tpu.memref_squeeze %dma_wait3A : memref<1x20000xi32, #tpu.memory_space<hbm>> -> memref<20000xi32, #tpu.memory_space<hbm>>
      %dma_wait3A_76 = tpu.memref_slice %arg3[%run_scoped3A_6, %mul3A_5] : memref<2x320000xi32, #tpu.memory_space<hbm>> -> memref<1x20000xi32, #tpu.memory_space<hbm>>
      %dma_wait3A_77 = tpu.memref_squeeze %dma_wait3A_76 : memref<1x20000xi32, #tpu.memory_space<hbm>> -> memref<20000xi32, #tpu.memory_space<hbm>>
      tpu.wait_dma2 semaphore(%run_scoped3A_70 : memref<!tpu.dma_semaphore, #tpu.memory_space<semaphore_mem>>) src(%dma_wait3A_77 : memref<20000xi32, #tpu.memory_space<hbm>>) dst(%arg9 : memref<20000xi32, #tpu.memory_space<vmem>>)
      tpu.yield
    }) : () -> ()
    %broadcast_in_dim3A_7 = vector.broadcast %arg0 : i32 to vector<16xi32>
    %scan3A = arith.constant 0 : i32
    %scan3A_8 = arith.constant 0 : i32
    %scan3A_9 = arith.constant 1250 : i32
    %scan3A_10 = arith.addi %scan3A_8, %scan3A_9 : i32
    %scan3A_11 = arith.constant 1 : i32
    scf.for %scan3A_70 = %scan3A_8 to %scan3A_10 step %scan3A_11  : i32 {
      %mul3A_71 = arith.constant 16 : i32
      %mul3A_72 = arith.muli %scan3A_70, %mul3A_71 : i32
      %get3A = arith.index_cast %mul3A_72 : i32 to index
      %get3A_73 = tpu.vector_load %arg8[%get3A] {strides = array<i32>} : memref<20000xi32, #tpu.memory_space<vmem>>, vector<16xi32>,
      %add3A = arith.addi %get3A_73, %get3A_73 : vector<16xi32>
      %add3A_74 = arith.addi %add3A, %broadcast_in_dim3A_7 : vector<16xi32>
      %mul3A_75 = arith.constant 16 : i32
      %mul3A_76 = arith.muli %scan3A_70, %mul3A_75 : i32
      %swap3A = arith.index_cast %mul3A_76 : i32 to index
      %swap3A_77 = tpu.vector_load %arg8[%swap3A] {strides = array<i32>} : memref<20000xi32, #tpu.memory_space<vmem>>, vector<16xi32>,
      tpu.vector_store %arg8[%swap3A], %add3A_74 {strides = array<i32>} : memref<20000xi32, #tpu.memory_space<vmem>>, vector<16xi32>,
    }
    %scan3A_12 = arith.constant 1250 : i32
    %dma_start3A = arith.constant 0 : i32
    %dma_start3A_13 = tpu.memref_slice %arg8[%dma_start3A] : memref<20000xi32, #tpu.memory_space<vmem>> -> memref<80xi32, #tpu.memory_space<vmem>>
    %dma_start3A_14 = arith.constant 0 : i32
    %dma_start3A_15 = arith.constant 0 : i32
    %dma_start3A_16 = tpu.memref_slice %arg2[%dma_start3A_14, %dma_start3A_15] : memref<20000x64xf32, #tpu.memory_space<hbm>> -> memref<20000x64xf32, #tpu.memory_space<hbm>>
    tpu.enqueue_indirect_dma source(%dma_start3A_16 : memref<20000x64xf32, #tpu.memory_space<hbm>>) target(%arg11 : memref<80x64xf32, #tpu.memory_space<vmem>>) offsets(%dma_start3A_13 : memref<80xi32, #tpu.memory_space<vmem>>) semaphore(%arg16 : memref<!tpu.dma_semaphore, #tpu.memory_space<semaphore_mem>>)
    %dma_start3A_17 = arith.constant 80 : i32
    %dma_start3A_18 = tpu.memref_slice %arg8[%dma_start3A_17] : memref<20000xi32, #tpu.memory_space<vmem>> -> memref<80xi32, #tpu.memory_space<vmem>>
    %dma_start3A_19 = arith.constant 0 : i32
    %dma_start3A_20 = arith.constant 0 : i32
    %dma_start3A_21 = tpu.memref_slice %arg2[%dma_start3A_19, %dma_start3A_20] : memref<20000x64xf32, #tpu.memory_space<hbm>> -> memref<20000x64xf32, #tpu.memory_space<hbm>>
    tpu.enqueue_indirect_dma source(%dma_start3A_21 : memref<20000x64xf32, #tpu.memory_space<hbm>>) target(%arg12 : memref<80x64xf32, #tpu.memory_space<vmem>>) offsets(%dma_start3A_18 : memref<80xi32, #tpu.memory_space<vmem>>) semaphore(%arg17 : memref<!tpu.dma_semaphore, #tpu.memory_space<semaphore_mem>>)
    %dma_start3A_22 = arith.constant 160 : i32
    %dma_start3A_23 = tpu.memref_slice %arg8[%dma_start3A_22] : memref<20000xi32, #tpu.memory_space<vmem>> -> memref<80xi32, #tpu.memory_space<vmem>>
    %dma_start3A_24 = arith.constant 0 : i32
    %dma_start3A_25 = arith.constant 0 : i32
    %dma_start3A_26 = tpu.memref_slice %arg2[%dma_start3A_24, %dma_start3A_25] : memref<20000x64xf32, #tpu.memory_space<hbm>> -> memref<20000x64xf32, #tpu.memory_space<hbm>>
    tpu.enqueue_indirect_dma source(%dma_start3A_26 : memref<20000x64xf32, #tpu.memory_space<hbm>>) target(%arg13 : memref<80x64xf32, #tpu.memory_space<vmem>>) offsets(%dma_start3A_23 : memref<80xi32, #tpu.memory_space<vmem>>) semaphore(%arg18 : memref<!tpu.dma_semaphore, #tpu.memory_space<semaphore_mem>>)
    %dma_start3A_27 = arith.constant 240 : i32
    %dma_start3A_28 = tpu.memref_slice %arg8[%dma_start3A_27] : memref<20000xi32, #tpu.memory_space<vmem>> -> memref<80xi32, #tpu.memory_space<vmem>>
    %dma_start3A_29 = arith.constant 0 : i32
    %dma_start3A_30 = arith.constant 0 : i32
    %dma_start3A_31 = tpu.memref_slice %arg2[%dma_start3A_29, %dma_start3A_30] : memref<20000x64xf32, #tpu.memory_space<hbm>> -> memref<20000x64xf32, #tpu.memory_space<hbm>>
    tpu.enqueue_indirect_dma source(%dma_start3A_31 : memref<20000x64xf32, #tpu.memory_space<hbm>>) target(%arg14 : memref<80x64xf32, #tpu.memory_space<vmem>>) offsets(%dma_start3A_28 : memref<80xi32, #tpu.memory_space<vmem>>) semaphore(%arg19 : memref<!tpu.dma_semaphore, #tpu.memory_space<semaphore_mem>>)
    %dma_start3A_32 = arith.constant 320 : i32
    %dma_start3A_33 = tpu.memref_slice %arg8[%dma_start3A_32] : memref<20000xi32, #tpu.memory_space<vmem>> -> memref<80xi32, #tpu.memory_space<vmem>>
    %dma_start3A_34 = arith.constant 0 : i32
    %dma_start3A_35 = arith.constant 0 : i32
    %dma_start3A_36 = tpu.memref_slice %arg2[%dma_start3A_34, %dma_start3A_35] : memref<20000x64xf32, #tpu.memory_space<hbm>> -> memref<20000x64xf32, #tpu.memory_space<hbm>>
    tpu.enqueue_indirect_dma source(%dma_start3A_36 : memref<20000x64xf32, #tpu.memory_space<hbm>>) target(%arg15 : memref<80x64xf32, #tpu.memory_space<vmem>>) offsets(%dma_start3A_33 : memref<80xi32, #tpu.memory_space<vmem>>) semaphore(%arg20 : memref<!tpu.dma_semaphore, #tpu.memory_space<semaphore_mem>>)
    %scan3A_37 = arith.constant 0 : i32
    %scan3A_38 = arith.constant 0 : i32
    %scan3A_39 = arith.constant 625 : i32
    %scan3A_40 = arith.addi %scan3A_38, %scan3A_39 : i32
    %scan3A_41 = arith.constant 1 : i32
    scf.for %scan3A_70 = %scan3A_38 to %scan3A_40 step %scan3A_41  : i32 {
      %mul3A_71 = arith.constant 16 : i32
      %mul3A_72 = arith.muli %scan3A_70, %mul3A_71 : i32
      %swap3A = arith.index_cast %mul3A_72 : i32 to index
      %swap3A_73 = tpu.vector_load %arg10[%swap3A] {strides = array<i32>} : memref<10000xf32, #tpu.memory_space<vmem>>, vector<16xf32>,
      tpu.vector_store %arg10[%swap3A], %broadcast_in_dim3A_2 {strides = array<i32>} : memref<10000xf32, #tpu.memory_space<vmem>>, vector<16xf32>,
    }
    %scan3A_42 = arith.constant 625 : i32
    %mul3A_43 = arith.constant 624 : i32
    %mul3A_44 = arith.muli %arg1, %mul3A_43 : i32
    "tpu.region"() ({
      %run_scoped3A_70 = tpu.sem_alloc : memref<!tpu.dma_semaphore, #tpu.memory_space<semaphore_mem>>
      %dma_start3A_71 = arith.constant 0 : i32
      %dma_start3A_72 = tpu.memref_slice %arg7[%mul3A_44, %dma_start3A_71] : memref<10000x64xf32, #tpu.memory_space<vmem_shared>> -> memref<624x64xf32, #tpu.memory_space<vmem_shared>>
      %dma_start3A_73 = arith.constant 0 : i32
      %dma_start3A_74 = arith.constant 0 : i32
      %dma_start3A_75 = tpu.memref_slice %arg4[%dma_start3A_73, %dma_start3A_74] : memref<624x64xf32, #tpu.memory_space<hbm>> -> memref<624x64xf32, #tpu.memory_space<hbm>>
      tpu.enqueue_dma source(%dma_start3A_75 : memref<624x64xf32, #tpu.memory_space<hbm>>) target(%dma_start3A_72 : memref<624x64xf32, #tpu.memory_space<vmem_shared>>) target_semaphore(%run_scoped3A_70 : memref<!tpu.dma_semaphore, #tpu.memory_space<semaphore_mem>>)
      %dma_wait3A = arith.constant 0 : i32
      %dma_wait3A_76 = tpu.memref_slice %arg7[%mul3A_44, %dma_wait3A] : memref<10000x64xf32, #tpu.memory_space<vmem_shared>> -> memref<624x64xf32, #tpu.memory_space<vmem_shared>>
      %dma_wait3A_77 = arith.constant 0 : i32
      %dma_wait3A_78 = arith.constant 0 : i32
      %dma_wait3A_79 = tpu.memref_slice %arg4[%dma_wait3A_77, %dma_wait3A_78] : memref<624x64xf32, #tpu.memory_space<hbm>> -> memref<624x64xf32, #tpu.memory_space<hbm>>
      tpu.wait_dma2 semaphore(%run_scoped3A_70 : memref<!tpu.dma_semaphore, #tpu.memory_space<semaphore_mem>>) src(%dma_wait3A_79 : memref<624x64xf32, #tpu.memory_space<hbm>>) dst(%dma_wait3A_76 : memref<624x64xf32, #tpu.memory_space<vmem_shared>>)
      tpu.yield
    }) : () -> ()
    %eq3A = arith.constant 15 : i32
    %eq3A_45 = arith.cmpi eq, %arg1, %eq3A : i32
    %convert_element_type3A = arith.extui %eq3A_45 : i1 to i32
    %cond3A = arith.constant 0 : i32
    %cond3A_46 = arith.cmpi ne, %convert_element_type3A, %cond3A : i32
    scf.if %cond3A_46 {
      "tpu.region"() ({
        %run_scoped3A_70 = tpu.sem_alloc : memref<!tpu.dma_semaphore, #tpu.memory_space<semaphore_mem>>
        %dma_start3A_71 = arith.constant 9984 : i32
        %dma_start3A_72 = arith.constant 0 : i32
        %dma_start3A_73 = tpu.memref_slice %arg7[%dma_start3A_71, %dma_start3A_72] : memref<10000x64xf32, #tpu.memory_space<vmem_shared>> -> memref<16x64xf32, #tpu.memory_space<vmem_shared>>
        %dma_start3A_74 = arith.constant 0 : i32
        %dma_start3A_75 = arith.constant 0 : i32
        %dma_start3A_76 = tpu.memref_slice %arg4[%dma_start3A_74, %dma_start3A_75] : memref<624x64xf32, #tpu.memory_space<hbm>> -> memref<16x64xf32, #tpu.memory_space<hbm>>
        tpu.enqueue_dma source(%dma_start3A_76 : memref<16x64xf32, #tpu.memory_space<hbm>>) target(%dma_start3A_73 : memref<16x64xf32, #tpu.memory_space<vmem_shared>>) target_semaphore(%run_scoped3A_70 : memref<!tpu.dma_semaphore, #tpu.memory_space<semaphore_mem>>)
        %dma_wait3A = arith.constant 9984 : i32
        %dma_wait3A_77 = arith.constant 0 : i32
        %dma_wait3A_78 = tpu.memref_slice %arg7[%dma_wait3A, %dma_wait3A_77] : memref<10000x64xf32, #tpu.memory_space<vmem_shared>> -> memref<16x64xf32, #tpu.memory_space<vmem_shared>>
        %dma_wait3A_79 = arith.constant 0 : i32
        %dma_wait3A_80 = arith.constant 0 : i32
        %dma_wait3A_81 = tpu.memref_slice %arg4[%dma_wait3A_79, %dma_wait3A_80] : memref<624x64xf32, #tpu.memory_space<hbm>> -> memref<16x64xf32, #tpu.memory_space<hbm>>
        tpu.wait_dma2 semaphore(%run_scoped3A_70 : memref<!tpu.dma_semaphore, #tpu.memory_space<semaphore_mem>>) src(%dma_wait3A_81 : memref<16x64xf32, #tpu.memory_space<hbm>>) dst(%dma_wait3A_78 : memref<16x64xf32, #tpu.memory_space<vmem_shared>>)
        tpu.yield
      }) : () -> ()
    } else {
    }
    %barrier3A = arith.constant 0 : index
    tpu.barrier barrier_id(%barrier3A)
    %scan3A_47 = arith.constant 0 : i32
    %scan3A_48 = arith.constant 0 : i32
    %scan3A_49 = arith.constant 50 : i32
    %scan3A_50 = arith.addi %scan3A_48, %scan3A_49 : i32
    %scan3A_51 = arith.constant 1 : i32
    scf.for %scan3A_70 = %scan3A_48 to %scan3A_50 step %scan3A_51  : i32 {
      %mul3A_71 = arith.constant 5 : i32
      %mul3A_72 = arith.muli %scan3A_70, %mul3A_71 : i32
      %add3A = arith.constant 0 : i32
      %add3A_73 = arith.addi %mul3A_72, %add3A : i32
      %dma_wait3A = arith.constant 0 : i32
      %dma_wait3A_74 = arith.constant 0 : i32
      %dma_wait3A_75 = tpu.memref_slice %arg2[%dma_wait3A, %dma_wait3A_74] : memref<20000x64xf32, #tpu.memory_space<hbm>> -> memref<80x64xf32, #tpu.memory_space<hbm>>
      %dma_wait3A_76 = arith.constant 0 : i32
      %dma_wait3A_77 = arith.constant 0 : i32
      %dma_wait3A_78 = tpu.memref_slice %arg2[%dma_wait3A_76, %dma_wait3A_77] : memref<20000x64xf32, #tpu.memory_space<hbm>> -> memref<80x64xf32, #tpu.memory_space<hbm>>
      tpu.wait_dma2 semaphore(%arg16 : memref<!tpu.dma_semaphore, #tpu.memory_space<semaphore_mem>>) src(%dma_wait3A_78 : memref<80x64xf32, #tpu.memory_space<hbm>>) dst(%arg11 : memref<80x64xf32, #tpu.memory_space<vmem>>)
      %eq3A_79 = arith.constant 0 : i32
      %eq3A_80 = arith.cmpi eq, %arg0, %eq3A_79 : i32
      %convert_element_type3A_81 = arith.extui %eq3A_80 : i1 to i32
      %cond3A_82 = arith.constant 0 : i32
      %cond3A_83 = arith.cmpi ne, %convert_element_type3A_81, %cond3A_82 : i32
      scf.if %cond3A_83 {
        %mul3A_188 = arith.constant 80 : i32
        %mul3A_189 = arith.muli %add3A_73, %mul3A_188 : i32
        %add3A_190 = arith.constant 0 : i32
        %add3A_191 = arith.addi %mul3A_189, %add3A_190 : i32
        %get3A = arith.index_cast %add3A_191 : i32 to index
        %get3A_192 = tpu.vector_load %arg9[%get3A] {strides = array<i32>} : memref<20000xi32, #tpu.memory_space<vmem>>, vector<16xi32>,
        tpu.vector_store_idx %arg10[%get3A_192], %broadcast_in_dim3A_0 {add = true} : memref<10000xf32, #tpu.memory_space<vmem>>[vector<16xi32>], vector<16xf32>,
        %mul3A_193 = arith.constant 80 : i32
        %mul3A_194 = arith.muli %add3A_73, %mul3A_193 : i32
        %add3A_195 = arith.constant 16 : i32
        %add3A_196 = arith.addi %mul3A_194, %add3A_195 : i32
        %get3A_197 = arith.index_cast %add3A_196 : i32 to index
        %get3A_198 = tpu.vector_load %arg9[%get3A_197] {strides = array<i32>} : memref<20000xi32, #tpu.memory_space<vmem>>, vector<16xi32>,
        tpu.vector_store_idx %arg10[%get3A_198], %broadcast_in_dim3A_0 {add = true} : memref<10000xf32, #tpu.memory_space<vmem>>[vector<16xi32>], vector<16xf32>,
        %mul3A_199 = arith.constant 80 : i32
        %mul3A_200 = arith.muli %add3A_73, %mul3A_199 : i32
        %add3A_201 = arith.constant 32 : i32
        %add3A_202 = arith.addi %mul3A_200, %add3A_201 : i32
        %get3A_203 = arith.index_cast %add3A_202 : i32 to index
        %get3A_204 = tpu.vector_load %arg9[%get3A_203] {strides = array<i32>} : memref<20000xi32, #tpu.memory_space<vmem>>, vector<16xi32>,
        tpu.vector_store_idx %arg10[%get3A_204], %broadcast_in_dim3A_0 {add = true} : memref<10000xf32, #tpu.memory_space<vmem>>[vector<16xi32>], vector<16xf32>,
        %mul3A_205 = arith.constant 80 : i32
        %mul3A_206 = arith.muli %add3A_73, %mul3A_205 : i32
        %add3A_207 = arith.constant 48 : i32
        %add3A_208 = arith.addi %mul3A_206, %add3A_207 : i32
        %get3A_209 = arith.index_cast %add3A_208 : i32 to index
        %get3A_210 = tpu.vector_load %arg9[%get3A_209] {strides = array<i32>} : memref<20000xi32, #tpu.memory_space<vmem>>, vector<16xi32>,
        tpu.vector_store_idx %arg10[%get3A_210], %broadcast_in_dim3A_0 {add = true} : memref<10000xf32, #tpu.memory_space<vmem>>[vector<16xi32>], vector<16xf32>,
        %mul3A_211 = arith.constant 80 : i32
        %mul3A_212 = arith.muli %add3A_73, %mul3A_211 : i32
        %add3A_213 = arith.constant 64 : i32
        %add3A_214 = arith.addi %mul3A_212, %add3A_213 : i32
        %get3A_215 = arith.index_cast %add3A_214 : i32 to index
        %get3A_216 = tpu.vector_load %arg9[%get3A_215] {strides = array<i32>} : memref<20000xi32, #tpu.memory_space<vmem>>, vector<16xi32>,
        tpu.vector_store_idx %arg10[%get3A_216], %broadcast_in_dim3A_0 {add = true} : memref<10000xf32, #tpu.memory_space<vmem>>[vector<16xi32>], vector<16xf32>,
      } else {
      }
      %mul3A_84 = arith.constant 80 : i32
      %mul3A_85 = arith.muli %add3A_73, %mul3A_84 : i32
      "tpu.region"() ({
        %run_scoped3A_188 = tpu.sem_alloc : memref<!tpu.dma_semaphore, #tpu.memory_space<semaphore_mem>>
        %dma_start3A_189 = tpu.memref_slice %arg9[%mul3A_85] : memref<20000xi32, #tpu.memory_space<vmem>> -> memref<80xi32, #tpu.memory_space<vmem>>
        %dma_start3A_190 = arith.constant 0 : i32
        %dma_start3A_191 = arith.constant 0 : i32
        %dma_start3A_192 = tpu.memref_slice %arg7[%dma_start3A_190, %dma_start3A_191] : memref<10000x64xf32, #tpu.memory_space<vmem_shared>> -> memref<10000x64xf32, #tpu.memory_space<vmem_shared>>
        tpu.enqueue_indirect_dma source(%arg11 : memref<80x64xf32, #tpu.memory_space<vmem>>) target(%dma_start3A_192 : memref<10000x64xf32, #tpu.memory_space<vmem_shared>>) offsets(%dma_start3A_189 : memref<80xi32, #tpu.memory_space<vmem>>) semaphore(%run_scoped3A_188 : memref<!tpu.dma_semaphore, #tpu.memory_space<semaphore_mem>>) {add = true}
        %dma_wait3A_193 = tpu.memref_slice %arg9[%mul3A_85] : memref<20000xi32, #tpu.memory_space<vmem>> -> memref<80xi32, #tpu.memory_space<vmem>>
        %dma_wait3A_194 = arith.constant 0 : i32
        %dma_wait3A_195 = arith.constant 0 : i32
        %dma_wait3A_196 = tpu.memref_slice %arg7[%dma_wait3A_194, %dma_wait3A_195] : memref<10000x64xf32, #tpu.memory_space<vmem_shared>> -> memref<10000x64xf32, #tpu.memory_space<vmem_shared>>
        tpu.wait_indirect_dma semaphore(%run_scoped3A_188 : memref<!tpu.dma_semaphore, #tpu.memory_space<semaphore_mem>>) src(%arg11 : memref<80x64xf32, #tpu.memory_space<vmem>>) dst(%dma_wait3A_196 : memref<10000x64xf32, #tpu.memory_space<vmem_shared>>)
        tpu.yield
      }) : () -> ()
      %add3A_86 = arith.constant 5 : i32
      %add3A_87 = arith.addi %add3A_73, %add3A_86 : i32
      %lt3A = arith.constant 250 : i32
      %lt3A_88 = arith.cmpi slt, %add3A_87, %lt3A : i32
      %convert_element_type3A_89 = arith.extui %lt3A_88 : i1 to i32
      %cond3A_90 = arith.constant 0 : i32
      %cond3A_91 = arith.cmpi ne, %convert_element_type3A_89, %cond3A_90 : i32
      scf.if %cond3A_91 {
        %mul3A_188 = arith.constant 80 : i32
        %mul3A_189 = arith.muli %add3A_87, %mul3A_188 : i32
        %dma_start3A_190 = tpu.memref_slice %arg8[%mul3A_189] : memref<20000xi32, #tpu.memory_space<vmem>> -> memref<80xi32, #tpu.memory_space<vmem>>
        %dma_start3A_191 = arith.constant 0 : i32
        %dma_start3A_192 = arith.constant 0 : i32
        %dma_start3A_193 = tpu.memref_slice %arg2[%dma_start3A_191, %dma_start3A_192] : memref<20000x64xf32, #tpu.memory_space<hbm>> -> memref<20000x64xf32, #tpu.memory_space<hbm>>
        tpu.enqueue_indirect_dma source(%dma_start3A_193 : memref<20000x64xf32, #tpu.memory_space<hbm>>) target(%arg11 : memref<80x64xf32, #tpu.memory_space<vmem>>) offsets(%dma_start3A_190 : memref<80xi32, #tpu.memory_space<vmem>>) semaphore(%arg16 : memref<!tpu.dma_semaphore, #tpu.memory_space<semaphore_mem>>)
      } else {
      }
      %mul3A_92 = arith.constant 5 : i32
      %mul3A_93 = arith.muli %scan3A_70, %mul3A_92 : i32
      %add3A_94 = arith.constant 1 : i32
      %add3A_95 = arith.addi %mul3A_93, %add3A_94 : i32
      %dma_wait3A_96 = arith.constant 0 : i32
      %dma_wait3A_97 = arith.constant 0 : i32
      %dma_wait3A_98 = tpu.memref_slice %arg2[%dma_wait3A_96, %dma_wait3A_97] : memref<20000x64xf32, #tpu.memory_space<hbm>> -> memref<80x64xf32, #tpu.memory_space<hbm>>
      %dma_wait3A_99 = arith.constant 0 : i32
      %dma_wait3A_100 = arith.constant 0 : i32
      %dma_wait3A_101 = tpu.memref_slice %arg2[%dma_wait3A_99, %dma_wait3A_100] : memref<20000x64xf32, #tpu.memory_space<hbm>> -> memref<80x64xf32, #tpu.memory_space<hbm>>
      tpu.wait_dma2 semaphore(%arg17 : memref<!tpu.dma_semaphore, #tpu.memory_space<semaphore_mem>>) src(%dma_wait3A_101 : memref<80x64xf32, #tpu.memory_space<hbm>>) dst(%arg12 : memref<80x64xf32, #tpu.memory_space<vmem>>)
      %eq3A_102 = arith.constant 0 : i32
      %eq3A_103 = arith.cmpi eq, %arg0, %eq3A_102 : i32
      %convert_element_type3A_104 = arith.extui %eq3A_103 : i1 to i32
      %cond3A_105 = arith.constant 0 : i32
      %cond3A_106 = arith.cmpi ne, %convert_element_type3A_104, %cond3A_105 : i32
      scf.if %cond3A_106 {
        %mul3A_188 = arith.constant 80 : i32
        %mul3A_189 = arith.muli %add3A_95, %mul3A_188 : i32
        %add3A_190 = arith.constant 0 : i32
        %add3A_191 = arith.addi %mul3A_189, %add3A_190 : i32
        %get3A = arith.index_cast %add3A_191 : i32 to index
        %get3A_192 = tpu.vector_load %arg9[%get3A] {strides = array<i32>} : memref<20000xi32, #tpu.memory_space<vmem>>, vector<16xi32>,
        tpu.vector_store_idx %arg10[%get3A_192], %broadcast_in_dim3A_0 {add = true} : memref<10000xf32, #tpu.memory_space<vmem>>[vector<16xi32>], vector<16xf32>,
        %mul3A_193 = arith.constant 80 : i32
        %mul3A_194 = arith.muli %add3A_95, %mul3A_193 : i32
        %add3A_195 = arith.constant 16 : i32
        %add3A_196 = arith.addi %mul3A_194, %add3A_195 : i32
        %get3A_197 = arith.index_cast %add3A_196 : i32 to index
        %get3A_198 = tpu.vector_load %arg9[%get3A_197] {strides = array<i32>} : memref<20000xi32, #tpu.memory_space<vmem>>, vector<16xi32>,
        tpu.vector_store_idx %arg10[%get3A_198], %broadcast_in_dim3A_0 {add = true} : memref<10000xf32, #tpu.memory_space<vmem>>[vector<16xi32>], vector<16xf32>,
        %mul3A_199 = arith.constant 80 : i32
        %mul3A_200 = arith.muli %add3A_95, %mul3A_199 : i32
        %add3A_201 = arith.constant 32 : i32
        %add3A_202 = arith.addi %mul3A_200, %add3A_201 : i32
        %get3A_203 = arith.index_cast %add3A_202 : i32 to index
        %get3A_204 = tpu.vector_load %arg9[%get3A_203] {strides = array<i32>} : memref<20000xi32, #tpu.memory_space<vmem>>, vector<16xi32>,
        tpu.vector_store_idx %arg10[%get3A_204], %broadcast_in_dim3A_0 {add = true} : memref<10000xf32, #tpu.memory_space<vmem>>[vector<16xi32>], vector<16xf32>,
        %mul3A_205 = arith.constant 80 : i32
        %mul3A_206 = arith.muli %add3A_95, %mul3A_205 : i32
        %add3A_207 = arith.constant 48 : i32
        %add3A_208 = arith.addi %mul3A_206, %add3A_207 : i32
        %get3A_209 = arith.index_cast %add3A_208 : i32 to index
        %get3A_210 = tpu.vector_load %arg9[%get3A_209] {strides = array<i32>} : memref<20000xi32, #tpu.memory_space<vmem>>, vector<16xi32>,
        tpu.vector_store_idx %arg10[%get3A_210], %broadcast_in_dim3A_0 {add = true} : memref<10000xf32, #tpu.memory_space<vmem>>[vector<16xi32>], vector<16xf32>,
        %mul3A_211 = arith.constant 80 : i32
        %mul3A_212 = arith.muli %add3A_95, %mul3A_211 : i32
        %add3A_213 = arith.constant 64 : i32
        %add3A_214 = arith.addi %mul3A_212, %add3A_213 : i32
        %get3A_215 = arith.index_cast %add3A_214 : i32 to index
        %get3A_216 = tpu.vector_load %arg9[%get3A_215] {strides = array<i32>} : memref<20000xi32, #tpu.memory_space<vmem>>, vector<16xi32>,
        tpu.vector_store_idx %arg10[%get3A_216], %broadcast_in_dim3A_0 {add = true} : memref<10000xf32, #tpu.memory_space<vmem>>[vector<16xi32>], vector<16xf32>,
      } else {
      }
      %mul3A_107 = arith.constant 80 : i32
      %mul3A_108 = arith.muli %add3A_95, %mul3A_107 : i32
      "tpu.region"() ({
        %run_scoped3A_188 = tpu.sem_alloc : memref<!tpu.dma_semaphore, #tpu.memory_space<semaphore_mem>>
        %dma_start3A_189 = tpu.memref_slice %arg9[%mul3A_108] : memref<20000xi32, #tpu.memory_space<vmem>> -> memref<80xi32, #tpu.memory_space<vmem>>
        %dma_start3A_190 = arith.constant 0 : i32
        %dma_start3A_191 = arith.constant 0 : i32
        %dma_start3A_192 = tpu.memref_slice %arg7[%dma_start3A_190, %dma_start3A_191] : memref<10000x64xf32, #tpu.memory_space<vmem_shared>> -> memref<10000x64xf32, #tpu.memory_space<vmem_shared>>
        tpu.enqueue_indirect_dma source(%arg12 : memref<80x64xf32, #tpu.memory_space<vmem>>) target(%dma_start3A_192 : memref<10000x64xf32, #tpu.memory_space<vmem_shared>>) offsets(%dma_start3A_189 : memref<80xi32, #tpu.memory_space<vmem>>) semaphore(%run_scoped3A_188 : memref<!tpu.dma_semaphore, #tpu.memory_space<semaphore_mem>>) {add = true}
        %dma_wait3A_193 = tpu.memref_slice %arg9[%mul3A_108] : memref<20000xi32, #tpu.memory_space<vmem>> -> memref<80xi32, #tpu.memory_space<vmem>>
        %dma_wait3A_194 = arith.constant 0 : i32
        %dma_wait3A_195 = arith.constant 0 : i32
        %dma_wait3A_196 = tpu.memref_slice %arg7[%dma_wait3A_194, %dma_wait3A_195] : memref<10000x64xf32, #tpu.memory_space<vmem_shared>> -> memref<10000x64xf32, #tpu.memory_space<vmem_shared>>
        tpu.wait_indirect_dma semaphore(%run_scoped3A_188 : memref<!tpu.dma_semaphore, #tpu.memory_space<semaphore_mem>>) src(%arg12 : memref<80x64xf32, #tpu.memory_space<vmem>>) dst(%dma_wait3A_196 : memref<10000x64xf32, #tpu.memory_space<vmem_shared>>)
        tpu.yield
      }) : () -> ()
      %add3A_109 = arith.constant 5 : i32
      %add3A_110 = arith.addi %add3A_95, %add3A_109 : i32
      %lt3A_111 = arith.constant 250 : i32
      %lt3A_112 = arith.cmpi slt, %add3A_110, %lt3A_111 : i32
      %convert_element_type3A_113 = arith.extui %lt3A_112 : i1 to i32
      %cond3A_114 = arith.constant 0 : i32
      %cond3A_115 = arith.cmpi ne, %convert_element_type3A_113, %cond3A_114 : i32
      scf.if %cond3A_115 {
        %mul3A_188 = arith.constant 80 : i32
        %mul3A_189 = arith.muli %add3A_110, %mul3A_188 : i32
        %dma_start3A_190 = tpu.memref_slice %arg8[%mul3A_189] : memref<20000xi32, #tpu.memory_space<vmem>> -> memref<80xi32, #tpu.memory_space<vmem>>
        %dma_start3A_191 = arith.constant 0 : i32
        %dma_start3A_192 = arith.constant 0 : i32
        %dma_start3A_193 = tpu.memref_slice %arg2[%dma_start3A_191, %dma_start3A_192] : memref<20000x64xf32, #tpu.memory_space<hbm>> -> memref<20000x64xf32, #tpu.memory_space<hbm>>
        tpu.enqueue_indirect_dma source(%dma_start3A_193 : memref<20000x64xf32, #tpu.memory_space<hbm>>) target(%arg12 : memref<80x64xf32, #tpu.memory_space<vmem>>) offsets(%dma_start3A_190 : memref<80xi32, #tpu.memory_space<vmem>>) semaphore(%arg17 : memref<!tpu.dma_semaphore, #tpu.memory_space<semaphore_mem>>)
      } else {
      }
      %mul3A_116 = arith.constant 5 : i32
      %mul3A_117 = arith.muli %scan3A_70, %mul3A_116 : i32
      %add3A_118 = arith.constant 2 : i32
      %add3A_119 = arith.addi %mul3A_117, %add3A_118 : i32
      %dma_wait3A_120 = arith.constant 0 : i32
      %dma_wait3A_121 = arith.constant 0 : i32
      %dma_wait3A_122 = tpu.memref_slice %arg2[%dma_wait3A_120, %dma_wait3A_121] : memref<20000x64xf32, #tpu.memory_space<hbm>> -> memref<80x64xf32, #tpu.memory_space<hbm>>
      %dma_wait3A_123 = arith.constant 0 : i32
      %dma_wait3A_124 = arith.constant 0 : i32
      %dma_wait3A_125 = tpu.memref_slice %arg2[%dma_wait3A_123, %dma_wait3A_124] : memref<20000x64xf32, #tpu.memory_space<hbm>> -> memref<80x64xf32, #tpu.memory_space<hbm>>
      tpu.wait_dma2 semaphore(%arg18 : memref<!tpu.dma_semaphore, #tpu.memory_space<semaphore_mem>>) src(%dma_wait3A_125 : memref<80x64xf32, #tpu.memory_space<hbm>>) dst(%arg13 : memref<80x64xf32, #tpu.memory_space<vmem>>)
      %eq3A_126 = arith.constant 0 : i32
      %eq3A_127 = arith.cmpi eq, %arg0, %eq3A_126 : i32
      %convert_element_type3A_128 = arith.extui %eq3A_127 : i1 to i32
      %cond3A_129 = arith.constant 0 : i32
      %cond3A_130 = arith.cmpi ne, %convert_element_type3A_128, %cond3A_129 : i32
      scf.if %cond3A_130 {
        %mul3A_188 = arith.constant 80 : i32
        %mul3A_189 = arith.muli %add3A_119, %mul3A_188 : i32
        %add3A_190 = arith.constant 0 : i32
        %add3A_191 = arith.addi %mul3A_189, %add3A_190 : i32
        %get3A = arith.index_cast %add3A_191 : i32 to index
        %get3A_192 = tpu.vector_load %arg9[%get3A] {strides = array<i32>} : memref<20000xi32, #tpu.memory_space<vmem>>, vector<16xi32>,
        tpu.vector_store_idx %arg10[%get3A_192], %broadcast_in_dim3A_0 {add = true} : memref<10000xf32, #tpu.memory_space<vmem>>[vector<16xi32>], vector<16xf32>,
        %mul3A_193 = arith.constant 80 : i32
        %mul3A_194 = arith.muli %add3A_119, %mul3A_193 : i32
        %add3A_195 = arith.constant 16 : i32
        %add3A_196 = arith.addi %mul3A_194, %add3A_195 : i32
        %get3A_197 = arith.index_cast %add3A_196 : i32 to index
        %get3A_198 = tpu.vector_load %arg9[%get3A_197] {strides = array<i32>} : memref<20000xi32, #tpu.memory_space<vmem>>, vector<16xi32>,
        tpu.vector_store_idx %arg10[%get3A_198], %broadcast_in_dim3A_0 {add = true} : memref<10000xf32, #tpu.memory_space<vmem>>[vector<16xi32>], vector<16xf32>,
        %mul3A_199 = arith.constant 80 : i32
        %mul3A_200 = arith.muli %add3A_119, %mul3A_199 : i32
        %add3A_201 = arith.constant 32 : i32
        %add3A_202 = arith.addi %mul3A_200, %add3A_201 : i32
        %get3A_203 = arith.index_cast %add3A_202 : i32 to index
        %get3A_204 = tpu.vector_load %arg9[%get3A_203] {strides = array<i32>} : memref<20000xi32, #tpu.memory_space<vmem>>, vector<16xi32>,
        tpu.vector_store_idx %arg10[%get3A_204], %broadcast_in_dim3A_0 {add = true} : memref<10000xf32, #tpu.memory_space<vmem>>[vector<16xi32>], vector<16xf32>,
        %mul3A_205 = arith.constant 80 : i32
        %mul3A_206 = arith.muli %add3A_119, %mul3A_205 : i32
        %add3A_207 = arith.constant 48 : i32
        %add3A_208 = arith.addi %mul3A_206, %add3A_207 : i32
        %get3A_209 = arith.index_cast %add3A_208 : i32 to index
        %get3A_210 = tpu.vector_load %arg9[%get3A_209] {strides = array<i32>} : memref<20000xi32, #tpu.memory_space<vmem>>, vector<16xi32>,
        tpu.vector_store_idx %arg10[%get3A_210], %broadcast_in_dim3A_0 {add = true} : memref<10000xf32, #tpu.memory_space<vmem>>[vector<16xi32>], vector<16xf32>,
        %mul3A_211 = arith.constant 80 : i32
        %mul3A_212 = arith.muli %add3A_119, %mul3A_211 : i32
        %add3A_213 = arith.constant 64 : i32
        %add3A_214 = arith.addi %mul3A_212, %add3A_213 : i32
        %get3A_215 = arith.index_cast %add3A_214 : i32 to index
        %get3A_216 = tpu.vector_load %arg9[%get3A_215] {strides = array<i32>} : memref<20000xi32, #tpu.memory_space<vmem>>, vector<16xi32>,
        tpu.vector_store_idx %arg10[%get3A_216], %broadcast_in_dim3A_0 {add = true} : memref<10000xf32, #tpu.memory_space<vmem>>[vector<16xi32>], vector<16xf32>,
      } else {
      }
      %mul3A_131 = arith.constant 80 : i32
      %mul3A_132 = arith.muli %add3A_119, %mul3A_131 : i32
      "tpu.region"() ({
        %run_scoped3A_188 = tpu.sem_alloc : memref<!tpu.dma_semaphore, #tpu.memory_space<semaphore_mem>>
        %dma_start3A_189 = tpu.memref_slice %arg9[%mul3A_132] : memref<20000xi32, #tpu.memory_space<vmem>> -> memref<80xi32, #tpu.memory_space<vmem>>
        %dma_start3A_190 = arith.constant 0 : i32
        %dma_start3A_191 = arith.constant 0 : i32
        %dma_start3A_192 = tpu.memref_slice %arg7[%dma_start3A_190, %dma_start3A_191] : memref<10000x64xf32, #tpu.memory_space<vmem_shared>> -> memref<10000x64xf32, #tpu.memory_space<vmem_shared>>
        tpu.enqueue_indirect_dma source(%arg13 : memref<80x64xf32, #tpu.memory_space<vmem>>) target(%dma_start3A_192 : memref<10000x64xf32, #tpu.memory_space<vmem_shared>>) offsets(%dma_start3A_189 : memref<80xi32, #tpu.memory_space<vmem>>) semaphore(%run_scoped3A_188 : memref<!tpu.dma_semaphore, #tpu.memory_space<semaphore_mem>>) {add = true}
        %dma_wait3A_193 = tpu.memref_slice %arg9[%mul3A_132] : memref<20000xi32, #tpu.memory_space<vmem>> -> memref<80xi32, #tpu.memory_space<vmem>>
        %dma_wait3A_194 = arith.constant 0 : i32
        %dma_wait3A_195 = arith.constant 0 : i32
        %dma_wait3A_196 = tpu.memref_slice %arg7[%dma_wait3A_194, %dma_wait3A_195] : memref<10000x64xf32, #tpu.memory_space<vmem_shared>> -> memref<10000x64xf32, #tpu.memory_space<vmem_shared>>
        tpu.wait_indirect_dma semaphore(%run_scoped3A_188 : memref<!tpu.dma_semaphore, #tpu.memory_space<semaphore_mem>>) src(%arg13 : memref<80x64xf32, #tpu.memory_space<vmem>>) dst(%dma_wait3A_196 : memref<10000x64xf32, #tpu.memory_space<vmem_shared>>)
        tpu.yield
      }) : () -> ()
      %add3A_133 = arith.constant 5 : i32
      %add3A_134 = arith.addi %add3A_119, %add3A_133 : i32
      %lt3A_135 = arith.constant 250 : i32
      %lt3A_136 = arith.cmpi slt, %add3A_134, %lt3A_135 : i32
      %convert_element_type3A_137 = arith.extui %lt3A_136 : i1 to i32
      %cond3A_138 = arith.constant 0 : i32
      %cond3A_139 = arith.cmpi ne, %convert_element_type3A_137, %cond3A_138 : i32
      scf.if %cond3A_139 {
        %mul3A_188 = arith.constant 80 : i32
        %mul3A_189 = arith.muli %add3A_134, %mul3A_188 : i32
        %dma_start3A_190 = tpu.memref_slice %arg8[%mul3A_189] : memref<20000xi32, #tpu.memory_space<vmem>> -> memref<80xi32, #tpu.memory_space<vmem>>
        %dma_start3A_191 = arith.constant 0 : i32
        %dma_start3A_192 = arith.constant 0 : i32
        %dma_start3A_193 = tpu.memref_slice %arg2[%dma_start3A_191, %dma_start3A_192] : memref<20000x64xf32, #tpu.memory_space<hbm>> -> memref<20000x64xf32, #tpu.memory_space<hbm>>
        tpu.enqueue_indirect_dma source(%dma_start3A_193 : memref<20000x64xf32, #tpu.memory_space<hbm>>) target(%arg13 : memref<80x64xf32, #tpu.memory_space<vmem>>) offsets(%dma_start3A_190 : memref<80xi32, #tpu.memory_space<vmem>>) semaphore(%arg18 : memref<!tpu.dma_semaphore, #tpu.memory_space<semaphore_mem>>)
      } else {
      }
      %mul3A_140 = arith.constant 5 : i32
      %mul3A_141 = arith.muli %scan3A_70, %mul3A_140 : i32
      %add3A_142 = arith.constant 3 : i32
      %add3A_143 = arith.addi %mul3A_141, %add3A_142 : i32
      %dma_wait3A_144 = arith.constant 0 : i32
      %dma_wait3A_145 = arith.constant 0 : i32
      %dma_wait3A_146 = tpu.memref_slice %arg2[%dma_wait3A_144, %dma_wait3A_145] : memref<20000x64xf32, #tpu.memory_space<hbm>> -> memref<80x64xf32, #tpu.memory_space<hbm>>
      %dma_wait3A_147 = arith.constant 0 : i32
      %dma_wait3A_148 = arith.constant 0 : i32
      %dma_wait3A_149 = tpu.memref_slice %arg2[%dma_wait3A_147, %dma_wait3A_148] : memref<20000x64xf32, #tpu.memory_space<hbm>> -> memref<80x64xf32, #tpu.memory_space<hbm>>
      tpu.wait_dma2 semaphore(%arg19 : memref<!tpu.dma_semaphore, #tpu.memory_space<semaphore_mem>>) src(%dma_wait3A_149 : memref<80x64xf32, #tpu.memory_space<hbm>>) dst(%arg14 : memref<80x64xf32, #tpu.memory_space<vmem>>)
      %eq3A_150 = arith.constant 0 : i32
      %eq3A_151 = arith.cmpi eq, %arg0, %eq3A_150 : i32
      %convert_element_type3A_152 = arith.extui %eq3A_151 : i1 to i32
      %cond3A_153 = arith.constant 0 : i32
      %cond3A_154 = arith.cmpi ne, %convert_element_type3A_152, %cond3A_153 : i32
      scf.if %cond3A_154 {
        %mul3A_188 = arith.constant 80 : i32
        %mul3A_189 = arith.muli %add3A_143, %mul3A_188 : i32
        %add3A_190 = arith.constant 0 : i32
        %add3A_191 = arith.addi %mul3A_189, %add3A_190 : i32
        %get3A = arith.index_cast %add3A_191 : i32 to index
        %get3A_192 = tpu.vector_load %arg9[%get3A] {strides = array<i32>} : memref<20000xi32, #tpu.memory_space<vmem>>, vector<16xi32>,
        tpu.vector_store_idx %arg10[%get3A_192], %broadcast_in_dim3A_0 {add = true} : memref<10000xf32, #tpu.memory_space<vmem>>[vector<16xi32>], vector<16xf32>,
        %mul3A_193 = arith.constant 80 : i32
        %mul3A_194 = arith.muli %add3A_143, %mul3A_193 : i32
        %add3A_195 = arith.constant 16 : i32
        %add3A_196 = arith.addi %mul3A_194, %add3A_195 : i32
        %get3A_197 = arith.index_cast %add3A_196 : i32 to index
        %get3A_198 = tpu.vector_load %arg9[%get3A_197] {strides = array<i32>} : memref<20000xi32, #tpu.memory_space<vmem>>, vector<16xi32>,
        tpu.vector_store_idx %arg10[%get3A_198], %broadcast_in_dim3A_0 {add = true} : memref<10000xf32, #tpu.memory_space<vmem>>[vector<16xi32>], vector<16xf32>,
        %mul3A_199 = arith.constant 80 : i32
        %mul3A_200 = arith.muli %add3A_143, %mul3A_199 : i32
        %add3A_201 = arith.constant 32 : i32
        %add3A_202 = arith.addi %mul3A_200, %add3A_201 : i32
        %get3A_203 = arith.index_cast %add3A_202 : i32 to index
        %get3A_204 = tpu.vector_load %arg9[%get3A_203] {strides = array<i32>} : memref<20000xi32, #tpu.memory_space<vmem>>, vector<16xi32>,
        tpu.vector_store_idx %arg10[%get3A_204], %broadcast_in_dim3A_0 {add = true} : memref<10000xf32, #tpu.memory_space<vmem>>[vector<16xi32>], vector<16xf32>,
        %mul3A_205 = arith.constant 80 : i32
        %mul3A_206 = arith.muli %add3A_143, %mul3A_205 : i32
        %add3A_207 = arith.constant 48 : i32
        %add3A_208 = arith.addi %mul3A_206, %add3A_207 : i32
        %get3A_209 = arith.index_cast %add3A_208 : i32 to index
        %get3A_210 = tpu.vector_load %arg9[%get3A_209] {strides = array<i32>} : memref<20000xi32, #tpu.memory_space<vmem>>, vector<16xi32>,
        tpu.vector_store_idx %arg10[%get3A_210], %broadcast_in_dim3A_0 {add = true} : memref<10000xf32, #tpu.memory_space<vmem>>[vector<16xi32>], vector<16xf32>,
        %mul3A_211 = arith.constant 80 : i32
        %mul3A_212 = arith.muli %add3A_143, %mul3A_211 : i32
        %add3A_213 = arith.constant 64 : i32
        %add3A_214 = arith.addi %mul3A_212, %add3A_213 : i32
        %get3A_215 = arith.index_cast %add3A_214 : i32 to index
        %get3A_216 = tpu.vector_load %arg9[%get3A_215] {strides = array<i32>} : memref<20000xi32, #tpu.memory_space<vmem>>, vector<16xi32>,
        tpu.vector_store_idx %arg10[%get3A_216], %broadcast_in_dim3A_0 {add = true} : memref<10000xf32, #tpu.memory_space<vmem>>[vector<16xi32>], vector<16xf32>,
      } else {
      }
      %mul3A_155 = arith.constant 80 : i32
      %mul3A_156 = arith.muli %add3A_143, %mul3A_155 : i32
      "tpu.region"() ({
        %run_scoped3A_188 = tpu.sem_alloc : memref<!tpu.dma_semaphore, #tpu.memory_space<semaphore_mem>>
        %dma_start3A_189 = tpu.memref_slice %arg9[%mul3A_156] : memref<20000xi32, #tpu.memory_space<vmem>> -> memref<80xi32, #tpu.memory_space<vmem>>
        %dma_start3A_190 = arith.constant 0 : i32
        %dma_start3A_191 = arith.constant 0 : i32
        %dma_start3A_192 = tpu.memref_slice %arg7[%dma_start3A_190, %dma_start3A_191] : memref<10000x64xf32, #tpu.memory_space<vmem_shared>> -> memref<10000x64xf32, #tpu.memory_space<vmem_shared>>
        tpu.enqueue_indirect_dma source(%arg14 : memref<80x64xf32, #tpu.memory_space<vmem>>) target(%dma_start3A_192 : memref<10000x64xf32, #tpu.memory_space<vmem_shared>>) offsets(%dma_start3A_189 : memref<80xi32, #tpu.memory_space<vmem>>) semaphore(%run_scoped3A_188 : memref<!tpu.dma_semaphore, #tpu.memory_space<semaphore_mem>>) {add = true}
        %dma_wait3A_193 = tpu.memref_slice %arg9[%mul3A_156] : memref<20000xi32, #tpu.memory_space<vmem>> -> memref<80xi32, #tpu.memory_space<vmem>>
        %dma_wait3A_194 = arith.constant 0 : i32
        %dma_wait3A_195 = arith.constant 0 : i32
        %dma_wait3A_196 = tpu.memref_slice %arg7[%dma_wait3A_194, %dma_wait3A_195] : memref<10000x64xf32, #tpu.memory_space<vmem_shared>> -> memref<10000x64xf32, #tpu.memory_space<vmem_shared>>
        tpu.wait_indirect_dma semaphore(%run_scoped3A_188 : memref<!tpu.dma_semaphore, #tpu.memory_space<semaphore_mem>>) src(%arg14 : memref<80x64xf32, #tpu.memory_space<vmem>>) dst(%dma_wait3A_196 : memref<10000x64xf32, #tpu.memory_space<vmem_shared>>)
        tpu.yield
      }) : () -> ()
      %add3A_157 = arith.constant 5 : i32
      %add3A_158 = arith.addi %add3A_143, %add3A_157 : i32
      %lt3A_159 = arith.constant 250 : i32
      %lt3A_160 = arith.cmpi slt, %add3A_158, %lt3A_159 : i32
      %convert_element_type3A_161 = arith.extui %lt3A_160 : i1 to i32
      %cond3A_162 = arith.constant 0 : i32
      %cond3A_163 = arith.cmpi ne, %convert_element_type3A_161, %cond3A_162 : i32
      scf.if %cond3A_163 {
        %mul3A_188 = arith.constant 80 : i32
        %mul3A_189 = arith.muli %add3A_158, %mul3A_188 : i32
        %dma_start3A_190 = tpu.memref_slice %arg8[%mul3A_189] : memref<20000xi32, #tpu.memory_space<vmem>> -> memref<80xi32, #tpu.memory_space<vmem>>
        %dma_start3A_191 = arith.constant 0 : i32
        %dma_start3A_192 = arith.constant 0 : i32
        %dma_start3A_193 = tpu.memref_slice %arg2[%dma_start3A_191, %dma_start3A_192] : memref<20000x64xf32, #tpu.memory_space<hbm>> -> memref<20000x64xf32, #tpu.memory_space<hbm>>
        tpu.enqueue_indirect_dma source(%dma_start3A_193 : memref<20000x64xf32, #tpu.memory_space<hbm>>) target(%arg14 : memref<80x64xf32, #tpu.memory_space<vmem>>) offsets(%dma_start3A_190 : memref<80xi32, #tpu.memory_space<vmem>>) semaphore(%arg19 : memref<!tpu.dma_semaphore, #tpu.memory_space<semaphore_mem>>)
      } else {
      }
      %mul3A_164 = arith.constant 5 : i32
      %mul3A_165 = arith.muli %scan3A_70, %mul3A_164 : i32
      %add3A_166 = arith.constant 4 : i32
      %add3A_167 = arith.addi %mul3A_165, %add3A_166 : i32
      %dma_wait3A_168 = arith.constant 0 : i32
      %dma_wait3A_169 = arith.constant 0 : i32
      %dma_wait3A_170 = tpu.memref_slice %arg2[%dma_wait3A_168, %dma_wait3A_169] : memref<20000x64xf32, #tpu.memory_space<hbm>> -> memref<80x64xf32, #tpu.memory_space<hbm>>
      %dma_wait3A_171 = arith.constant 0 : i32
      %dma_wait3A_172 = arith.constant 0 : i32
      %dma_wait3A_173 = tpu.memref_slice %arg2[%dma_wait3A_171, %dma_wait3A_172] : memref<20000x64xf32, #tpu.memory_space<hbm>> -> memref<80x64xf32, #tpu.memory_space<hbm>>
      tpu.wait_dma2 semaphore(%arg20 : memref<!tpu.dma_semaphore, #tpu.memory_space<semaphore_mem>>) src(%dma_wait3A_173 : memref<80x64xf32, #tpu.memory_space<hbm>>) dst(%arg15 : memref<80x64xf32, #tpu.memory_space<vmem>>)
      %eq3A_174 = arith.constant 0 : i32
      %eq3A_175 = arith.cmpi eq, %arg0, %eq3A_174 : i32
      %convert_element_type3A_176 = arith.extui %eq3A_175 : i1 to i32
      %cond3A_177 = arith.constant 0 : i32
      %cond3A_178 = arith.cmpi ne, %convert_element_type3A_176, %cond3A_177 : i32
      scf.if %cond3A_178 {
        %mul3A_188 = arith.constant 80 : i32
        %mul3A_189 = arith.muli %add3A_167, %mul3A_188 : i32
        %add3A_190 = arith.constant 0 : i32
        %add3A_191 = arith.addi %mul3A_189, %add3A_190 : i32
        %get3A = arith.index_cast %add3A_191 : i32 to index
        %get3A_192 = tpu.vector_load %arg9[%get3A] {strides = array<i32>} : memref<20000xi32, #tpu.memory_space<vmem>>, vector<16xi32>,
        tpu.vector_store_idx %arg10[%get3A_192], %broadcast_in_dim3A_0 {add = true} : memref<10000xf32, #tpu.memory_space<vmem>>[vector<16xi32>], vector<16xf32>,
        %mul3A_193 = arith.constant 80 : i32
        %mul3A_194 = arith.muli %add3A_167, %mul3A_193 : i32
        %add3A_195 = arith.constant 16 : i32
        %add3A_196 = arith.addi %mul3A_194, %add3A_195 : i32
        %get3A_197 = arith.index_cast %add3A_196 : i32 to index
        %get3A_198 = tpu.vector_load %arg9[%get3A_197] {strides = array<i32>} : memref<20000xi32, #tpu.memory_space<vmem>>, vector<16xi32>,
        tpu.vector_store_idx %arg10[%get3A_198], %broadcast_in_dim3A_0 {add = true} : memref<10000xf32, #tpu.memory_space<vmem>>[vector<16xi32>], vector<16xf32>,
        %mul3A_199 = arith.constant 80 : i32
        %mul3A_200 = arith.muli %add3A_167, %mul3A_199 : i32
        %add3A_201 = arith.constant 32 : i32
        %add3A_202 = arith.addi %mul3A_200, %add3A_201 : i32
        %get3A_203 = arith.index_cast %add3A_202 : i32 to index
        %get3A_204 = tpu.vector_load %arg9[%get3A_203] {strides = array<i32>} : memref<20000xi32, #tpu.memory_space<vmem>>, vector<16xi32>,
        tpu.vector_store_idx %arg10[%get3A_204], %broadcast_in_dim3A_0 {add = true} : memref<10000xf32, #tpu.memory_space<vmem>>[vector<16xi32>], vector<16xf32>,
        %mul3A_205 = arith.constant 80 : i32
        %mul3A_206 = arith.muli %add3A_167, %mul3A_205 : i32
        %add3A_207 = arith.constant 48 : i32
        %add3A_208 = arith.addi %mul3A_206, %add3A_207 : i32
        %get3A_209 = arith.index_cast %add3A_208 : i32 to index
        %get3A_210 = tpu.vector_load %arg9[%get3A_209] {strides = array<i32>} : memref<20000xi32, #tpu.memory_space<vmem>>, vector<16xi32>,
        tpu.vector_store_idx %arg10[%get3A_210], %broadcast_in_dim3A_0 {add = true} : memref<10000xf32, #tpu.memory_space<vmem>>[vector<16xi32>], vector<16xf32>,
        %mul3A_211 = arith.constant 80 : i32
        %mul3A_212 = arith.muli %add3A_167, %mul3A_211 : i32
        %add3A_213 = arith.constant 64 : i32
        %add3A_214 = arith.addi %mul3A_212, %add3A_213 : i32
        %get3A_215 = arith.index_cast %add3A_214 : i32 to index
        %get3A_216 = tpu.vector_load %arg9[%get3A_215] {strides = array<i32>} : memref<20000xi32, #tpu.memory_space<vmem>>, vector<16xi32>,
        tpu.vector_store_idx %arg10[%get3A_216], %broadcast_in_dim3A_0 {add = true} : memref<10000xf32, #tpu.memory_space<vmem>>[vector<16xi32>], vector<16xf32>,
      } else {
      }
      %mul3A_179 = arith.constant 80 : i32
      %mul3A_180 = arith.muli %add3A_167, %mul3A_179 : i32
      "tpu.region"() ({
        %run_scoped3A_188 = tpu.sem_alloc : memref<!tpu.dma_semaphore, #tpu.memory_space<semaphore_mem>>
        %dma_start3A_189 = tpu.memref_slice %arg9[%mul3A_180] : memref<20000xi32, #tpu.memory_space<vmem>> -> memref<80xi32, #tpu.memory_space<vmem>>
        %dma_start3A_190 = arith.constant 0 : i32
        %dma_start3A_191 = arith.constant 0 : i32
        %dma_start3A_192 = tpu.memref_slice %arg7[%dma_start3A_190, %dma_start3A_191] : memref<10000x64xf32, #tpu.memory_space<vmem_shared>> -> memref<10000x64xf32, #tpu.memory_space<vmem_shared>>
        tpu.enqueue_indirect_dma source(%arg15 : memref<80x64xf32, #tpu.memory_space<vmem>>) target(%dma_start3A_192 : memref<10000x64xf32, #tpu.memory_space<vmem_shared>>) offsets(%dma_start3A_189 : memref<80xi32, #tpu.memory_space<vmem>>) semaphore(%run_scoped3A_188 : memref<!tpu.dma_semaphore, #tpu.memory_space<semaphore_mem>>) {add = true}
        %dma_wait3A_193 = tpu.memref_slice %arg9[%mul3A_180] : memref<20000xi32, #tpu.memory_space<vmem>> -> memref<80xi32, #tpu.memory_space<vmem>>
        %dma_wait3A_194 = arith.constant 0 : i32
        %dma_wait3A_195 = arith.constant 0 : i32
        %dma_wait3A_196 = tpu.memref_slice %arg7[%dma_wait3A_194, %dma_wait3A_195] : memref<10000x64xf32, #tpu.memory_space<vmem_shared>> -> memref<10000x64xf32, #tpu.memory_space<vmem_shared>>
        tpu.wait_indirect_dma semaphore(%run_scoped3A_188 : memref<!tpu.dma_semaphore, #tpu.memory_space<semaphore_mem>>) src(%arg15 : memref<80x64xf32, #tpu.memory_space<vmem>>) dst(%dma_wait3A_196 : memref<10000x64xf32, #tpu.memory_space<vmem_shared>>)
        tpu.yield
      }) : () -> ()
      %add3A_181 = arith.constant 5 : i32
      %add3A_182 = arith.addi %add3A_167, %add3A_181 : i32
      %lt3A_183 = arith.constant 250 : i32
      %lt3A_184 = arith.cmpi slt, %add3A_182, %lt3A_183 : i32
      %convert_element_type3A_185 = arith.extui %lt3A_184 : i1 to i32
      %cond3A_186 = arith.constant 0 : i32
      %cond3A_187 = arith.cmpi ne, %convert_element_type3A_185, %cond3A_186 : i32
      scf.if %cond3A_187 {
        %mul3A_188 = arith.constant 80 : i32
        %mul3A_189 = arith.muli %add3A_182, %mul3A_188 : i32
        %dma_start3A_190 = tpu.memref_slice %arg8[%mul3A_189] : memref<20000xi32, #tpu.memory_space<vmem>> -> memref<80xi32, #tpu.memory_space<vmem>>
        %dma_start3A_191 = arith.constant 0 : i32
        %dma_start3A_192 = arith.constant 0 : i32
        %dma_start3A_193 = tpu.memref_slice %arg2[%dma_start3A_191, %dma_start3A_192] : memref<20000x64xf32, #tpu.memory_space<hbm>> -> memref<20000x64xf32, #tpu.memory_space<hbm>>
        tpu.enqueue_indirect_dma source(%dma_start3A_193 : memref<20000x64xf32, #tpu.memory_space<hbm>>) target(%arg15 : memref<80x64xf32, #tpu.memory_space<vmem>>) offsets(%dma_start3A_190 : memref<80xi32, #tpu.memory_space<vmem>>) semaphore(%arg20 : memref<!tpu.dma_semaphore, #tpu.memory_space<semaphore_mem>>)
      } else {
      }
    }
    %scan3A_52 = arith.constant 50 : i32
    %barrier3A_53 = arith.constant 0 : index
    tpu.barrier barrier_id(%barrier3A_53)
    %mul3A_54 = arith.constant 624 : i32
    %mul3A_55 = arith.muli %arg1, %mul3A_54 : i32
    %mul3A_56 = arith.constant 624 : i32
    %mul3A_57 = arith.muli %arg1, %mul3A_56 : i32
    %mul3A_58 = arith.constant 64 : i32
    %mul3A_59 = arith.muli %arg0, %mul3A_58 : i32
    "tpu.region"() ({
      %run_scoped3A_70 = tpu.sem_alloc : memref<!tpu.dma_semaphore, #tpu.memory_space<semaphore_mem>>
      %dma_start3A_71 = tpu.memref_slice %arg5[%mul3A_57, %mul3A_59] : memref<10000x128xf32, #tpu.memory_space<hbm>> -> memref<624x64xf32, #tpu.memory_space<hbm>>
      %dma_start3A_72 = arith.constant 0 : i32
      %dma_start3A_73 = tpu.memref_slice %arg7[%mul3A_55, %dma_start3A_72] : memref<10000x64xf32, #tpu.memory_space<vmem_shared>> -> memref<624x64xf32, #tpu.memory_space<vmem_shared>>
      tpu.enqueue_dma source(%dma_start3A_73 : memref<624x64xf32, #tpu.memory_space<vmem_shared>>) target(%dma_start3A_71 : memref<624x64xf32, #tpu.memory_space<hbm>>) target_semaphore(%run_scoped3A_70 : memref<!tpu.dma_semaphore, #tpu.memory_space<semaphore_mem>>)
      %dma_wait3A = tpu.memref_slice %arg5[%mul3A_57, %mul3A_59] : memref<10000x128xf32, #tpu.memory_space<hbm>> -> memref<624x64xf32, #tpu.memory_space<hbm>>
      %dma_wait3A_74 = arith.constant 0 : i32
      %dma_wait3A_75 = tpu.memref_slice %arg7[%mul3A_55, %dma_wait3A_74] : memref<10000x64xf32, #tpu.memory_space<vmem_shared>> -> memref<624x64xf32, #tpu.memory_space<vmem_shared>>
      tpu.wait_dma2 semaphore(%run_scoped3A_70 : memref<!tpu.dma_semaphore, #tpu.memory_space<semaphore_mem>>) src(%dma_wait3A_75 : memref<624x64xf32, #tpu.memory_space<vmem_shared>>) dst(%dma_wait3A : memref<624x64xf32, #tpu.memory_space<hbm>>)
      tpu.yield
    }) : () -> ()
    %eq3A_60 = arith.constant 15 : i32
    %eq3A_61 = arith.cmpi eq, %arg1, %eq3A_60 : i32
    %convert_element_type3A_62 = arith.extui %eq3A_61 : i1 to i32
    %cond3A_63 = arith.constant 0 : i32
    %cond3A_64 = arith.cmpi ne, %convert_element_type3A_62, %cond3A_63 : i32
    scf.if %cond3A_64 {
      %mul3A_70 = arith.constant 64 : i32
      %mul3A_71 = arith.muli %arg0, %mul3A_70 : i32
      "tpu.region"() ({
        %run_scoped3A_72 = tpu.sem_alloc : memref<!tpu.dma_semaphore, #tpu.memory_space<semaphore_mem>>
        %dma_start3A_73 = arith.constant 9984 : i32
        %dma_start3A_74 = tpu.memref_slice %arg5[%dma_start3A_73, %mul3A_71] : memref<10000x128xf32, #tpu.memory_space<hbm>> -> memref<16x64xf32, #tpu.memory_space<hbm>>
        %dma_start3A_75 = arith.constant 9984 : i32
        %dma_start3A_76 = arith.constant 0 : i32
        %dma_start3A_77 = tpu.memref_slice %arg7[%dma_start3A_75, %dma_start3A_76] : memref<10000x64xf32, #tpu.memory_space<vmem_shared>> -> memref<16x64xf32, #tpu.memory_space<vmem_shared>>
        tpu.enqueue_dma source(%dma_start3A_77 : memref<16x64xf32, #tpu.memory_space<vmem_shared>>) target(%dma_start3A_74 : memref<16x64xf32, #tpu.memory_space<hbm>>) target_semaphore(%run_scoped3A_72 : memref<!tpu.dma_semaphore, #tpu.memory_space<semaphore_mem>>)
        %dma_wait3A = arith.constant 9984 : i32
        %dma_wait3A_78 = tpu.memref_slice %arg5[%dma_wait3A, %mul3A_71] : memref<10000x128xf32, #tpu.memory_space<hbm>> -> memref<16x64xf32, #tpu.memory_space<hbm>>
        %dma_wait3A_79 = arith.constant 9984 : i32
        %dma_wait3A_80 = arith.constant 0 : i32
        %dma_wait3A_81 = tpu.memref_slice %arg7[%dma_wait3A_79, %dma_wait3A_80] : memref<10000x64xf32, #tpu.memory_space<vmem_shared>> -> memref<16x64xf32, #tpu.memory_space<vmem_shared>>
        tpu.wait_dma2 semaphore(%run_scoped3A_72 : memref<!tpu.dma_semaphore, #tpu.memory_space<semaphore_mem>>) src(%dma_wait3A_81 : memref<16x64xf32, #tpu.memory_space<vmem_shared>>) dst(%dma_wait3A_78 : memref<16x64xf32, #tpu.memory_space<hbm>>)
        tpu.yield
      }) : () -> ()
    } else {
    }
    %eq3A_65 = arith.constant 0 : i32
    %eq3A_66 = arith.cmpi eq, %arg0, %eq3A_65 : i32
    %convert_element_type3A_67 = arith.extui %eq3A_66 : i1 to i32
    %cond3A_68 = arith.constant 0 : i32
    %cond3A_69 = arith.cmpi ne, %convert_element_type3A_67, %cond3A_68 : i32
    scf.if %cond3A_69 {
      "tpu.region"() ({
        %run_scoped3A_70 = tpu.sem_alloc : memref<!tpu.dma_semaphore, #tpu.memory_space<semaphore_mem>>
        %dma_start3A_71 = arith.constant 0 : i32
        %dma_start3A_72 = tpu.memref_slice %arg6[%arg1, %dma_start3A_71] : memref<16x10000xf32, #tpu.memory_space<hbm>> -> memref<1x10000xf32, #tpu.memory_space<hbm>>
        %dma_start3A_73 = tpu.memref_squeeze %dma_start3A_72 : memref<1x10000xf32, #tpu.memory_space<hbm>> -> memref<10000xf32, #tpu.memory_space<hbm>>
        %dma_start3A_74 = arith.constant 0 : i32
        %dma_start3A_75 = tpu.memref_slice %arg6[%arg1, %dma_start3A_74] : memref<16x10000xf32, #tpu.memory_space<hbm>> -> memref<1x10000xf32, #tpu.memory_space<hbm>>
        %dma_start3A_76 = tpu.memref_squeeze %dma_start3A_75 : memref<1x10000xf32, #tpu.memory_space<hbm>> -> memref<10000xf32, #tpu.memory_space<hbm>>
        tpu.enqueue_dma source(%arg10 : memref<10000xf32, #tpu.memory_space<vmem>>) target(%dma_start3A_76 : memref<10000xf32, #tpu.memory_space<hbm>>) target_semaphore(%run_scoped3A_70 : memref<!tpu.dma_semaphore, #tpu.memory_space<semaphore_mem>>)
        %dma_wait3A = arith.constant 0 : i32
        %dma_wait3A_77 = tpu.memref_slice %arg6[%arg1, %dma_wait3A] : memref<16x10000xf32, #tpu.memory_space<hbm>> -> memref<1x10000xf32, #tpu.memory_space<hbm>>
        %dma_wait3A_78 = tpu.memref_squeeze %dma_wait3A_77 : memref<1x10000xf32, #tpu.memory_space<hbm>> -> memref<10000xf32, #tpu.memory_space<hbm>>
        %dma_wait3A_79 = arith.constant 0 : i32
        %dma_wait3A_80 = tpu.memref_slice %arg6[%arg1, %dma_wait3A_79] : memref<16x10000xf32, #tpu.memory_space<hbm>> -> memref<1x10000xf32, #tpu.memory_space<hbm>>
        %dma_wait3A_81 = tpu.memref_squeeze %dma_wait3A_80 : memref<1x10000xf32, #tpu.memory_space<hbm>> -> memref<10000xf32, #tpu.memory_space<hbm>>
        tpu.wait_dma2 semaphore(%run_scoped3A_70 : memref<!tpu.dma_semaphore, #tpu.memory_space<semaphore_mem>>) src(%arg10 : memref<10000xf32, #tpu.memory_space<vmem>>) dst(%dma_wait3A_81 : memref<10000xf32, #tpu.memory_space<hbm>>)
        tpu.yield
      }) : () -> ()
    } else {
    }
    return
  }
}

module attributes {stable_mosaic.version = 14 : i64} {
  func.func @_stage_b_kernel(%arg0: i32, %arg1: memref<10000x128xf32, #tpu.memory_space<vmem>>, %arg2: memref<16x10000xf32, #tpu.memory_space<vmem>>, %arg3: memref<128x128xf32, #tpu.memory_space<vmem>>, %arg4: memref<1x128xf32, #tpu.memory_space<vmem>>, %arg5: memref<128x64xf32, #tpu.memory_space<vmem>>, %arg6: memref<1x64xf32, #tpu.memory_space<vmem>>, %arg7: memref<64x1xf32, #tpu.memory_space<vmem>>, %arg8: memref<1x1xf32, #tpu.memory_space<vmem>>, %arg9: memref<10000x8xf32, #tpu.memory_space<vmem>>) attributes {dimension_semantics = [#tpu.dimension_semantics<arbitrary>], iteration_bounds = array<i64: 1>, scalar_prefetch = 0 : i64, scratch_operands = 0 : i64, tpu.core_type = #tpu.core_type<tc>, window_params = [{pipeline_mode = #tpu.pipeline_mode<synchronous>, transform_indices = @transform_0, window_bounds = array<i64: 10000, 128>}, {pipeline_mode = #tpu.pipeline_mode<synchronous>, transform_indices = @transform_1, window_bounds = array<i64: 16, 10000>}, {pipeline_mode = #tpu.pipeline_mode<synchronous>, transform_indices = @transform_2, window_bounds = array<i64: 128, 128>}, {pipeline_mode = #tpu.pipeline_mode<synchronous>, transform_indices = @transform_3, window_bounds = array<i64: 1, 128>}, {pipeline_mode = #tpu.pipeline_mode<synchronous>, transform_indices = @transform_4, window_bounds = array<i64: 128, 64>}, {pipeline_mode = #tpu.pipeline_mode<synchronous>, transform_indices = @transform_5, window_bounds = array<i64: 1, 64>}, {pipeline_mode = #tpu.pipeline_mode<synchronous>, transform_indices = @transform_6, window_bounds = array<i64: 64, 1>}, {pipeline_mode = #tpu.pipeline_mode<synchronous>, transform_indices = @transform_7, window_bounds = array<i64: 1, 1>}, {pipeline_mode = #tpu.pipeline_mode<synchronous>, transform_indices = @transform_8, window_bounds = array<i64: 10000, 8>}]} {
    %get3A = arith.constant 0 : index
    %get3A_0 = arith.constant 0 : index
    %get3A_1 = vector.load %arg2[%get3A, %get3A_0] : memref<16x10000xf32, #tpu.memory_space<vmem>>, vector<16x10000xf32>
    %reduce_sum3A = arith.constant dense<0.000000e+00> : vector<10000xf32>
    %reduce_sum3A_2 = vector.multi_reduction <add>, %get3A_1, %reduce_sum3A [0] : vector<16x10000xf32> to vector<10000xf32>
    %max3A = arith.constant 1.000000e+00 : f32
    %max3A_3 = vector.broadcast %max3A : f32 to vector<10000xf32>
    %max3A_4 = arith.maximumf %reduce_sum3A_2, %max3A_3 : vector<10000xf32>
    %get3A_5 = arith.constant 0 : index
    %get3A_6 = arith.constant 0 : index
    %get3A_7 = vector.load %arg1[%get3A_5, %get3A_6] : memref<10000x128xf32, #tpu.memory_space<vmem>>, vector<10000x128xf32>
    %broadcast_in_dim3A = vector.shape_cast %max3A_4 : vector<10000xf32> to vector<10000x1xf32>
    %div3A = vector.broadcast %broadcast_in_dim3A : vector<10000x1xf32> to vector<10000x128xf32>
    %div3A_8 = arith.divf %get3A_7, %div3A : vector<10000x128xf32>
    %get3A_9 = arith.constant 0 : index
    %get3A_10 = arith.constant 0 : index
    %get3A_11 = vector.load %arg3[%get3A_9, %get3A_10] : memref<128x128xf32, #tpu.memory_space<vmem>>, vector<128x128xf32>
    %dot_general3A = arith.constant dense<0.000000e+00> : vector<10000x128xf32>
    %dot_general3A_12 = tpu.matmul %div3A_8, %get3A_11, %dot_general3A {dimension_numbers = #tpu.dot_dimension_numbers<[1], [0], [0], [1], [0, 0, 1, 1], [], []>, transpose_lhs_hint = false} : vector<10000x128xf32>, vector<128x128xf32>, vector<10000x128xf32> -> vector<10000x128xf32>
    %get3A_13 = arith.constant 0 : index
    %get3A_14 = arith.constant 0 : index
    %get3A_15 = vector.load %arg4[%get3A_13, %get3A_14] : memref<1x128xf32, #tpu.memory_space<vmem>>, vector<1x128xf32>
    %add3A = vector.broadcast %get3A_15 : vector<1x128xf32> to vector<10000x128xf32>
    %add3A_16 = arith.addf %dot_general3A_12, %add3A : vector<10000x128xf32>
    %max3A_17 = arith.constant 0.000000e+00 : f32
    %max3A_18 = vector.broadcast %max3A_17 : f32 to vector<10000x128xf32>
    %max3A_19 = arith.maximumf %add3A_16, %max3A_18 : vector<10000x128xf32>
    %get3A_20 = arith.constant 0 : index
    %get3A_21 = arith.constant 0 : index
    %get3A_22 = vector.load %arg5[%get3A_20, %get3A_21] : memref<128x64xf32, #tpu.memory_space<vmem>>, vector<128x64xf32>
    %dot_general3A_23 = arith.constant dense<0.000000e+00> : vector<10000x64xf32>
    %dot_general3A_24 = tpu.matmul %max3A_19, %get3A_22, %dot_general3A_23 {dimension_numbers = #tpu.dot_dimension_numbers<[1], [0], [0], [1], [0, 0, 1, 1], [], []>, transpose_lhs_hint = false} : vector<10000x128xf32>, vector<128x64xf32>, vector<10000x64xf32> -> vector<10000x64xf32>
    %get3A_25 = arith.constant 0 : index
    %get3A_26 = arith.constant 0 : index
    %get3A_27 = vector.load %arg6[%get3A_25, %get3A_26] : memref<1x64xf32, #tpu.memory_space<vmem>>, vector<1x64xf32>
    %add3A_28 = vector.broadcast %get3A_27 : vector<1x64xf32> to vector<10000x64xf32>
    %add3A_29 = arith.addf %dot_general3A_24, %add3A_28 : vector<10000x64xf32>
    %max3A_30 = arith.constant 0.000000e+00 : f32
    %max3A_31 = vector.broadcast %max3A_30 : f32 to vector<10000x64xf32>
    %max3A_32 = arith.maximumf %add3A_29, %max3A_31 : vector<10000x64xf32>
    %get3A_33 = arith.constant 0 : index
    %get3A_34 = arith.constant 0 : index
    %get3A_35 = vector.load %arg7[%get3A_33, %get3A_34] : memref<64x1xf32, #tpu.memory_space<vmem>>, vector<64x1xf32>
    %dot_general3A_36 = arith.constant dense<0.000000e+00> : vector<10000x1xf32>
    %dot_general3A_37 = tpu.matmul %max3A_32, %get3A_35, %dot_general3A_36 {dimension_numbers = #tpu.dot_dimension_numbers<[1], [0], [0], [1], [0, 0, 1, 1], [], []>, transpose_lhs_hint = false} : vector<10000x64xf32>, vector<64x1xf32>, vector<10000x1xf32> -> vector<10000x1xf32>
    %get3A_38 = arith.constant 0 : index
    %get3A_39 = arith.constant 0 : index
    %get3A_40 = vector.load %arg8[%get3A_38, %get3A_39] : memref<1x1xf32, #tpu.memory_space<vmem>>, vector<1x1xf32>
    %add3A_41 = vector.broadcast %get3A_40 : vector<1x1xf32> to vector<10000x1xf32>
    %add3A_42 = arith.addf %dot_general3A_37, %add3A_41 : vector<10000x1xf32>
    %slice3A = vector.extract_strided_slice %max3A_19 {offsets = [0, 0], sizes = [10000, 3], strides = [1, 1]} : vector<10000x128xf32> to vector<10000x3xf32>
    %broadcast_in_dim3A_43 = arith.constant 0.000000e+00 : f32
    %broadcast_in_dim3A_44 = vector.broadcast %broadcast_in_dim3A_43 : f32 to vector<10000x4xf32>
    %concatenate3A = tpu.concatenate %slice3A, %add3A_42, %broadcast_in_dim3A_44 in 1 : vector<10000x3xf32>, vector<10000x1xf32>, vector<10000x4xf32> -> vector<10000x8xf32>
    %swap3A = arith.constant 0 : index
    %swap3A_45 = arith.constant 0 : index
    %swap3A_46 = vector.load %arg9[%swap3A, %swap3A_45] : memref<10000x8xf32, #tpu.memory_space<vmem>>, vector<10000x8xf32>
    tpu.vector_store %arg9[%swap3A, %swap3A_45], %concatenate3A {strides = array<i32>} : memref<10000x8xf32, #tpu.memory_space<vmem>>, vector<10000x8xf32>,
    return
  }
  func.func @transform_0(%arg0: i32) -> (i32, i32) {
    %c0_i32 = arith.constant 0 : i32
    %c0_i32_0 = arith.constant 0 : i32
    %c0_i32_1 = arith.constant 0 : i32
    return %c0_i32, %c0_i32_0 : i32, i32
  }
  func.func @transform_1(%arg0: i32) -> (i32, i32) {
    %c0_i32 = arith.constant 0 : i32
    %c0_i32_0 = arith.constant 0 : i32
    %c0_i32_1 = arith.constant 0 : i32
    return %c0_i32, %c0_i32_0 : i32, i32
  }
  func.func @transform_2(%arg0: i32) -> (i32, i32) {
    %c0_i32 = arith.constant 0 : i32
    %c0_i32_0 = arith.constant 0 : i32
    %c0_i32_1 = arith.constant 0 : i32
    return %c0_i32, %c0_i32_0 : i32, i32
  }
  func.func @transform_3(%arg0: i32) -> (i32, i32) {
    %c0_i32 = arith.constant 0 : i32
    %c0_i32_0 = arith.constant 0 : i32
    %c0_i32_1 = arith.constant 0 : i32
    return %c0_i32, %c0_i32_0 : i32, i32
  }
  func.func @transform_4(%arg0: i32) -> (i32, i32) {
    %c0_i32 = arith.constant 0 : i32
    %c0_i32_0 = arith.constant 0 : i32
    %c0_i32_1 = arith.constant 0 : i32
    return %c0_i32, %c0_i32_0 : i32, i32
  }
  func.func @transform_5(%arg0: i32) -> (i32, i32) {
    %c0_i32 = arith.constant 0 : i32
    %c0_i32_0 = arith.constant 0 : i32
    %c0_i32_1 = arith.constant 0 : i32
    return %c0_i32, %c0_i32_0 : i32, i32
  }
  func.func @transform_6(%arg0: i32) -> (i32, i32) {
    %c0_i32 = arith.constant 0 : i32
    %c0_i32_0 = arith.constant 0 : i32
    %c0_i32_1 = arith.constant 0 : i32
    return %c0_i32, %c0_i32_0 : i32, i32
  }
  func.func @transform_7(%arg0: i32) -> (i32, i32) {
    %c0_i32 = arith.constant 0 : i32
    %c0_i32_0 = arith.constant 0 : i32
    %c0_i32_1 = arith.constant 0 : i32
    return %c0_i32, %c0_i32_0 : i32, i32
  }
  func.func @transform_8(%arg0: i32) -> (i32, i32) {
    %c0_i32 = arith.constant 0 : i32
    %c0_i32_0 = arith.constant 0 : i32
    %c0_i32_1 = arith.constant 0 : i32
    return %c0_i32, %c0_i32_0 : i32, i32
  }
}

module attributes {stable_mosaic.version = 14 : i64} {
  func.func @_stage_d_kernel(%arg0: i32, %arg1: memref<4x32000xf32, #tpu.memory_space<vmem>>, %arg2: memref<32x8xf32, #tpu.memory_space<vmem>>, %arg3: memref<32x1xf32, #tpu.memory_space<vmem>>, %arg4: memref<1x32xf32, #tpu.memory_space<vmem>>, %arg5: memref<1x1xf32, #tpu.memory_space<vmem>>, %arg6: memref<1x32000xf32, #tpu.memory_space<vmem>>) attributes {dimension_semantics = [#tpu.dimension_semantics<arbitrary>], iteration_bounds = array<i64: 10>, scalar_prefetch = 0 : i64, scratch_operands = 0 : i64, tpu.core_type = #tpu.core_type<tc>, window_params = [{transform_indices = @transform_0, window_bounds = array<i64: 4, 32000>}, {pipeline_mode = #tpu.pipeline_mode<synchronous>, transform_indices = @transform_1, window_bounds = array<i64: 32, 8>}, {pipeline_mode = #tpu.pipeline_mode<synchronous>, transform_indices = @transform_2, window_bounds = array<i64: 32, 1>}, {pipeline_mode = #tpu.pipeline_mode<synchronous>, transform_indices = @transform_3, window_bounds = array<i64: 1, 32>}, {pipeline_mode = #tpu.pipeline_mode<synchronous>, transform_indices = @transform_4, window_bounds = array<i64: 1, 1>}, {transform_indices = @transform_5, window_bounds = array<i64: 1, 32000>}]} {
    %get3A = arith.constant 0 : index
    %get3A_0 = arith.constant 0 : index
    %get3A_1 = vector.load %arg1[%get3A, %get3A_0] : memref<4x32000xf32, #tpu.memory_space<vmem>>, vector<4x32000xf32>
    %slice3A = vector.extract_strided_slice %get3A_1 {offsets = [0, 0], sizes = [1, 32000], strides = [1, 1]} : vector<4x32000xf32> to vector<1x32000xf32>
    %slice3A_2 = vector.extract_strided_slice %get3A_1 {offsets = [1, 0], sizes = [1, 32000], strides = [1, 1]} : vector<4x32000xf32> to vector<1x32000xf32>
    %slice3A_3 = vector.extract_strided_slice %get3A_1 {offsets = [2, 0], sizes = [1, 32000], strides = [1, 1]} : vector<4x32000xf32> to vector<1x32000xf32>
    %slice3A_4 = vector.extract_strided_slice %get3A_1 {offsets = [3, 0], sizes = [1, 32000], strides = [1, 1]} : vector<4x32000xf32> to vector<1x32000xf32>
    %mul3A = arith.mulf %slice3A, %slice3A : vector<1x32000xf32>
    %mul3A_5 = arith.mulf %slice3A_2, %slice3A_2 : vector<1x32000xf32>
    %add3A = arith.addf %mul3A, %mul3A_5 : vector<1x32000xf32>
    %mul3A_6 = arith.mulf %slice3A_3, %slice3A_3 : vector<1x32000xf32>
    %mul3A_7 = arith.mulf %slice3A_4, %mul3A_6 : vector<1x32000xf32>
    %sub3A = arith.subf %add3A, %mul3A_7 : vector<1x32000xf32>
    %sqrt3A = math.sqrt %add3A : vector<1x32000xf32>
    %lt3A = arith.constant 0.000000e+00 : f32
    %lt3A_8 = vector.broadcast %lt3A : f32 to vector<1x32000xf32>
    %lt3A_9 = arith.cmpf olt, %sub3A, %lt3A_8 : vector<1x32000xf32>
    %jit3A = arith.constant 1.000000e+00 : f32
    %jit3A_10 = arith.constant 0.000000e+00 : f32
    %broadcast_in_dim3A = vector.broadcast %jit3A : f32 to vector<1x32000xf32>
    %broadcast_in_dim3A_11 = vector.broadcast %jit3A_10 : f32 to vector<1x32000xf32>
    %select_n3A = arith.select %lt3A_9, %broadcast_in_dim3A, %broadcast_in_dim3A_11 : vector<1x32000xi1>, vector<1x32000xf32>
    %broadcast_in_dim3A_12 = arith.constant 0.000000e+00 : f32
    %broadcast_in_dim3A_13 = vector.broadcast %broadcast_in_dim3A_12 : f32 to vector<1x32000xf32>
    %concatenate3A = tpu.concatenate %slice3A, %slice3A_2, %slice3A_3, %sub3A, %sqrt3A, %select_n3A, %broadcast_in_dim3A_13, %broadcast_in_dim3A_13 in 0 : vector<1x32000xf32>, vector<1x32000xf32>, vector<1x32000xf32>, vector<1x32000xf32>, vector<1x32000xf32>, vector<1x32000xf32>, vector<1x32000xf32>, vector<1x32000xf32> -> vector<8x32000xf32>
    %get3A_14 = arith.constant 0 : index
    %get3A_15 = arith.constant 0 : index
    %get3A_16 = vector.load %arg2[%get3A_14, %get3A_15] : memref<32x8xf32, #tpu.memory_space<vmem>>, vector<32x8xf32>
    %dot_general3A = arith.constant dense<0.000000e+00> : vector<32x32000xf32>
    %dot_general3A_17 = tpu.matmul %get3A_16, %concatenate3A, %dot_general3A {dimension_numbers = #tpu.dot_dimension_numbers<[1], [0], [0], [1], [0, 0, 1, 1], [], []>, transpose_lhs_hint = false} : vector<32x8xf32>, vector<8x32000xf32>, vector<32x32000xf32> -> vector<32x32000xf32>
    %get3A_18 = arith.constant 0 : index
    %get3A_19 = arith.constant 0 : index
    %get3A_20 = vector.load %arg3[%get3A_18, %get3A_19] : memref<32x1xf32, #tpu.memory_space<vmem>>, vector<32x1xf32>
    %add3A_21 = vector.broadcast %get3A_20 : vector<32x1xf32> to vector<32x32000xf32>
    %add3A_22 = arith.addf %dot_general3A_17, %add3A_21 : vector<32x32000xf32>
    %max3A = arith.constant 0.000000e+00 : f32
    %max3A_23 = vector.broadcast %max3A : f32 to vector<32x32000xf32>
    %max3A_24 = arith.maximumf %add3A_22, %max3A_23 : vector<32x32000xf32>
    %get3A_25 = arith.constant 0 : index
    %get3A_26 = arith.constant 0 : index
    %get3A_27 = vector.load %arg4[%get3A_25, %get3A_26] : memref<1x32xf32, #tpu.memory_space<vmem>>, vector<1x32xf32>
    %dot_general3A_28 = arith.constant dense<0.000000e+00> : vector<1x32000xf32>
    %dot_general3A_29 = tpu.matmul %get3A_27, %max3A_24, %dot_general3A_28 {dimension_numbers = #tpu.dot_dimension_numbers<[1], [0], [0], [1], [0, 0, 1, 1], [], []>, transpose_lhs_hint = false} : vector<1x32xf32>, vector<32x32000xf32>, vector<1x32000xf32> -> vector<1x32000xf32>
    %get3A_30 = arith.constant 0 : index
    %get3A_31 = arith.constant 0 : index
    %get3A_32 = vector.load %arg5[%get3A_30, %get3A_31] : memref<1x1xf32, #tpu.memory_space<vmem>>, vector<1x1xf32>
    %add3A_33 = vector.broadcast %get3A_32 : vector<1x1xf32> to vector<1x32000xf32>
    %add3A_34 = arith.addf %dot_general3A_29, %add3A_33 : vector<1x32000xf32>
    %logistic3A = arith.negf %add3A_34 : vector<1x32000xf32>
    %logistic3A_35 = math.exp %logistic3A : vector<1x32000xf32>
    %logistic3A_36 = arith.constant 1.000000e+00 : f32
    %logistic3A_37 = vector.broadcast %logistic3A_36 : f32 to vector<1x32000xf32>
    %logistic3A_38 = arith.addf %logistic3A_37, %logistic3A_35 : vector<1x32000xf32>
    %logistic3A_39 = arith.divf %logistic3A_37, %logistic3A_38 : vector<1x32000xf32>
    %swap3A = arith.constant 0 : index
    %swap3A_40 = arith.constant 0 : index
    %swap3A_41 = vector.load %arg6[%swap3A, %swap3A_40] : memref<1x32000xf32, #tpu.memory_space<vmem>>, vector<1x32000xf32>
    tpu.vector_store %arg6[%swap3A, %swap3A_40], %logistic3A_39 {strides = array<i32>} : memref<1x32000xf32, #tpu.memory_space<vmem>>, vector<1x32000xf32>,
    return
  }
  func.func @transform_0(%arg0: i32) -> (i32, i32) {
    %c0_i32 = arith.constant 0 : i32
    %c0_i32_0 = arith.constant 0 : i32
    return %c0_i32, %arg0 : i32, i32
  }
  func.func @transform_1(%arg0: i32) -> (i32, i32) {
    %c0_i32 = arith.constant 0 : i32
    %c0_i32_0 = arith.constant 0 : i32
    %c0_i32_1 = arith.constant 0 : i32
    return %c0_i32, %c0_i32_0 : i32, i32
  }
  func.func @transform_2(%arg0: i32) -> (i32, i32) {
    %c0_i32 = arith.constant 0 : i32
    %c0_i32_0 = arith.constant 0 : i32
    %c0_i32_1 = arith.constant 0 : i32
    return %c0_i32, %c0_i32_0 : i32, i32
  }
  func.func @transform_3(%arg0: i32) -> (i32, i32) {
    %c0_i32 = arith.constant 0 : i32
    %c0_i32_0 = arith.constant 0 : i32
    %c0_i32_1 = arith.constant 0 : i32
    return %c0_i32, %c0_i32_0 : i32, i32
  }
  func.func @transform_4(%arg0: i32) -> (i32, i32) {
    %c0_i32 = arith.constant 0 : i32
    %c0_i32_0 = arith.constant 0 : i32
    %c0_i32_1 = arith.constant 0 : i32
    return %c0_i32, %c0_i32_0 : i32, i32
  }
  func.func @transform_5(%arg0: i32) -> (i32, i32) {
    %c0_i32 = arith.constant 0 : i32
    %c0_i32_0 = arith.constant 0 : i32
    return %c0_i32, %arg0 : i32, i32
  }
}

</mosaic_0001>

<sc_bundles>
// kernel: kernel.6.cloned.1.call-start
scs
__scs_entry_jumppad:
0x0: {  	(pc) =	sbr.rel $0x88, $3  }
0x1: {  	(tag) =	ssettag $0x0;
	lr =	simm.s32 $0x1  }
0x2: {  	[smem:$0x3F95] =	sst lr;
	_ =	strace $0xD0000000  }
0x3: {  	_ = 	snop  }
0x4: {  	_ = 	snop  }
0x5: {  	_ = 	snop  }
0x6: {  	_ = 	snop  }
0x7: {  	_ = 	snop  }
__scs_overlays_trampoline_lowered:
0x8: {  	[smem:$0x3FA4] =	sst s0  }
0x9: {  	[smem:$0x3FA5] =	sst s1  }
0xa: {  	[smem:$0x3FA6] =	sst s2  }
0xb: {  	[smem:$0x3FA7] =	sst s3  }
0xc: {  	[smem:$0x3FA8] =	sst s4  }
0xd: {  	[smem:$0x3FA9] =	sst s5  }
0xe: {  	[smem:$0x3FAA] =	sst s6  }
0xf: {  	[smem:$0x3FAB] =	sst s7  }
0x10: {  	[smem:$0x3FAC] =	sst s8  }
0x11: {  	[smem:$0x3FAD] =	sst s9;
	s0 =	simm.s32 @!p0 $0x0  }
0x12: {  	s1 =	sld [smem:$0x3F93];
	s0 =	simm.s32 @p0 $0x1  }
0x13: {  	[smem:$0x3FAE] =	sst s0;
	s0 =	simm.s32 @!p1 $0x0  }
0x14: {  	s2 =	sld [smem:$0x3F92];
	s0 =	simm.s32 @p1 $0x1  }
0x15: {  	[smem:$0x3FAF] =	sst s0;
	s0 =	simm.s32 @!p2 $0x0  }
0x16: {  	s3 =	sld [smem:$0x3FDB];
	s0 =	simm.s32 @p2 $0x1  }
0x17: {  	s4 =	simm.s32 $0x1BF5;
	[smem:$0x3FB1] =	sst s0  }
0x18: {  	s0 =	sld [smem:$0x3F94];
	_ =	swait.ge [sflag:s4], $0x0  }
0x19: {  	s7 =	sld [smem:$0x3F95]  }
0x1a: {  	s8 =	sadd.s32 $0xFFFFE003, lr  }
0x1b: {  	s9 =	sadd.s32 $0xFFFFFEF7, lr;
	s5 =	simm.s32 $0xFFFFFFFF;
	p2 =	slt.u32 s8, $0xFFFFF086  }
0x1c: {  	p1 =	slt.u32 s9, $0xF7A;
	s5 =	simm.s32 @!p2 $0x0  }
0x1d: {  	s5 =	simm.s32 @p1 $0x1;
	p0 =	seq.s32 s7, s2  }
0x1e: {  	s7 =	smul.u32 @!p0 $0xF7A, s2;
	p2 =	seq.s32 @!p0 s5, $0x0  }
0x1f: {  	s9 =	smul.u32 $0xF7A, s1;
	s8 =	simm.s32 @!p0 $0x1BF5;
	p2 =	por !p2, p0  }
0x20: {  	[sflag:s8] =	ssyncset.s32 @!p0 $0xFFFFF086;
	s6 =	sadd.s32 @!p0 s3, s7;
	s7 =	simm.s32 @!p0 $0x108  }
0x21: {  	s3 =	sadd.s32 s3, s9;
	s6 =	sadd.s32 @!p0 $0x88, s6;
	s7 =	simm.s32 @p2 $0x1082  }
0x22: {  	[simem:s7], [sflag:s8] =	dma.local @!p0 [hbm:s6], $0xF7A  }
0x23: {  	s9 =	sor.u32 $0xD0000000, s2;
	s6 =	simm.s32 $0x108;
	_ =	swait.ge @!p0 [sflag:s8], $0x0  }
0x24: {  	s3 =	sadd.s32 $0x88, s3;
	s6 =	simm.s32 @!p1 $0x1082;
	[sflag:s4] =	ssyncset.s32 $0xFFFFF086  }
0x25: {  	[simem:s6], [sflag:s4] =	dma.local [hbm:s3], $0xF7A  }
0x26: {  	[smem:$0x3F95] =	sst s1;
	(tag) =	ssettag s2;
	_ =	strace s9  }
0x27: {  	s1 =	sld [smem:$0x3FA5]  }
0x28: {  	s2 =	sld [smem:$0x3FA6]  }
0x29: {  	s4 =	sld [smem:$0x3FA8]  }
0x2a: {  	p0 =	seq.s32 s5, $0x0;
	s5 =	sld [smem:$0x3FA9]  }
0x2b: {  	s6 =	sld [smem:$0x3FAA]  }
0x2c: {  	s7 =	sld [smem:$0x3FAB]  }
0x2d: {  	s3 =	simm.s32 $0x108;
	s8 =	sld [smem:$0x3FAC]  }
0x2e: {  	s3 =	simm.s32 @!p0 $0x1082;
	s9 =	sld [smem:$0x3FAD]  }
0x2f: {  	lr =	sadd.s32 s0, s3;
	s0 =	sld [smem:$0x3FA4]  }
0x30: {  	s3 =	sld [smem:$0x3FA7]  }
0x31: {  	[smem:$0x3FB0] =	sst s10  }
0x32: {  	s10 =	sld [smem:$0x3FAE];
	_ =	sdelay $0x3  }
0x33: {  	p0 =	seq.s32 s10, $0x1;
	s10 =	sld [smem:$0x3FB0];
	_ =	sdelay $0x3  }
0x34: {  	[smem:$0x3FB0] =	sst s10  }
0x35: {  	s10 =	sld [smem:$0x3FAF];
	_ =	sdelay $0x3  }
0x36: {  	p1 =	seq.s32 s10, $0x1;
	s10 =	sld [smem:$0x3FB0];
	_ =	sdelay $0x3  }
0x37: {  	[smem:$0x3FB0] =	sst s10  }
0x38: {  	s10 =	sld [smem:$0x3FB1]  }
0x39: {  	_ = 	snop;
	(pc) =	sbr.ind lr, $3  }
0x3a: {  	_ = 	snop  }
0x3b: {  	_ = 	snop  }
0x3c: {  	p2 =	seq.s32 s10, $0x1;
	s10 =	sld [smem:$0x3FB0]  }
0x3d: {  	_ =	shalt  }
0x3e: {  	_ =	shalt  }
0x3f: {  	_ =	shalt  }
0x40: {  	_ =	shalt  }
0x41: {  	_ =	shalt  }
0x42: {  	_ =	shalt  }
0x43: {  	_ =	shalt  }
0x44: {  	_ =	shalt  }
0x45: {  	_ =	shalt  }
0x46: {  	_ =	shalt  }
0x47: {  	_ =	shalt  }
0x48: {  	_ =	shalt  }
0x49: {  	_ =	shalt  }
0x4a: {  	_ =	shalt  }
0x4b: {  	_ =	shalt  }
0x4c: {  	_ =	shalt  }
0x4d: {  	_ =	shalt  }
0x4e: {  	_ =	shalt  }
0x4f: {  	_ =	shalt  }
0x50: {  	_ =	shalt  }
0x51: {  	_ =	shalt  }
0x52: {  	_ =	shalt  }
0x53: {  	_ =	shalt  }
0x54: {  	_ =	shalt  }
0x55: {  	_ =	shalt  }
0x56: {  	_ =	shalt  }
0x57: {  	_ =	shalt  }
0x58: {  	_ =	shalt  }
0x59: {  	_ =	shalt  }
0x5a: {  	_ =	shalt  }
0x5b: {  	_ =	shalt  }
0x5c: {  	_ =	shalt  }
0x5d: {  	_ =	shalt  }
0x5e: {  	_ =	shalt  }
0x5f: {  	_ =	shalt  }
0x60: {  	_ =	shalt  }
0x61: {  	_ =	shalt  }
0x62: {  	_ =	shalt  }
0x63: {  	_ =	shalt  }
0x64: {  	_ =	shalt  }
0x65: {  	_ =	shalt  }
0x66: {  	_ =	shalt  }
0x67: {  	_ =	shalt  }
0x68: {  	_ =	shalt  }
0x69: {  	_ =	shalt  }
0x6a: {  	_ =	shalt  }
0x6b: {  	_ =	shalt  }
0x6c: {  	_ =	shalt  }
0x6d: {  	_ =	shalt  }
0x6e: {  	_ =	shalt  }
0x6f: {  	_ =	shalt  }
0x70: {  	_ =	shalt  }
0x71: {  	_ =	shalt  }
0x72: {  	_ =	shalt  }
0x73: {  	_ =	shalt  }
0x74: {  	_ =	shalt  }
0x75: {  	_ =	shalt  }
0x76: {  	_ =	shalt  }
0x77: {  	_ =	shalt  }
0x78: {  	_ =	shalt  }
0x79: {  	_ =	shalt  }
0x7a: {  	_ =	shalt  }
0x7b: {  	_ =	shalt  }
0x7c: {  	_ =	shalt  }
0x7d: {  	_ =	shalt  }
0x7e: {  	_ =	shalt  }
0x7f: {  	_ =	shalt  }
0x80: {  	_ =	shalt  }
0x81: {  	_ =	shalt  }
0x82: {  	_ =	shalt  }
0x83: {  	_ =	shalt  }
0x84: {  	_ =	shalt  }
0x85: {  	_ =	shalt  }
0x86: {  	_ =	shalt  }
0x87: {  	_ =	shalt  }
.Lfunc_end0:
.L_simem_size_0:
called_computation_lowered:
.L_overlay_start_0:
0x88: {  	s2 =	sld [smem:$0x3FD9]  }
0x89: {  	s3 =	sld [smem:$0x3FFE];
	_ =	sdelay $0x1  }
0x8a: {  	s1 =	srdreg.scid  }
0x8b: {  	s0 =	sand.u32 $0x1, s1  }
0x8c: {  	s17 =	sshll.u32 s0, $0xA;
	s2 =	sadd.s32 s3, s2  }
0x8d: {  	s2 =	sadd.s32 s2, s17  }
0x8e: {  	[smem:$0x3FBC] =	sst s2  }
0x8f: {  	_ = 	snop  }
0x90: {  	s2 =	sld [smem:$0x3FC9]  }
0x91: {  	s18 =	sld [smem:$0x3FD0];
	(tm) =	ssettm $0x1  }
0x92: {  	s4 =	sld [smem:$0x3FFB];
	_ =	sdelay $0x3  }
0x93: {  	_ =	strace s4  }
0x94: {  	s4 =	sld [smem:$0x3FFC];
	_ =	sdelay $0x3  }
0x95: {  	_ =	strace s4  }
0x96: {  	s4 =	sld [smem:$0x3FFD];
	_ =	sdelay $0x3  }
0x97: {  	_ =	strace s4  }
0x98: {  	_ =	strace $0x8FFFFFFF  }
0x99: {  	s19 =	sld [smem:$0x3FDB];
	_ =	sdelay $0x1  }
0x9a: {  	s5 =	simm.s32 $_scs_section_size  }
0x9b: {  	s6 =	simm.s32 $_size__tile_overlayer_lowered;
	s7 =	simm.s32 $_tile_overlayer_lowered  }
0x9c: {  	s22 =	simm.s32 $0x1BFF;
	s21 =	sshll.u32 s7, $0x1;
	s4 =	sadd.s32 s5, s19  }
0x9d: {  	s8 =	simm.s32 $0x0;
	s20 =	sshll.u32 s6, $0x1;
	s6 =	sadd.s32 s21, s4  }
0x9e: {  	[timem:s8], [sflag:s22] =	dma.local [hbm:s6], s20  }
0x9f: {  	_ =	swait.ge [sflag:s22], s20  }
0xa0: {  	s5 =	ssub.s32 $0x0, s20;
	[sflag:s22] =	ssyncset.done $0x0  }
0xa1: {  	[sflag:s22] =	ssyncadd.s32 s5;
	_ =	sdelay $0x1  }
0xa2: {  	s23 =	simm.s32 $0x1B8B  }
0xa3: {  	_ =	swait.ge [sflag:s23], $0x1  }
0xa4: {  	[sflag:s23] =	ssyncset.done $0x0  }
0xa5: {  	s25 =	simm.s32 $0x1B8E;
	s24 =	sld [smem:$0x3FFE];
	[sflag:s23] =	ssyncadd.s32 $0xFFFFFFFF  }
0xa6: {  	s26 =	simm.s32 $execute0_lowered;
	[smem:$0x3FD2] =	sst s25  }
0xa7: {  	s6 =	sshll.u32 s26, $0x1;
	_ =	strace $0x80000046;
	[dreg:$0x1] =	wrdreg $0xFFFFFFFF  }
0xa8: {  	s28 =	simm.s32 $_size_execute0_lowered;
	s4 =	sadd.s32 s4, s6;
	[dreg:$0x0] =	wrdreg $0x0  }
0xa9: {  	s6 =	sshll.u32 s28, $0x1;
	[dreg:$0x2] =	wrdreg s4  }
0xaa: {  	[dreg:$0x3] =	wrdreg s6  }
0xab: {  	[dreg:$0x4] =	wrdreg $0xC0  }
0xac: {  	_ =	task [dreg:s8], $0x5FFFF  }
0xad: {  	[dreg:$0x1] =	wrdreg $0xFFFFFFFF  }
0xae: {  	[dreg:$0x0] =	wrdreg $0x60  }
0xaf: {  	[dreg:$0x2] =	wrdreg s2  }
0xb0: {  	[dreg:$0x3] =	wrdreg s24  }
0xb1: {  	[dreg:$0x4] =	wrdreg s18  }
0xb2: {  	[dreg:$0x5] =	wrdreg $0x0  }
0xb3: {  	[dreg:$0x6] =	wrdreg $0x9  }
0xb4: {  	_ =	task.clear_ibuf [dreg:s8], $0x7FFFF;
	_ =	strace $0x90000046  }
0xb5: {  	s29 =	simm.s32 $0x9;
	_ =	strace $0x80000048  }
0xb6: {  	_ =	swait.ge [sflag:s29], $0x1  }
0xb7: {  	[sflag:s29] =	ssyncadd.s32 $0xFFFFFFFF  }
0xb8: {  	_ =	strace $0x90000048  }
0xb9: {  	_ =	sfence  }
0xba: {  	s30 =	sld [smem:$0x0];
	_ =	sdelay $0x2  }
0xbb: {  	s31 =	sshll.u32 s1, $0xD;
	s1 =	sshrl.u32 s1, $0x2  }
0xbc: {  	s3 =	sand.u32 $0x4000, s31;
	s1 =	sadd.s32 s1, s30  }
0xbd: {  	s0 =	sor.u32 s3, s0;
	s1 =	sshll.u32 s1, $0x11  }
0xbe: {  	s0 =	sor.u32 s1, s0  }
0xbf: {  	s0 =	sadd.s32 $0x8F2B, s0  }
0xc0: {  	[sflag:s0] =	ssyncadd.remote.s32 $0x1  }
0xc1: {  	_ =	sfence.sel $0xFFFF  }
0xc2: {  	[dreg:$0x0] =	wrdreg $0xFFFFFFFF;
	(pc) =	sbr.abs _section_cstart, $3  }
0xc3: {  	[dreg:$0x1] =	wrdreg $0xFFFFFFFF  }
0xc4: {  	_ =	task.clear_ibuf [dreg:s8], $0x2FFFF;
	_ =	strace $0x9FFFFFFF  }
0xc5: {  	(tm) =	ssettm $0x7FFFFFFF  }
tec
execute0_lowered:
.L_overlay_start_1:
0x0: {  	(tag) =	ssettag $0x1  }
0x1: {  	s1 =	rddreg [dreg:$0x0]  }
0x2: {  	s0 =	rddreg [dreg:$0x1]  }
0x3: {  	s2 =	rddreg [dreg:$0x2]  }
0x4: {  	s3 =	rddreg [dreg:$0x3];
	s14 =	stileid.u32  }
0x5: {  	s6 =	simm.s32 $0x0;
	s5 =	srdreg.scid;
	s15 =	simm.s32 $0x6  }
0x6: {  	s17 =	simm.s32 $0x50;
	s18 =	simm.s32 $0x15F90;
	s28 =	simm.s32 $0x1  }
0x7: {  	s29 =	simm.s32 $0x2;
	s30 =	simm.s32 $0x3;
	s4 =	smul.u32 $0x4E20, s14  }
0x8: {  	s31 =	simm.s32 $0x4;
	[smem:$0x7FF] =	sst s6;
	s9 =	smul.u32 $0x27000, s14  }
0x9: {  	s19 =	sand.u32 $0x1, s5;
	s5 =	sadd.s32 $0x15400, s0;
	s22 =	smul.u32 $0x13800, s14  }
0xa: {  	s12 =	smul.u32 $0x4E2, s14;
	s26 =	sadd.s32 $0x9C000, s3;
	p0 =	sne.s32 s14, $0xF  }
0xb: {  	_ =	strace $0x80000047;
	s7 =	ssub.s32 $0x2, s19;
	s24 =	sshll.u32 s19, $0x6  }
0xc: {  	s25 =	sshll.u32 s19, $0x3;
	[dreg:$0x8] =	wrdreg s26;
	p1 =	sne.s32 s19, $0x0  }
0xd: {  	s26 =	simm.s32 $0x1AF90;
	s4 =	sshrl.u32 s4, $0x3;
	s8 =	sshrl.u32 s7, $0x1  }
0xe: {  	s21 =	sshrl.u32 s9, $0x2;
	s12 =	sadd.s32 s2, s12;
	s4 =	sadd.s32 s4, s0  }
0xf: {  	s0 =	sadd.s32 $0x16800, s0;
	s7 =	ssub.s32 s7, s8;
	s23 =	sadd.s32 s21, s3  }
0x10: {  	s21 =	simm.s32 $0x0;
	s20 =	sadd.s32 $0x1A00, s4;
	s4 =	sadd.s32 $0xB640, s4  }
.Ltmp0:
0x11: {  	[dreg:$0x7] =	wrdreg s23;
	s8 =	sadd.s32 s25, s0;
	(pc) =	sbr.rel .LBB2_1-.Ltmp0, $4  }
0x12: {  	s13 =	smax.u32 s7, $0x1;
	s7 =	simm.s32 $0x9C40;
	[dreg:$0x5] =	wrdreg s20  }
0x13: {  	[dreg:$0x6] =	wrdreg s4;
	s4 =	sor.u32 s24, s22;
	s11 =	sadd.s32 $0x27000, s8  }
0x14: {  	s20 =	simm.s32 $0x17390;
	s22 =	simm.s32 $0x18790;
	s4 =	sshrl.u32 s4, $0x3  }
0x15: {  	v1 =	vimm.f32 $0.0e+00;
	v0 =	vmov s19;
	s24 =	simm.s32 $0x19B90;
	s10 =	sadd.s32 s0, s4;
	s0 =	simm.s32 $0x5  }
.LBB2_8:
0x16: {  	[bflag:$0x0] =	sbarrier.arrive $0xFFFF;
	s4 =	simm.s32 $0x10;
	s6 =	simm.s32 $0x8  }
0x17: {  	[hbm:s10@s4], [sflag:s23] =	dma.strided [spmem:s25@s6], $0x1380, s28, $0x8   }
0x18: {  	_ =	swait.ge [sflag:s15], $0x1380  }
0x19: {  	s7 =	simm.s32 @!p0 $0x8;
	[sflag:s15] =	ssyncset.done $0x0  }
0x1a: {  	s4 =	simm.s32 @!p0 $0x1;
	s6 =	simm.s32 @!p0 $0x10;
	[sflag:s15] =	ssyncadd.s32 $0xFFFFEC80  }
0x1b: {  	[hbm:s11@s6], [sflag:s23] =	dma.strided @!p0 [spmem:s2@s7], $0x80, s4, $0x8   }
0x1c: {  	s2 =	simm.s32 @!p0 $0x6  }
0x1d: {  	_ =	swait.ge @!p0 [sflag:s2], $0x80  }
0x1e: {  	s21 =	sadd.s32 $0x1, s21;
	[sflag:s2] =	ssyncset.done @!p0 $0x0  }
0x1f: {  	p2 =	sne.s32 s21, s13;
	[sflag:s2] =	ssyncadd.s32 @!p0 $0xFFFFFF80;
	s2 =	simm.s32 @!p1 $0x0  }
0x20: {  	[hbm4b:s12+s2] =	stream.linear.scatter @!p1 [tilespmem:s16], [sflag:$0x6], $0x2710, $0x38;
	[tilespmem:$0x1C390] =	vst v63  }
.Ltmp1:
0x21: {  	_ = 	snop;
	(pc) =	sbr.rel @!p2 .LBB2_9-.Ltmp1, $4  }
0x22: {  	s2 =	simm.s32 @!p1 $0x6  }
0x23: {  	_ =	swait.ge @!p1 [sflag:s2], $0x2710  }
0x24: {  	[sflag:s2] =	ssyncset.done @!p1 $0x0  }
0x25: {  	s7 =	simm.s32 $0x9C40;
	[sflag:s2] =	ssyncadd.s32 @!p1 $0xFFFFD8F0  }
.LBB2_1:
0x26: {  	s2 =	simm.s32 $0x0;
	s4 =	rddreg [dreg:$0x5]  }
0x27: {  	[tilespmem:s7], [sflag:$0x6] =	stream.linear.gather [hbm4b:s4+s2], $0x4E20, $0x38;
	[tilespmem:$0x1C390] =	vst v63  }
0x28: {  	_ =	swait.ge [sflag:s15], $0x4E20  }
0x29: {  	[sflag:s15] =	ssyncset.done $0x0  }
0x2a: {  	s6 =	simm.s32 $0xEA60;
	s25 =	rddreg [dreg:$0x6];
	[sflag:s15] =	ssyncadd.s32 $0xFFFFB1E0  }
0x2b: {  	[tilespmem:s6], [sflag:$0x6] =	stream.linear.gather [hbm4b:s25+s2], $0x4E20, $0x38;
	[tilespmem:$0x1C390] =	vst v63  }
0x2c: {  	_ =	swait.ge [sflag:s15], $0x4E20  }
0x2d: {  	[sflag:s15] =	ssyncset.done $0x0  }
0x2e: {  	s4 =	simm.s32 $0x40;
	s2 =	simm.s32 $0x0;
	[sflag:s15] =	ssyncadd.s32 $0xFFFFB1E0  }
.LBB2_2:
0x2f: {  	p2 =	sne.s32 s4, $0x13840;
	v2 =	vld [tilespmem:s2+$0x9C40];
	_ =	sdelay $0x2  }
.Ltmp2:
0x30: {  	(pc) =	sbr.rel @p2 .LBB2_2-.Ltmp2, $4  }
0x31: {  	_ = 	snop  }
0x32: {  	v2 =	vshll.u32 v2, $0x1  }
0x33: {  	v2 =	vor.u32 v0, v2  }
0x34: {  	[tilespmem:s2+$0x9C40] =	vst v2;
	s2 =	sshra.s32 s4, $0x2;
	s4 =	sadd.s32 $0x40, s4  }
0x35: {  	v2 =	vld [tilespmem:s2+$0x9C40];
	_ =	sdelay $0x4  }
0x36: {  	v2 =	vshll.u32 v2, $0x1  }
0x37: {  	v2 =	vor.u32 v0, v2  }
0x38: {  	[tilespmem:s2+$0x9C40] =	vst v2  }
0x39: {  	[tilespmem:s18], [sflag:$0x1] =	stream.indirect.gather [hbm4b:s1+s17], $0x40, s7, s17, $0xb8;
	[tilespmem:$0x1C390] =	vst v63  }
0x3a: {  	s16 =	simm.s32 $0x9C90  }
0x3b: {  	[tilespmem:s20], [sflag:$0x2] =	stream.indirect.gather [hbm4b:s1+s17], $0x40, s16, s17, $0xb8;
	[tilespmem:$0x1C390] =	vst v63  }
0x3c: {  	s19 =	simm.s32 $0x9CE0  }
0x3d: {  	[tilespmem:s22], [sflag:$0x3] =	stream.indirect.gather [hbm4b:s1+s17], $0x40, s19, s17, $0xb8;
	[tilespmem:$0x1C390] =	vst v63  }
0x3e: {  	s23 =	simm.s32 $0x9D30  }
0x3f: {  	[tilespmem:s24], [sflag:$0x4] =	stream.indirect.gather [hbm4b:s1+s17], $0x40, s23, s17, $0xb8;
	[tilespmem:$0x1C390] =	vst v63  }
0x40: {  	s25 =	simm.s32 $0x9D80;
	s4 =	simm.s32 $0x0;
	s2 =	simm.s32 $0x40  }
0x41: {  	[tilespmem:s26], [sflag:$0x5] =	stream.indirect.gather [hbm4b:s1+s17], $0x40, s25, s17, $0xb8;
	[tilespmem:$0x1C390] =	vst v63  }
.LBB2_4:
0x42: {  	p2 =	sne.s32 s2, $0x9C00;
	[tilespmem:s4+$0x13880] =	vst v1;
	s4 =	smov.u32 s2;
	s2 =	sadd.s32 $0x40, s2  }
.Ltmp3:
0x43: {  	(pc) =	sbr.rel @p2 .LBB2_4-.Ltmp3, $2  }
0x44: {  	_ =	sdelay $0x2  }
0x45: {  	s4 =	sshra.s32 s4, $0x2  }
0x46: {  	s2 =	stileid.u32  }
0x47: {  	s25 =	rddreg [dreg:$0x7];
	s2 =	sshll.u32 s2, $0x6  }
0x48: {  	[tilespmem:s4+$0x13880] =	vst v1;
	s25 =	sshrl.u32 s25, $0x3;
	s23 =	sor.u32 $0x1C06, s2  }
0x49: {  	[spmem:s25], [sflag:s23] =	dma.local [hbm:s5], $0x1380  }
0x4a: {  	_ =	swait.ge [sflag:s15], $0x1380  }
0x4b: {  	[sflag:s15] =	ssyncset.done $0x0;
	s2 =	rddreg [dreg:$0x8]  }
0x4c: {  	s4 =	simm.s32 @!p0 $0x6;
	[sflag:s15] =	ssyncadd.s32 $0xFFFFEC80;
	s2 =	sshrl.u32 @!p0 s2, $0x3  }
0x4d: {  	[spmem:s2], [sflag:s23] =	dma.local @!p0 [hbm:s5], $0x80  }
0x4e: {  	_ =	swait.ge @!p0 [sflag:s4], $0x80  }
0x4f: {  	[sflag:s4] =	ssyncset.done @!p0 $0x0  }
0x50: {  	[sflag:s4] =	ssyncadd.s32 @!p0 $0xFFFFFF80  }
0x51: {  	s19 =	simm.s32 $0x0;
	[bflag:$0x0] =	sbarrier.arrive $0xFFFF  }
.LBB2_6:
0x52: {  	_ =	swait.ge [sflag:s28], $0x1400  }
0x53: {  	[sflag:s28] =	ssyncset.done $0x0  }
0x54: {  	s4 =	sshra.s32 @!p1 s19, $0x2;
	[sflag:s28] =	ssyncadd.s32 $0xFFFFEC00  }
0x55: {  	v2 =	vld @!p1 [tilespmem:s4+$0xEA60];
	_ =	sdelay $0x6  }
0x56: {  	v3 =	vimm.f32 @!p1 $1.000000000e+00;
	s16 =	simm.s32 @!p1 $0x13880  }
0x57: {  	[tilespmem:v2+s16+$0x0] =	vst.idx.add.f32.msk @!p1 $0xffff, v3  }
0x58: {  	v2 =	vld @!p1 [tilespmem:s4+$0xEA70];
	_ =	sdelay $0x7  }
0x59: {  	[tilespmem:v2+s16+$0x0] =	vst.idx.add.f32.msk @!p1 $0xffff, v3  }
0x5a: {  	v2 =	vld @!p1 [tilespmem:s4+$0xEA80];
	_ =	sdelay $0x7  }
0x5b: {  	[tilespmem:v2+s16+$0x0] =	vst.idx.add.f32.msk @!p1 $0xffff, v3  }
0x5c: {  	v2 =	vld @!p1 [tilespmem:s4+$0xEA90];
	_ =	sdelay $0x7  }
0x5d: {  	[tilespmem:v2+s16+$0x0] =	vst.idx.add.f32.msk @!p1 $0xffff, v3  }
0x5e: {  	v2 =	vld @!p1 [tilespmem:s4+$0xEAA0];
	_ =	sdelay $0x6  }
0x5f: {  	s6 =	sshra.s32 s19, $0x2  }
0x60: {  	s7 =	sadd.s32 $0xEA60, s6;
	[tilespmem:v2+s16+$0x0] =	vst.idx.add.f32.msk @!p1 $0xffff, v3  }
0x61: {  	[spmem:s3] =	stream.indirect.scatter.add.f32 [tilespmem:s18], [sflag:$0x6], $0x40, s7, s17, $0xb8;
	[tilespmem:$0x1C390] =	vst v63  }
0x62: {  	p2 =	seq.s32 s19, $0x13240;
	_ =	swait.ge [sflag:s15], $0x1400  }
0x63: {  	s8 =	simm.s32 @!p2 $0x50;
	s7 =	sshra.s32 @!p2 s19, $0x2;
	[sflag:s15] =	ssyncset.done $0x0  }
0x64: {  	s14 =	simm.s32 @!p2 $0x15F90;
	s9 =	sadd.s32 @!p2 $0x9DD0, s7;
	[sflag:s15] =	ssyncadd.s32 $0xFFFFEC00  }
0x65: {  	[tilespmem:s14], [sflag:$0x1] =	stream.indirect.gather @!p2 [hbm4b:s1+s8], $0x40, s9, s8, $0xb8;
	[tilespmem:$0x1C390] =	vst v63  }
0x66: {  	_ =	swait.ge [sflag:s29], $0x1400  }
0x67: {  	[sflag:s29] =	ssyncset.done $0x0  }
0x68: {  	[sflag:s29] =	ssyncadd.s32 $0xFFFFEC00  }
0x69: {  	v2 =	vld @!p1 [tilespmem:s4+$0xEAB0];
	_ =	sdelay $0x7  }
0x6a: {  	[tilespmem:v2+s16+$0x0] =	vst.idx.add.f32.msk @!p1 $0xffff, v3  }
0x6b: {  	v2 =	vld @!p1 [tilespmem:s4+$0xEAC0];
	_ =	sdelay $0x7  }
0x6c: {  	[tilespmem:v2+s16+$0x0] =	vst.idx.add.f32.msk @!p1 $0xffff, v3  }
0x6d: {  	v2 =	vld @!p1 [tilespmem:s4+$0xEAD0];
	_ =	sdelay $0x7  }
0x6e: {  	[tilespmem:v2+s16+$0x0] =	vst.idx.add.f32.msk @!p1 $0xffff, v3  }
0x6f: {  	v2 =	vld @!p1 [tilespmem:s4+$0xEAE0];
	_ =	sdelay $0x7  }
0x70: {  	[tilespmem:v2+s16+$0x0] =	vst.idx.add.f32.msk @!p1 $0xffff, v3  }
0x71: {  	v2 =	vld @!p1 [tilespmem:s4+$0xEAF0];
	_ =	sdelay $0x7  }
0x72: {  	s14 =	sadd.s32 $0xEAB0, s6;
	[tilespmem:v2+s16+$0x0] =	vst.idx.add.f32.msk @!p1 $0xffff, v3  }
0x73: {  	[spmem:s3] =	stream.indirect.scatter.add.f32 [tilespmem:s20], [sflag:$0x6], $0x40, s14, s17, $0xb8;
	[tilespmem:$0x1C390] =	vst v63  }
0x74: {  	_ =	swait.ge [sflag:s15], $0x1400  }
0x75: {  	[sflag:s15] =	ssyncset.done $0x0  }
0x76: {  	s9 =	sadd.s32 @!p2 $0x9E20, s7;
	s14 =	simm.s32 @!p2 $0x17390;
	[sflag:s15] =	ssyncadd.s32 $0xFFFFEC00  }
0x77: {  	[tilespmem:s14], [sflag:$0x2] =	stream.indirect.gather @!p2 [hbm4b:s1+s8], $0x40, s9, s8, $0xb8;
	[tilespmem:$0x1C390] =	vst v63  }
0x78: {  	_ =	swait.ge [sflag:s30], $0x1400  }
0x79: {  	[sflag:s30] =	ssyncset.done $0x0  }
0x7a: {  	[sflag:s30] =	ssyncadd.s32 $0xFFFFEC00  }
0x7b: {  	v2 =	vld @!p1 [tilespmem:s4+$0xEB00];
	_ =	sdelay $0x7  }
0x7c: {  	[tilespmem:v2+s16+$0x0] =	vst.idx.add.f32.msk @!p1 $0xffff, v3  }
0x7d: {  	v2 =	vld @!p1 [tilespmem:s4+$0xEB10];
	_ =	sdelay $0x7  }
0x7e: {  	[tilespmem:v2+s16+$0x0] =	vst.idx.add.f32.msk @!p1 $0xffff, v3  }
0x7f: {  	v2 =	vld @!p1 [tilespmem:s4+$0xEB20];
	_ =	sdelay $0x7  }
0x80: {  	[tilespmem:v2+s16+$0x0] =	vst.idx.add.f32.msk @!p1 $0xffff, v3  }
0x81: {  	v2 =	vld @!p1 [tilespmem:s4+$0xEB30];
	_ =	sdelay $0x7  }
0x82: {  	[tilespmem:v2+s16+$0x0] =	vst.idx.add.f32.msk @!p1 $0xffff, v3  }
0x83: {  	v2 =	vld @!p1 [tilespmem:s4+$0xEB40];
	_ =	sdelay $0x7  }
0x84: {  	s14 =	sadd.s32 $0xEB00, s6;
	[tilespmem:v2+s16+$0x0] =	vst.idx.add.f32.msk @!p1 $0xffff, v3  }
0x85: {  	[spmem:s3] =	stream.indirect.scatter.add.f32 [tilespmem:s22], [sflag:$0x6], $0x40, s14, s17, $0xb8;
	[tilespmem:$0x1C390] =	vst v63  }
0x86: {  	_ =	swait.ge [sflag:s15], $0x1400  }
0x87: {  	[sflag:s15] =	ssyncset.done $0x0  }
0x88: {  	s9 =	sadd.s32 @!p2 $0x9E70, s7;
	s14 =	simm.s32 @!p2 $0x18790;
	[sflag:s15] =	ssyncadd.s32 $0xFFFFEC00  }
0x89: {  	[tilespmem:s14], [sflag:$0x3] =	stream.indirect.gather @!p2 [hbm4b:s1+s8], $0x40, s9, s8, $0xb8;
	[tilespmem:$0x1C390] =	vst v63  }
0x8a: {  	_ =	swait.ge [sflag:s31], $0x1400  }
0x8b: {  	[sflag:s31] =	ssyncset.done $0x0  }
0x8c: {  	[sflag:s31] =	ssyncadd.s32 $0xFFFFEC00  }
0x8d: {  	v2 =	vld @!p1 [tilespmem:s4+$0xEB50];
	_ =	sdelay $0x7  }
0x8e: {  	[tilespmem:v2+s16+$0x0] =	vst.idx.add.f32.msk @!p1 $0xffff, v3  }
0x8f: {  	v2 =	vld @!p1 [tilespmem:s4+$0xEB60];
	_ =	sdelay $0x7  }
0x90: {  	[tilespmem:v2+s16+$0x0] =	vst.idx.add.f32.msk @!p1 $0xffff, v3  }
0x91: {  	v2 =	vld @!p1 [tilespmem:s4+$0xEB70];
	_ =	sdelay $0x7  }
0x92: {  	[tilespmem:v2+s16+$0x0] =	vst.idx.add.f32.msk @!p1 $0xffff, v3  }
0x93: {  	v2 =	vld @!p1 [tilespmem:s4+$0xEB80];
	_ =	sdelay $0x7  }
0x94: {  	[tilespmem:v2+s16+$0x0] =	vst.idx.add.f32.msk @!p1 $0xffff, v3  }
0x95: {  	v2 =	vld @!p1 [tilespmem:s4+$0xEB90];
	_ =	sdelay $0x7  }
0x96: {  	s14 =	sadd.s32 $0xEB50, s6;
	[tilespmem:v2+s16+$0x0] =	vst.idx.add.f32.msk @!p1 $0xffff, v3  }
0x97: {  	[spmem:s3] =	stream.indirect.scatter.add.f32 [tilespmem:s24], [sflag:$0x6], $0x40, s14, s17, $0xb8;
	[tilespmem:$0x1C390] =	vst v63  }
0x98: {  	_ =	swait.ge [sflag:s15], $0x1400  }
0x99: {  	[sflag:s15] =	ssyncset.done $0x0  }
0x9a: {  	s7 =	sadd.s32 @!p2 $0x9EC0, s7;
	s9 =	simm.s32 @!p2 $0x19B90;
	[sflag:s15] =	ssyncadd.s32 $0xFFFFEC00  }
0x9b: {  	[tilespmem:s9], [sflag:$0x4] =	stream.indirect.gather @!p2 [hbm4b:s1+s8], $0x40, s7, s8, $0xb8;
	[tilespmem:$0x1C390] =	vst v63  }
0x9c: {  	_ =	swait.ge [sflag:s0], $0x1400  }
0x9d: {  	[sflag:s0] =	ssyncset.done $0x0  }
0x9e: {  	[sflag:s0] =	ssyncadd.s32 $0xFFFFEC00  }
0x9f: {  	v2 =	vld @!p1 [tilespmem:s4+$0xEBA0];
	_ =	sdelay $0x7  }
0xa0: {  	[tilespmem:v2+s16+$0x0] =	vst.idx.add.f32.msk @!p1 $0xffff, v3  }
0xa1: {  	v2 =	vld @!p1 [tilespmem:s4+$0xEBB0];
	_ =	sdelay $0x7  }
0xa2: {  	[tilespmem:v2+s16+$0x0] =	vst.idx.add.f32.msk @!p1 $0xffff, v3  }
0xa3: {  	v2 =	vld @!p1 [tilespmem:s4+$0xEBC0];
	_ =	sdelay $0x7  }
0xa4: {  	[tilespmem:v2+s16+$0x0] =	vst.idx.add.f32.msk @!p1 $0xffff, v3  }
0xa5: {  	v2 =	vld @!p1 [tilespmem:s4+$0xEBD0];
	_ =	sdelay $0x7  }
0xa6: {  	[tilespmem:v2+s16+$0x0] =	vst.idx.add.f32.msk @!p1 $0xffff, v3  }
0xa7: {  	v2 =	vld @!p1 [tilespmem:s4+$0xEBE0];
	_ =	sdelay $0x7  }
.Ltmp4:
0xa8: {  	s14 =	sadd.s32 $0xEBA0, s6;
	[tilespmem:v2+s16+$0x0] =	vst.idx.add.f32.msk @!p1 $0xffff, v3;
	(pc) =	sbr.rel @p2 .LBB2_8-.Ltmp4, $4  }
0xa9: {  	[spmem:s3] =	stream.indirect.scatter.add.f32 [tilespmem:s26], [sflag:$0x6], $0x40, s14, s17, $0xb8;
	[tilespmem:$0x1C390] =	vst v63  }
0xaa: {  	_ =	swait.ge [sflag:s15], $0x1400  }
0xab: {  	[sflag:s15] =	ssyncset.done $0x0  }
0xac: {  	[sflag:s15] =	ssyncadd.s32 $0xFFFFEC00  }
.Ltmp5:
0xad: {  	(pc) =	sbr.rel .LBB2_6-.Ltmp5, $3  }
0xae: {  	_ =	sdelay $0x1  }
0xaf: {  	s4 =	sadd.s32 $0x9F10, s6;
	s19 =	sadd.s32 $0x640, s19  }
0xb0: {  	[tilespmem:s26], [sflag:$0x5] =	stream.indirect.gather [hbm4b:s1+s17], $0x40, s4, s17, $0xb8;
	[tilespmem:$0x1C390] =	vst v63  }
.LBB2_9:
0xb1: {  	_ =	sfence.sel $0x180000  }
0xb2: {  	[bflag:$0x0] =	sbarrier.arrive $0xFFFF  }
0xb3: {  	_ =	strace $0x90000047  }
0xb4: {  	s0 =	stileid.u32;
	[bflag:$0x2] =	sbarrier.arrive $0xFFFF  }
0xb5: {  	p0 =	sne.s32 s0, $0x0;
	s0 =	rddreg [dreg:$0x4]  }
0xb6: {  	s0 =	sadd.s32 @!p0 $0x100000, s0  }
0xb7: {  	[sflag:s0] =	ssyncadd.tile.s32 @!p0 $0x1;
	_ =	shalt  }
.Lfunc_end2:
_tile_overlayer_lowered:
.L_overlay_start_2:
0xb8: {  	(tag) =	ssettag $0x2  }
0xb9: {  	s0 =	rddreg [dreg:$0x0];
	s2 =	stileid.u32  }
0xba: {  	s1 =	rddreg [dreg:$0x1];
	p0 =	sne.s32 s2, $0x0  }
0xbb: {  	s3 =	rddreg [dreg:$0x2];
	[bflag:$0x3] =	sbarrier.arrive $0xFFFF;
	s2 =	simm.s32 @!p0 $0x1C06  }
0xbc: {  	[timem:s3], [sflag:s2] =	dma.local @!p0 [hbm:s0], s1  }
0xbd: {  	s0 =	simm.s32 @!p0 $0x6  }
0xbe: {  	_ =	swait.ge @!p0 [sflag:s0], s1  }
0xbf: {  	s1 =	ssub.s32 @!p0 $0x0, s1;
	[sflag:s0] =	ssyncset.done @!p0 $0x0  }
0xc0: {  	[sflag:s0] =	ssyncadd.s32 @!p0 s1  }
0xc1: {  	[bflag:$0x3] =	sbarrier.arrive $0xFFFF  }
0xc2: {  	_ =	shalt  }

// kernel: kernel.9.cloned.1.call-start
scs
__scs_entry_jumppad:
0x0: {  	(pc) =	sbr.rel $0x88, $3  }
0x1: {  	(tag) =	ssettag $0x0;
	lr =	simm.s32 $0x1  }
0x2: {  	[smem:$0x3F95] =	sst lr;
	_ =	strace $0xD0000000  }
0x3: {  	_ = 	snop  }
0x4: {  	_ = 	snop  }
0x5: {  	_ = 	snop  }
0x6: {  	_ = 	snop  }
0x7: {  	_ = 	snop  }
__scs_overlays_trampoline_lowered:
0x8: {  	[smem:$0x3FA4] =	sst s0  }
0x9: {  	[smem:$0x3FA5] =	sst s1  }
0xa: {  	[smem:$0x3FA6] =	sst s2  }
0xb: {  	[smem:$0x3FA7] =	sst s3  }
0xc: {  	[smem:$0x3FA8] =	sst s4  }
0xd: {  	[smem:$0x3FA9] =	sst s5  }
0xe: {  	[smem:$0x3FAA] =	sst s6  }
0xf: {  	[smem:$0x3FAB] =	sst s7  }
0x10: {  	[smem:$0x3FAC] =	sst s8  }
0x11: {  	[smem:$0x3FAD] =	sst s9;
	s0 =	simm.s32 @!p0 $0x0  }
0x12: {  	s1 =	sld [smem:$0x3F93];
	s0 =	simm.s32 @p0 $0x1  }
0x13: {  	[smem:$0x3FAE] =	sst s0;
	s0 =	simm.s32 @!p1 $0x0  }
0x14: {  	s2 =	sld [smem:$0x3F92];
	s0 =	simm.s32 @p1 $0x1  }
0x15: {  	[smem:$0x3FAF] =	sst s0;
	s0 =	simm.s32 @!p2 $0x0  }
0x16: {  	s3 =	sld [smem:$0x3FDB];
	s0 =	simm.s32 @p2 $0x1  }
0x17: {  	s4 =	simm.s32 $0x1BF5;
	[smem:$0x3FB1] =	sst s0  }
0x18: {  	s0 =	sld [smem:$0x3F94];
	_ =	swait.ge [sflag:s4], $0x0  }
0x19: {  	s7 =	sld [smem:$0x3F95]  }
0x1a: {  	s8 =	sadd.s32 $0xFFFFE003, lr  }
0x1b: {  	s9 =	sadd.s32 $0xFFFFFEF7, lr;
	s5 =	simm.s32 $0xFFFFFFFF;
	p2 =	slt.u32 s8, $0xFFFFF086  }
0x1c: {  	p1 =	slt.u32 s9, $0xF7A;
	s5 =	simm.s32 @!p2 $0x0  }
0x1d: {  	s5 =	simm.s32 @p1 $0x1;
	p0 =	seq.s32 s7, s2  }
0x1e: {  	s7 =	smul.u32 @!p0 $0xF7A, s2;
	p2 =	seq.s32 @!p0 s5, $0x0  }
0x1f: {  	s9 =	smul.u32 $0xF7A, s1;
	s8 =	simm.s32 @!p0 $0x1BF5;
	p2 =	por !p2, p0  }
0x20: {  	[sflag:s8] =	ssyncset.s32 @!p0 $0xFFFFF086;
	s6 =	sadd.s32 @!p0 s3, s7;
	s7 =	simm.s32 @!p0 $0x108  }
0x21: {  	s3 =	sadd.s32 s3, s9;
	s6 =	sadd.s32 @!p0 $0x88, s6;
	s7 =	simm.s32 @p2 $0x1082  }
0x22: {  	[simem:s7], [sflag:s8] =	dma.local @!p0 [hbm:s6], $0xF7A  }
0x23: {  	s9 =	sor.u32 $0xD0000000, s2;
	s6 =	simm.s32 $0x108;
	_ =	swait.ge @!p0 [sflag:s8], $0x0  }
0x24: {  	s3 =	sadd.s32 $0x88, s3;
	s6 =	simm.s32 @!p1 $0x1082;
	[sflag:s4] =	ssyncset.s32 $0xFFFFF086  }
0x25: {  	[simem:s6], [sflag:s4] =	dma.local [hbm:s3], $0xF7A  }
0x26: {  	[smem:$0x3F95] =	sst s1;
	(tag) =	ssettag s2;
	_ =	strace s9  }
0x27: {  	s1 =	sld [smem:$0x3FA5]  }
0x28: {  	s2 =	sld [smem:$0x3FA6]  }
0x29: {  	s4 =	sld [smem:$0x3FA8]  }
0x2a: {  	p0 =	seq.s32 s5, $0x0;
	s5 =	sld [smem:$0x3FA9]  }
0x2b: {  	s6 =	sld [smem:$0x3FAA]  }
0x2c: {  	s7 =	sld [smem:$0x3FAB]  }
0x2d: {  	s3 =	simm.s32 $0x108;
	s8 =	sld [smem:$0x3FAC]  }
0x2e: {  	s3 =	simm.s32 @!p0 $0x1082;
	s9 =	sld [smem:$0x3FAD]  }
0x2f: {  	lr =	sadd.s32 s0, s3;
	s0 =	sld [smem:$0x3FA4]  }
0x30: {  	s3 =	sld [smem:$0x3FA7]  }
0x31: {  	[smem:$0x3FB0] =	sst s10  }
0x32: {  	s10 =	sld [smem:$0x3FAE];
	_ =	sdelay $0x3  }
0x33: {  	p0 =	seq.s32 s10, $0x1;
	s10 =	sld [smem:$0x3FB0];
	_ =	sdelay $0x3  }
0x34: {  	[smem:$0x3FB0] =	sst s10  }
0x35: {  	s10 =	sld [smem:$0x3FAF];
	_ =	sdelay $0x3  }
0x36: {  	p1 =	seq.s32 s10, $0x1;
	s10 =	sld [smem:$0x3FB0];
	_ =	sdelay $0x3  }
0x37: {  	[smem:$0x3FB0] =	sst s10  }
0x38: {  	s10 =	sld [smem:$0x3FB1]  }
0x39: {  	_ = 	snop;
	(pc) =	sbr.ind lr, $3  }
0x3a: {  	_ = 	snop  }
0x3b: {  	_ = 	snop  }
0x3c: {  	p2 =	seq.s32 s10, $0x1;
	s10 =	sld [smem:$0x3FB0]  }
0x3d: {  	_ =	shalt  }
0x3e: {  	_ =	shalt  }
0x3f: {  	_ =	shalt  }
0x40: {  	_ =	shalt  }
0x41: {  	_ =	shalt  }
0x42: {  	_ =	shalt  }
0x43: {  	_ =	shalt  }
0x44: {  	_ =	shalt  }
0x45: {  	_ =	shalt  }
0x46: {  	_ =	shalt  }
0x47: {  	_ =	shalt  }
0x48: {  	_ =	shalt  }
0x49: {  	_ =	shalt  }
0x4a: {  	_ =	shalt  }
0x4b: {  	_ =	shalt  }
0x4c: {  	_ =	shalt  }
0x4d: {  	_ =	shalt  }
0x4e: {  	_ =	shalt  }
0x4f: {  	_ =	shalt  }
0x50: {  	_ =	shalt  }
0x51: {  	_ =	shalt  }
0x52: {  	_ =	shalt  }
0x53: {  	_ =	shalt  }
0x54: {  	_ =	shalt  }
0x55: {  	_ =	shalt  }
0x56: {  	_ =	shalt  }
0x57: {  	_ =	shalt  }
0x58: {  	_ =	shalt  }
0x59: {  	_ =	shalt  }
0x5a: {  	_ =	shalt  }
0x5b: {  	_ =	shalt  }
0x5c: {  	_ =	shalt  }
0x5d: {  	_ =	shalt  }
0x5e: {  	_ =	shalt  }
0x5f: {  	_ =	shalt  }
0x60: {  	_ =	shalt  }
0x61: {  	_ =	shalt  }
0x62: {  	_ =	shalt  }
0x63: {  	_ =	shalt  }
0x64: {  	_ =	shalt  }
0x65: {  	_ =	shalt  }
0x66: {  	_ =	shalt  }
0x67: {  	_ =	shalt  }
0x68: {  	_ =	shalt  }
0x69: {  	_ =	shalt  }
0x6a: {  	_ =	shalt  }
0x6b: {  	_ =	shalt  }
0x6c: {  	_ =	shalt  }
0x6d: {  	_ =	shalt  }
0x6e: {  	_ =	shalt  }
0x6f: {  	_ =	shalt  }
0x70: {  	_ =	shalt  }
0x71: {  	_ =	shalt  }
0x72: {  	_ =	shalt  }
0x73: {  	_ =	shalt  }
0x74: {  	_ =	shalt  }
0x75: {  	_ =	shalt  }
0x76: {  	_ =	shalt  }
0x77: {  	_ =	shalt  }
0x78: {  	_ =	shalt  }
0x79: {  	_ =	shalt  }
0x7a: {  	_ =	shalt  }
0x7b: {  	_ =	shalt  }
0x7c: {  	_ =	shalt  }
0x7d: {  	_ =	shalt  }
0x7e: {  	_ =	shalt  }
0x7f: {  	_ =	shalt  }
0x80: {  	_ =	shalt  }
0x81: {  	_ =	shalt  }
0x82: {  	_ =	shalt  }
0x83: {  	_ =	shalt  }
0x84: {  	_ =	shalt  }
0x85: {  	_ =	shalt  }
0x86: {  	_ =	shalt  }
0x87: {  	_ =	shalt  }
.Lfunc_end0:
.L_simem_size_0:
called_computation.1_lowered:
.L_overlay_start_0:
0x88: {  	s2 =	sld [smem:$0x3FD9]  }
0x89: {  	s3 =	sld [smem:$0x3FFE];
	_ =	sdelay $0x1  }
0x8a: {  	s1 =	srdreg.scid  }
0x8b: {  	s0 =	sand.u32 $0x1, s1  }
0x8c: {  	s17 =	sshll.u32 s0, $0xA;
	s2 =	sadd.s32 s3, s2  }
0x8d: {  	s2 =	sadd.s32 s2, s17  }
0x8e: {  	[smem:$0x3FBC] =	sst s2  }
0x8f: {  	_ = 	snop  }
0x90: {  	s2 =	sld [smem:$0x3FD0];
	(tm) =	ssettm $0x1  }
0x91: {  	s18 =	sld [smem:$0x3FFB];
	_ =	sdelay $0x3  }
0x92: {  	_ =	strace s18  }
0x93: {  	s3 =	sld [smem:$0x3FFC];
	_ =	sdelay $0x3  }
0x94: {  	_ =	strace s3  }
0x95: {  	s3 =	sld [smem:$0x3FFD];
	_ =	sdelay $0x3  }
0x96: {  	_ =	strace s3  }
0x97: {  	_ =	strace $0x8FFFFFFF  }
0x98: {  	s19 =	sld [smem:$0x3FDB];
	_ =	sdelay $0x1  }
0x99: {  	s4 =	simm.s32 $_scs_section_size  }
0x9a: {  	s5 =	simm.s32 $_size__tile_overlayer_lowered;
	s6 =	simm.s32 $_tile_overlayer_lowered  }
0x9b: {  	s22 =	simm.s32 $0x1BFF;
	s21 =	sshll.u32 s6, $0x1;
	s3 =	sadd.s32 s4, s19  }
0x9c: {  	s7 =	simm.s32 $0x0;
	s20 =	sshll.u32 s5, $0x1;
	s5 =	sadd.s32 s21, s3  }
0x9d: {  	[timem:s7], [sflag:s22] =	dma.local [hbm:s5], s20  }
0x9e: {  	_ =	swait.ge [sflag:s22], s20  }
0x9f: {  	s4 =	ssub.s32 $0x0, s20;
	[sflag:s22] =	ssyncset.done $0x0  }
0xa0: {  	[sflag:s22] =	ssyncadd.s32 s4;
	_ =	sdelay $0x1  }
0xa1: {  	s23 =	simm.s32 $0x1B8B  }
0xa2: {  	_ =	swait.ge [sflag:s23], $0x1  }
0xa3: {  	[sflag:s23] =	ssyncset.done $0x0  }
0xa4: {  	s25 =	simm.s32 $0x1B8E;
	s24 =	sld [smem:$0x3FFE];
	[sflag:s23] =	ssyncadd.s32 $0xFFFFFFFF  }
0xa5: {  	s26 =	simm.s32 $execute0_lowered;
	[smem:$0x3FD2] =	sst s25  }
0xa6: {  	s5 =	sshll.u32 s26, $0x1;
	_ =	strace $0x80000049;
	[dreg:$0x1] =	wrdreg $0xFFFFFFFF  }
0xa7: {  	s28 =	simm.s32 $_size_execute0_lowered;
	s3 =	sadd.s32 s3, s5;
	[dreg:$0x0] =	wrdreg $0x0  }
0xa8: {  	s5 =	sshll.u32 s28, $0x1;
	[dreg:$0x2] =	wrdreg s3  }
0xa9: {  	[dreg:$0x3] =	wrdreg s5  }
0xaa: {  	[dreg:$0x4] =	wrdreg $0xC0  }
0xab: {  	_ =	task [dreg:s7], $0x5FFFF  }
0xac: {  	[dreg:$0x1] =	wrdreg $0xFFFFFFFF  }
0xad: {  	[dreg:$0x0] =	wrdreg $0x60  }
0xae: {  	[dreg:$0x2] =	wrdreg s2  }
0xaf: {  	[dreg:$0x3] =	wrdreg s24  }
0xb0: {  	[dreg:$0x4] =	wrdreg $0x9  }
0xb1: {  	_ =	task.clear_ibuf [dreg:s7], $0x5FFFF;
	_ =	strace $0x90000049  }
0xb2: {  	s29 =	simm.s32 $0x9;
	_ =	strace $0x8000004B  }
0xb3: {  	_ =	swait.ge [sflag:s29], $0x1  }
0xb4: {  	[sflag:s29] =	ssyncadd.s32 $0xFFFFFFFF  }
0xb5: {  	_ =	strace $0x9000004B  }
0xb6: {  	_ =	sfence  }
0xb7: {  	s30 =	sld [smem:$0x0];
	_ =	sdelay $0x2  }
0xb8: {  	s31 =	sshll.u32 s1, $0xD;
	s1 =	sshrl.u32 s1, $0x2  }
0xb9: {  	s3 =	sand.u32 $0x4000, s31;
	s1 =	sadd.s32 s1, s30  }
0xba: {  	s0 =	sor.u32 s3, s0;
	s1 =	sshll.u32 s1, $0x11  }
0xbb: {  	s0 =	sor.u32 s1, s0  }
0xbc: {  	s0 =	sadd.s32 $0x8F2B, s0  }
0xbd: {  	[sflag:s0] =	ssyncadd.remote.s32 $0x1  }
0xbe: {  	_ =	sfence.sel $0xFFFF  }
0xbf: {  	[dreg:$0x0] =	wrdreg $0xFFFFFFFF;
	(pc) =	sbr.abs _section_cstart, $3  }
0xc0: {  	[dreg:$0x1] =	wrdreg $0xFFFFFFFF  }
0xc1: {  	_ =	task.clear_ibuf [dreg:s7], $0x2FFFF;
	_ =	strace $0x9FFFFFFF  }
0xc2: {  	(tm) =	ssettm $0x7FFFFFFF  }
0xc3: {  	_ =	shalt  }
tec
execute0_lowered:
.L_overlay_start_1:
0x0: {  	(tag) =	ssettag $0x1  }
0x1: {  	s0 =	srdreg.scid;
	s2 =	rddreg [dreg:$0x0]  }
0x2: {  	s1 =	rddreg [dreg:$0x1];
	s5 =	stileid.u32;
	s3 =	simm.s32 $0x0  }
0x3: {  	s11 =	simm.s32 $0xB;
	s13 =	simm.s32 $0x50;
	s14 =	simm.s32 $0xEA60  }
0x4: {  	s15 =	simm.s32 $0xF6E0;
	s16 =	simm.s32 $0xECE0;
	s18 =	simm.s32 $0xF960  }
0x5: {  	s20 =	simm.s32 $0xEF60;
	s22 =	simm.s32 $0xFBE0;
	s29 =	simm.s32 $0xF460  }
0x6: {  	s31 =	simm.s32 $0x100E0;
	s17 =	simm.s32 $0x2;
	s0 =	sand.u32 $0x1, s0  }
0x7: {  	s19 =	simm.s32 $0x7;
	s21 =	simm.s32 $0x3;
	s4 =	sshll.u32 s0, $0x4  }
0x8: {  	s28 =	simm.s32 $0x9;
	s0 =	ssub.s32 $0x2, s0;
	s4 =	sor.u32 s5, s4  }
0x9: {  	s30 =	simm.s32 $0x5;
	s6 =	sshrl.u32 s0, $0x1;
	s4 =	smul.u32 $0x2710, s4  }
0xa: {  	v0 =	vlaneseq.u32;
	[smem:$0x7FF] =	sst s3;
	s23 =	sadd.s32 $0x1A00, s1;
	s0 =	ssub.s32 s0, s6  }
0xb: {  	s1 =	sadd.s32 $0x15400, s1;
	v0 =	vmul.u32 $0x8, v0;
	s0 =	smax.u32 s0, $0x1;
	s4 =	sshrl.u32 s4, $0x3  }
0xc: {  	_ =	strace $0x8000004A;
	[dreg:$0x9] =	wrdreg s0;
	s24 =	sadd.s32 s23, s4  }
0xd: {  	v1 =	vor.u32 $0x1, v0;
	s7 =	sadd.s32 $0x9C40, s4;
	s4 =	sadd.s32 s1, s4;
	[dreg:$0x3] =	wrdreg s24  }
0xe: {  	s12 =	simm.s32 $0xA;
	v2 =	vor.u32 $0x2, v0;
	v3 =	vor.u32 $0x3, v0;
	v4 =	vor.u32 $0x80, v0;
	s5 =	sadd.s32 s23, s7;
	[dreg:$0x5] =	wrdreg s4  }
.Ltmp0:
0xf: {  	v5 =	vor.u32 $0x81, v0;
	v6 =	vor.u32 $0x82, v0;
	v7 =	vor.u32 $0x83, v0;
	s1 =	sadd.s32 s1, s7;
	[dreg:$0x4] =	wrdreg s5;
	(pc) =	sbr.rel .LBB2_1-.Ltmp0, $4  }
0x10: {  	v8 =	vor.u32 $0x100, v0;
	v9 =	vor.u32 $0x101, v0;
	v10 =	vor.u32 $0x102, v0;
	s0 =	simm.s32 $0x1;
	s25 =	sadd.s32 $0x13880, s4;
	[dreg:$0x6] =	wrdreg s1  }
0x11: {  	v11 =	vor.u32 $0x103, v0;
	v12 =	vor.u32 $0x180, v0;
	v13 =	vor.u32 $0x181, v0;
	s26 =	sadd.s32 $0x1D4C0, s4;
	s24 =	simm.s32 $0xF1E0;
	[dreg:$0x7] =	wrdreg s25  }
0x12: {  	v14 =	vor.u32 $0x182, v0;
	v15 =	vor.u32 $0x183, v0;
	v16 =	vor.u32 $0x200, v0;
	s23 =	simm.s32 $0x8;
	s4 =	simm.s32 $0x0;
	[dreg:$0x8] =	wrdreg s26  }
0x13: {  	v17 =	vor.u32 $0x201, v0;
	v18 =	vor.u32 $0x202, v0;
	v19 =	vor.u32 $0x203, v0;
	s26 =	simm.s32 $0xFE60;
	s1 =	simm.s32 $0x6;
	s25 =	simm.s32 $0x4  }
.LBB2_4:
0x14: {  	s5 =	rddreg [dreg:$0x5];
	s6 =	simm.s32 $0x4E20  }
0x15: {  	[hbm4b:s5+s3] =	stream.linear.scatter [tilespmem:s6], [sflag:$0xB], $0x2710, $0x38;
	[tilespmem:$0x10360] =	vst v63  }
0x16: {  	_ =	swait.ge [sflag:s11], $0x2710  }
0x17: {  	[sflag:s11] =	ssyncset.done $0x0  }
0x18: {  	s10 =	simm.s32 $0x7530;
	s9 =	rddreg [dreg:$0x6];
	[sflag:s11] =	ssyncadd.s32 $0xFFFFD8F0  }
0x19: {  	[hbm4b:s9+s3] =	stream.linear.scatter [tilespmem:s10], [sflag:$0xB], $0x2710, $0x38;
	[tilespmem:$0x10360] =	vst v63  }
0x1a: {  	_ =	swait.ge [sflag:s11], $0x2710  }
0x1b: {  	[sflag:s11] =	ssyncset.done $0x0  }
0x1c: {  	s7 =	simm.s32 $0x9C40;
	s6 =	rddreg [dreg:$0x7];
	[sflag:s11] =	ssyncadd.s32 $0xFFFFD8F0  }
0x1d: {  	[hbm4b:s6+s3] =	stream.linear.scatter [tilespmem:s7], [sflag:$0xB], $0x2710, $0x38;
	[tilespmem:$0x10360] =	vst v63  }
0x1e: {  	_ =	swait.ge [sflag:s11], $0x2710  }
0x1f: {  	[sflag:s11] =	ssyncset.done $0x0  }
0x20: {  	s9 =	simm.s32 $0xC350;
	s8 =	rddreg [dreg:$0x8];
	[sflag:s11] =	ssyncadd.s32 $0xFFFFD8F0  }
0x21: {  	[hbm4b:s8+s3] =	stream.linear.scatter [tilespmem:s9], [sflag:$0xB], $0x2710, $0x38;
	[tilespmem:$0x10360] =	vst v63  }
0x22: {  	_ =	swait.ge [sflag:s11], $0x2710  }
0x23: {  	s4 =	sadd.s32 $0x1, s4;
	s10 =	rddreg [dreg:$0x9]  }
0x24: {  	p0 =	sne.s32 s4, s10  }
.Ltmp1:
0x25: {  	_ = 	snop;
	(pc) =	sbr.rel @!p0 .LBB2_5-.Ltmp1, $3  }
0x26: {  	_ =	sdelay $0x1  }
0x27: {  	[sflag:s11] =	ssyncset.done $0x0  }
0x28: {  	[sflag:s11] =	ssyncadd.s32 $0xFFFFD8F0  }
.LBB2_1:
0x29: {  	s5 =	rddreg [dreg:$0x3]  }
0x2a: {  	[tilespmem:s3], [sflag:$0xB] =	stream.linear.gather [hbm4b:s5+s3], $0x2710, $0x38;
	[tilespmem:$0x10360] =	vst v63  }
0x2b: {  	_ =	swait.ge [sflag:s11], $0x2710  }
0x2c: {  	[sflag:s11] =	ssyncset.done $0x0  }
0x2d: {  	s6 =	simm.s32 $0x2710;
	s8 =	rddreg [dreg:$0x4];
	[sflag:s11] =	ssyncadd.s32 $0xFFFFD8F0  }
0x2e: {  	[tilespmem:s6], [sflag:$0xB] =	stream.linear.gather [hbm4b:s8+s3], $0x2710, $0x38;
	[tilespmem:$0x10360] =	vst v63  }
0x2f: {  	_ =	swait.ge [sflag:s11], $0x2710  }
0x30: {  	[sflag:s11] =	ssyncset.done $0x0  }
0x31: {  	[sflag:s11] =	ssyncadd.s32 $0xFFFFD8F0  }
0x32: {  	[tilespmem:s14], [sflag:$0x1] =	stream.indirect.gather [hbm4b:s2+s13], $0x8, s3, s13, $0xb8;
	[tilespmem:$0x10360] =	vst v63  }
0x33: {  	_ = 	snop  }
0x34: {  	[tilespmem:s15], [sflag:$0x6] =	stream.indirect.gather [hbm4b:s2+s13], $0x8, s6, s13, $0xb8;
	[tilespmem:$0x10360] =	vst v63  }
0x35: {  	_ = 	snop  }
0x36: {  	[tilespmem:s16], [sflag:$0x2] =	stream.indirect.gather [hbm4b:s2+s13], $0x8, s13, s13, $0xb8;
	[tilespmem:$0x10360] =	vst v63  }
0x37: {  	s9 =	simm.s32 $0x2760  }
0x38: {  	[tilespmem:s18], [sflag:$0x7] =	stream.indirect.gather [hbm4b:s2+s13], $0x8, s9, s13, $0xb8;
	[tilespmem:$0x10360] =	vst v63  }
0x39: {  	s10 =	simm.s32 $0xA0  }
0x3a: {  	[tilespmem:s20], [sflag:$0x3] =	stream.indirect.gather [hbm4b:s2+s13], $0x8, s10, s13, $0xb8;
	[tilespmem:$0x10360] =	vst v63  }
0x3b: {  	s6 =	simm.s32 $0x27B0  }
0x3c: {  	[tilespmem:s22], [sflag:$0x8] =	stream.indirect.gather [hbm4b:s2+s13], $0x8, s6, s13, $0xb8;
	[tilespmem:$0x10360] =	vst v63  }
0x3d: {  	s7 =	simm.s32 $0xF0  }
0x3e: {  	[tilespmem:s24], [sflag:$0x4] =	stream.indirect.gather [hbm4b:s2+s13], $0x8, s7, s13, $0xb8;
	[tilespmem:$0x10360] =	vst v63  }
0x3f: {  	s8 =	simm.s32 $0x2800  }
0x40: {  	[tilespmem:s26], [sflag:$0x9] =	stream.indirect.gather [hbm4b:s2+s13], $0x8, s8, s13, $0xb8;
	[tilespmem:$0x10360] =	vst v63  }
0x41: {  	s9 =	simm.s32 $0x140  }
0x42: {  	[tilespmem:s29], [sflag:$0x5] =	stream.indirect.gather [hbm4b:s2+s13], $0x8, s9, s13, $0xb8;
	[tilespmem:$0x10360] =	vst v63  }
0x43: {  	s5 =	simm.s32 $0x0;
	s10 =	simm.s32 $0x2850  }
0x44: {  	[tilespmem:s31], [sflag:$0xA] =	stream.indirect.gather [hbm4b:s2+s13], $0x8, s10, s13, $0xb8;
	[tilespmem:$0x10360] =	vst v63  }
.LBB2_2:
0x45: {  	_ =	swait.ge [sflag:s0], $0x280  }
0x46: {  	[sflag:s0] =	ssyncset.done $0x0  }
0x47: {  	[sflag:s0] =	ssyncadd.s32 $0xFFFFFD80  }
0x48: {  	_ =	swait.ge [sflag:s1], $0x280  }
0x49: {  	[sflag:s1] =	ssyncset.done $0x0  }
0x4a: {  	[sflag:s1] =	ssyncadd.s32 $0xFFFFFD80  }
0x4b: {  	v20 =	vld.idx.msk [tilespmem:v0+s14+$0x0], $0xffff  }
0x4c: {  	v21 =	vld.idx.msk [tilespmem:v1+s14+$0x0], $0xffff  }
0x4d: {  	v22 =	vld.idx.msk [tilespmem:v2+s14+$0x0], $0xffff  }
0x4e: {  	v23 =	vld.idx.msk [tilespmem:v1+s15+$0x0], $0xffff  }
0x4f: {  	v24 =	vld.idx.msk [tilespmem:v2+s15+$0x0], $0xffff  }
0x50: {  	v26 =	vld.idx.msk [tilespmem:v3+s14+$0x0], $0xffff  }
0x51: {  	v25 =	vld.idx.msk [tilespmem:v0+s15+$0x0], $0xffff;
	_ =	sdelay $0x2  }
0x52: {  	s7 =	sshra.s32 s5, $0x2;
	v21 =	vsub.f32 v23, v21  }
0x53: {  	v22 =	vsub.f32 v24, v22;
	[tilespmem:s7+$0xC350] =	vst v26  }
0x54: {  	v20 =	vsub.f32 v25, v20;
	[tilespmem:s7+$0x4E20] =	vst v21  }
0x55: {  	[tilespmem:s7+$0x7530] =	vst v22  }
0x56: {  	[tilespmem:s7+$0x9C40] =	vst v20  }
0x57: {  	v20 =	vld.idx.msk [tilespmem:v4+s14+$0x0], $0xffff  }
0x58: {  	v21 =	vld.idx.msk [tilespmem:v5+s14+$0x0], $0xffff  }
0x59: {  	v22 =	vld.idx.msk [tilespmem:v6+s14+$0x0], $0xffff  }
0x5a: {  	v52 =	vld.idx.msk [tilespmem:v5+s15+$0x0], $0xffff  }
0x5b: {  	v53 =	vld.idx.msk [tilespmem:v6+s15+$0x0], $0xffff  }
0x5c: {  	v26 =	vld.idx.msk [tilespmem:v7+s14+$0x0], $0xffff  }
0x5d: {  	v54 =	vld.idx.msk [tilespmem:v4+s15+$0x0], $0xffff;
	_ =	sdelay $0x2  }
0x5e: {  	v21 =	vsub.f32 v52, v21  }
0x5f: {  	v22 =	vsub.f32 v53, v22;
	[tilespmem:s7+$0xC360] =	vst v26  }
0x60: {  	v20 =	vsub.f32 v54, v20;
	[tilespmem:s7+$0x4E30] =	vst v21  }
0x61: {  	[tilespmem:s7+$0x7540] =	vst v22  }
0x62: {  	[tilespmem:s7+$0x9C50] =	vst v20  }
0x63: {  	v20 =	vld.idx.msk [tilespmem:v8+s14+$0x0], $0xffff  }
0x64: {  	v21 =	vld.idx.msk [tilespmem:v9+s14+$0x0], $0xffff  }
0x65: {  	v22 =	vld.idx.msk [tilespmem:v10+s14+$0x0], $0xffff  }
0x66: {  	v55 =	vld.idx.msk [tilespmem:v9+s15+$0x0], $0xffff  }
0x67: {  	v56 =	vld.idx.msk [tilespmem:v10+s15+$0x0], $0xffff  }
0x68: {  	v26 =	vld.idx.msk [tilespmem:v11+s14+$0x0], $0xffff  }
0x69: {  	v57 =	vld.idx.msk [tilespmem:v8+s15+$0x0], $0xffff;
	_ =	sdelay $0x2  }
0x6a: {  	v21 =	vsub.f32 v55, v21  }
0x6b: {  	v22 =	vsub.f32 v56, v22;
	[tilespmem:s7+$0xC370] =	vst v26  }
0x6c: {  	v20 =	vsub.f32 v57, v20;
	[tilespmem:s7+$0x4E40] =	vst v21  }
0x6d: {  	[tilespmem:s7+$0x7550] =	vst v22  }
0x6e: {  	[tilespmem:s7+$0x9C60] =	vst v20  }
0x6f: {  	v20 =	vld.idx.msk [tilespmem:v12+s14+$0x0], $0xffff  }
0x70: {  	v21 =	vld.idx.msk [tilespmem:v13+s14+$0x0], $0xffff  }
0x71: {  	v22 =	vld.idx.msk [tilespmem:v14+s14+$0x0], $0xffff  }
0x72: {  	v58 =	vld.idx.msk [tilespmem:v13+s15+$0x0], $0xffff  }
0x73: {  	v59 =	vld.idx.msk [tilespmem:v14+s15+$0x0], $0xffff  }
0x74: {  	v26 =	vld.idx.msk [tilespmem:v15+s14+$0x0], $0xffff  }
0x75: {  	v60 =	vld.idx.msk [tilespmem:v12+s15+$0x0], $0xffff;
	_ =	sdelay $0x2  }
0x76: {  	v21 =	vsub.f32 v58, v21  }
0x77: {  	v22 =	vsub.f32 v59, v22;
	[tilespmem:s7+$0xC380] =	vst v26  }
0x78: {  	v20 =	vsub.f32 v60, v20;
	[tilespmem:s7+$0x4E50] =	vst v21  }
0x79: {  	[tilespmem:s7+$0x7560] =	vst v22  }
0x7a: {  	[tilespmem:s7+$0x9C70] =	vst v20  }
0x7b: {  	v20 =	vld.idx.msk [tilespmem:v16+s14+$0x0], $0xffff  }
0x7c: {  	v21 =	vld.idx.msk [tilespmem:v17+s14+$0x0], $0xffff  }
0x7d: {  	v22 =	vld.idx.msk [tilespmem:v18+s14+$0x0], $0xffff  }
0x7e: {  	v61 =	vld.idx.msk [tilespmem:v17+s15+$0x0], $0xffff  }
0x7f: {  	v62 =	vld.idx.msk [tilespmem:v18+s15+$0x0], $0xffff  }
0x80: {  	v26 =	vld.idx.msk [tilespmem:v19+s14+$0x0], $0xffff  }
0x81: {  	v63 =	vld.idx.msk [tilespmem:v16+s15+$0x0], $0xffff;
	_ =	sdelay $0x2  }
0x82: {  	v21 =	vsub.f32 v61, v21  }
0x83: {  	v22 =	vsub.f32 v62, v22;
	[tilespmem:s7+$0xC390] =	vst v26  }
0x84: {  	p0 =	seq.s32 s5, $0x9600;
	v20 =	vsub.f32 v63, v20;
	[tilespmem:s7+$0x4E60] =	vst v21  }
0x85: {  	s8 =	sshra.s32 @!p0 s5, $0x2;
	[tilespmem:s7+$0x7570] =	vst v22  }
0x86: {  	s9 =	simm.s32 @!p0 $0x50;
	s6 =	simm.s32 @!p0 $0xEA60;
	s10 =	sadd.s32 @!p0 $0x190, s8;
	[tilespmem:s7+$0x9C80] =	vst v20  }
0x87: {  	[tilespmem:s6], [sflag:$0x1] =	stream.indirect.gather @!p0 [hbm4b:s2+s9], $0x8, s10, s9, $0xb8;
	[tilespmem:$0x10360] =	vst v63  }
0x88: {  	s6 =	sadd.s32 @!p0 $0x28A0, s8;
	s10 =	simm.s32 @!p0 $0xF6E0  }
0x89: {  	[tilespmem:s10], [sflag:$0x6] =	stream.indirect.gather @!p0 [hbm4b:s2+s9], $0x8, s6, s9, $0xb8;
	[tilespmem:$0x10360] =	vst v63  }
0x8a: {  	_ =	swait.ge [sflag:s17], $0x280  }
0x8b: {  	[sflag:s17] =	ssyncset.done $0x0  }
0x8c: {  	[sflag:s17] =	ssyncadd.s32 $0xFFFFFD80  }
0x8d: {  	_ =	swait.ge [sflag:s19], $0x280  }
0x8e: {  	[sflag:s19] =	ssyncset.done $0x0  }
0x8f: {  	[sflag:s19] =	ssyncadd.s32 $0xFFFFFD80  }
0x90: {  	v20 =	vld.idx.msk [tilespmem:v0+s16+$0x0], $0xffff  }
0x91: {  	v28 =	vld.idx.msk [tilespmem:v1+s16+$0x0], $0xffff  }
0x92: {  	v29 =	vld.idx.msk [tilespmem:v2+s16+$0x0], $0xffff  }
0x93: {  	v30 =	vld.idx.msk [tilespmem:v1+s18+$0x0], $0xffff  }
0x94: {  	v31 =	vld.idx.msk [tilespmem:v2+s18+$0x0], $0xffff  }
0x95: {  	v33 =	vld.idx.msk [tilespmem:v3+s16+$0x0], $0xffff  }
0x96: {  	v32 =	vld.idx.msk [tilespmem:v0+s18+$0x0], $0xffff;
	_ =	sdelay $0x2  }
0x97: {  	v21 =	vsub.f32 v30, v28  }
0x98: {  	v22 =	vsub.f32 v31, v29;
	[tilespmem:s7+$0xC3A0] =	vst v33  }
0x99: {  	v20 =	vsub.f32 v32, v20;
	[tilespmem:s7+$0x4E70] =	vst v21  }
0x9a: {  	[tilespmem:s7+$0x7580] =	vst v22  }
0x9b: {  	[tilespmem:s7+$0x9C90] =	vst v20  }
0x9c: {  	v20 =	vld.idx.msk [tilespmem:v4+s16+$0x0], $0xffff  }
0x9d: {  	v21 =	vld.idx.msk [tilespmem:v5+s16+$0x0], $0xffff  }
0x9e: {  	v22 =	vld.idx.msk [tilespmem:v6+s16+$0x0], $0xffff  }
0x9f: {  	v34 =	vld.idx.msk [tilespmem:v5+s18+$0x0], $0xffff  }
0xa0: {  	v35 =	vld.idx.msk [tilespmem:v6+s18+$0x0], $0xffff  }
0xa1: {  	v26 =	vld.idx.msk [tilespmem:v7+s16+$0x0], $0xffff  }
0xa2: {  	v36 =	vld.idx.msk [tilespmem:v4+s18+$0x0], $0xffff;
	_ =	sdelay $0x2  }
0xa3: {  	v21 =	vsub.f32 v34, v21  }
0xa4: {  	v22 =	vsub.f32 v35, v22;
	[tilespmem:s7+$0xC3B0] =	vst v26  }
0xa5: {  	v20 =	vsub.f32 v36, v20;
	[tilespmem:s7+$0x4E80] =	vst v21  }
0xa6: {  	[tilespmem:s7+$0x7590] =	vst v22  }
0xa7: {  	[tilespmem:s7+$0x9CA0] =	vst v20  }
0xa8: {  	v20 =	vld.idx.msk [tilespmem:v8+s16+$0x0], $0xffff  }
0xa9: {  	v21 =	vld.idx.msk [tilespmem:v9+s16+$0x0], $0xffff  }
0xaa: {  	v22 =	vld.idx.msk [tilespmem:v10+s16+$0x0], $0xffff  }
0xab: {  	v37 =	vld.idx.msk [tilespmem:v9+s18+$0x0], $0xffff  }
0xac: {  	v38 =	vld.idx.msk [tilespmem:v10+s18+$0x0], $0xffff  }
0xad: {  	v26 =	vld.idx.msk [tilespmem:v11+s16+$0x0], $0xffff  }
0xae: {  	v39 =	vld.idx.msk [tilespmem:v8+s18+$0x0], $0xffff;
	_ =	sdelay $0x2  }
0xaf: {  	v21 =	vsub.f32 v37, v21  }
0xb0: {  	v22 =	vsub.f32 v38, v22;
	[tilespmem:s7+$0xC3C0] =	vst v26  }
0xb1: {  	v20 =	vsub.f32 v39, v20;
	[tilespmem:s7+$0x4E90] =	vst v21  }
0xb2: {  	[tilespmem:s7+$0x75A0] =	vst v22  }
0xb3: {  	[tilespmem:s7+$0x9CB0] =	vst v20  }
0xb4: {  	v20 =	vld.idx.msk [tilespmem:v12+s16+$0x0], $0xffff  }
0xb5: {  	v21 =	vld.idx.msk [tilespmem:v13+s16+$0x0], $0xffff  }
0xb6: {  	v22 =	vld.idx.msk [tilespmem:v14+s16+$0x0], $0xffff  }
0xb7: {  	v40 =	vld.idx.msk [tilespmem:v13+s18+$0x0], $0xffff  }
0xb8: {  	v41 =	vld.idx.msk [tilespmem:v14+s18+$0x0], $0xffff  }
0xb9: {  	v26 =	vld.idx.msk [tilespmem:v15+s16+$0x0], $0xffff  }
0xba: {  	v42 =	vld.idx.msk [tilespmem:v12+s18+$0x0], $0xffff;
	_ =	sdelay $0x2  }
0xbb: {  	v21 =	vsub.f32 v40, v21  }
0xbc: {  	v22 =	vsub.f32 v41, v22;
	[tilespmem:s7+$0xC3D0] =	vst v26  }
0xbd: {  	v20 =	vsub.f32 v42, v20;
	[tilespmem:s7+$0x4EA0] =	vst v21  }
0xbe: {  	[tilespmem:s7+$0x75B0] =	vst v22  }
0xbf: {  	[tilespmem:s7+$0x9CC0] =	vst v20  }
0xc0: {  	v20 =	vld.idx.msk [tilespmem:v16+s16+$0x0], $0xffff  }
0xc1: {  	v21 =	vld.idx.msk [tilespmem:v17+s16+$0x0], $0xffff  }
0xc2: {  	v22 =	vld.idx.msk [tilespmem:v18+s16+$0x0], $0xffff  }
0xc3: {  	v43 =	vld.idx.msk [tilespmem:v17+s18+$0x0], $0xffff  }
0xc4: {  	v44 =	vld.idx.msk [tilespmem:v18+s18+$0x0], $0xffff  }
0xc5: {  	v26 =	vld.idx.msk [tilespmem:v19+s16+$0x0], $0xffff  }
0xc6: {  	v45 =	vld.idx.msk [tilespmem:v16+s18+$0x0], $0xffff;
	_ =	sdelay $0x2  }
0xc7: {  	v21 =	vsub.f32 v43, v21  }
0xc8: {  	v22 =	vsub.f32 v44, v22;
	[tilespmem:s7+$0xC3E0] =	vst v26  }
0xc9: {  	v20 =	vsub.f32 v45, v20;
	[tilespmem:s7+$0x4EB0] =	vst v21  }
0xca: {  	[tilespmem:s7+$0x75C0] =	vst v22  }
0xcb: {  	s6 =	sadd.s32 @!p0 $0x1E0, s8;
	s10 =	simm.s32 @!p0 $0xECE0;
	[tilespmem:s7+$0x9CD0] =	vst v20  }
0xcc: {  	[tilespmem:s10], [sflag:$0x2] =	stream.indirect.gather @!p0 [hbm4b:s2+s9], $0x8, s6, s9, $0xb8;
	[tilespmem:$0x10360] =	vst v63  }
0xcd: {  	s6 =	sadd.s32 @!p0 $0x28F0, s8;
	s10 =	simm.s32 @!p0 $0xF960  }
0xce: {  	[tilespmem:s10], [sflag:$0x7] =	stream.indirect.gather @!p0 [hbm4b:s2+s9], $0x8, s6, s9, $0xb8;
	[tilespmem:$0x10360] =	vst v63  }
0xcf: {  	_ =	swait.ge [sflag:s21], $0x280  }
0xd0: {  	[sflag:s21] =	ssyncset.done $0x0  }
0xd1: {  	[sflag:s21] =	ssyncadd.s32 $0xFFFFFD80  }
0xd2: {  	_ =	swait.ge [sflag:s23], $0x280  }
0xd3: {  	[sflag:s23] =	ssyncset.done $0x0  }
0xd4: {  	[sflag:s23] =	ssyncadd.s32 $0xFFFFFD80  }
0xd5: {  	v20 =	vld.idx.msk [tilespmem:v0+s20+$0x0], $0xffff  }
0xd6: {  	v46 =	vld.idx.msk [tilespmem:v1+s20+$0x0], $0xffff  }
0xd7: {  	v47 =	vld.idx.msk [tilespmem:v2+s20+$0x0], $0xffff  }
0xd8: {  	v48 =	vld.idx.msk [tilespmem:v1+s22+$0x0], $0xffff  }
0xd9: {  	v49 =	vld.idx.msk [tilespmem:v2+s22+$0x0], $0xffff  }
0xda: {  	v51 =	vld.idx.msk [tilespmem:v3+s20+$0x0], $0xffff  }
0xdb: {  	v50 =	vld.idx.msk [tilespmem:v0+s22+$0x0], $0xffff;
	_ =	sdelay $0x2  }
0xdc: {  	v21 =	vsub.f32 v48, v46  }
0xdd: {  	v22 =	vsub.f32 v49, v47;
	[tilespmem:s7+$0xC3F0] =	vst v51  }
0xde: {  	v20 =	vsub.f32 v50, v20;
	[tilespmem:s7+$0x4EC0] =	vst v21  }
0xdf: {  	[tilespmem:s7+$0x75D0] =	vst v22  }
0xe0: {  	[tilespmem:s7+$0x9CE0] =	vst v20  }
0xe1: {  	v20 =	vld.idx.msk [tilespmem:v4+s20+$0x0], $0xffff  }
0xe2: {  	v21 =	vld.idx.msk [tilespmem:v5+s20+$0x0], $0xffff  }
0xe3: {  	v22 =	vld.idx.msk [tilespmem:v6+s20+$0x0], $0xffff  }
0xe4: {  	v52 =	vld.idx.msk [tilespmem:v5+s22+$0x0], $0xffff  }
0xe5: {  	v53 =	vld.idx.msk [tilespmem:v6+s22+$0x0], $0xffff  }
0xe6: {  	v26 =	vld.idx.msk [tilespmem:v7+s20+$0x0], $0xffff  }
0xe7: {  	v54 =	vld.idx.msk [tilespmem:v4+s22+$0x0], $0xffff;
	_ =	sdelay $0x2  }
0xe8: {  	v21 =	vsub.f32 v52, v21  }
0xe9: {  	v22 =	vsub.f32 v53, v22;
	[tilespmem:s7+$0xC400] =	vst v26  }
0xea: {  	v20 =	vsub.f32 v54, v20;
	[tilespmem:s7+$0x4ED0] =	vst v21  }
0xeb: {  	[tilespmem:s7+$0x75E0] =	vst v22  }
0xec: {  	[tilespmem:s7+$0x9CF0] =	vst v20  }
0xed: {  	v20 =	vld.idx.msk [tilespmem:v8+s20+$0x0], $0xffff  }
0xee: {  	v21 =	vld.idx.msk [tilespmem:v9+s20+$0x0], $0xffff  }
0xef: {  	v22 =	vld.idx.msk [tilespmem:v10+s20+$0x0], $0xffff  }
0xf0: {  	v55 =	vld.idx.msk [tilespmem:v9+s22+$0x0], $0xffff  }
0xf1: {  	v56 =	vld.idx.msk [tilespmem:v10+s22+$0x0], $0xffff  }
0xf2: {  	v26 =	vld.idx.msk [tilespmem:v11+s20+$0x0], $0xffff  }
0xf3: {  	v57 =	vld.idx.msk [tilespmem:v8+s22+$0x0], $0xffff;
	_ =	sdelay $0x2  }
0xf4: {  	v21 =	vsub.f32 v55, v21  }
0xf5: {  	v22 =	vsub.f32 v56, v22;
	[tilespmem:s7+$0xC410] =	vst v26  }
0xf6: {  	v20 =	vsub.f32 v57, v20;
	[tilespmem:s7+$0x4EE0] =	vst v21  }
0xf7: {  	[tilespmem:s7+$0x75F0] =	vst v22  }
0xf8: {  	[tilespmem:s7+$0x9D00] =	vst v20  }
0xf9: {  	v20 =	vld.idx.msk [tilespmem:v12+s20+$0x0], $0xffff  }
0xfa: {  	v21 =	vld.idx.msk [tilespmem:v13+s20+$0x0], $0xffff  }
0xfb: {  	v22 =	vld.idx.msk [tilespmem:v14+s20+$0x0], $0xffff  }
0xfc: {  	v58 =	vld.idx.msk [tilespmem:v13+s22+$0x0], $0xffff  }
0xfd: {  	v59 =	vld.idx.msk [tilespmem:v14+s22+$0x0], $0xffff  }
0xfe: {  	v26 =	vld.idx.msk [tilespmem:v15+s20+$0x0], $0xffff  }
0xff: {  	v60 =	vld.idx.msk [tilespmem:v12+s22+$0x0], $0xffff;
	_ =	sdelay $0x2  }
0x100: {  	v21 =	vsub.f32 v58, v21  }
0x101: {  	v22 =	vsub.f32 v59, v22;
	[tilespmem:s7+$0xC420] =	vst v26  }
0x102: {  	v20 =	vsub.f32 v60, v20;
	[tilespmem:s7+$0x4EF0] =	vst v21  }
0x103: {  	[tilespmem:s7+$0x7600] =	vst v22  }
0x104: {  	[tilespmem:s7+$0x9D10] =	vst v20  }
0x105: {  	v20 =	vld.idx.msk [tilespmem:v16+s20+$0x0], $0xffff  }
0x106: {  	v21 =	vld.idx.msk [tilespmem:v17+s20+$0x0], $0xffff  }
0x107: {  	v22 =	vld.idx.msk [tilespmem:v18+s20+$0x0], $0xffff  }
0x108: {  	v61 =	vld.idx.msk [tilespmem:v17+s22+$0x0], $0xffff  }
0x109: {  	v62 =	vld.idx.msk [tilespmem:v18+s22+$0x0], $0xffff  }
0x10a: {  	v26 =	vld.idx.msk [tilespmem:v19+s20+$0x0], $0xffff  }
0x10b: {  	v63 =	vld.idx.msk [tilespmem:v16+s22+$0x0], $0xffff;
	_ =	sdelay $0x2  }
0x10c: {  	v21 =	vsub.f32 v61, v21  }
0x10d: {  	v22 =	vsub.f32 v62, v22;
	[tilespmem:s7+$0xC430] =	vst v26  }
0x10e: {  	v20 =	vsub.f32 v63, v20;
	[tilespmem:s7+$0x4F00] =	vst v21  }
0x10f: {  	[tilespmem:s7+$0x7610] =	vst v22  }
0x110: {  	s6 =	sadd.s32 @!p0 $0x230, s8;
	s10 =	simm.s32 @!p0 $0xEF60;
	[tilespmem:s7+$0x9D20] =	vst v20  }
0x111: {  	[tilespmem:s10], [sflag:$0x3] =	stream.indirect.gather @!p0 [hbm4b:s2+s9], $0x8, s6, s9, $0xb8;
	[tilespmem:$0x10360] =	vst v63  }
0x112: {  	s6 =	sadd.s32 @!p0 $0x2940, s8;
	s10 =	simm.s32 @!p0 $0xFBE0  }
0x113: {  	[tilespmem:s10], [sflag:$0x8] =	stream.indirect.gather @!p0 [hbm4b:s2+s9], $0x8, s6, s9, $0xb8;
	[tilespmem:$0x10360] =	vst v63  }
0x114: {  	_ =	swait.ge [sflag:s25], $0x280  }
0x115: {  	[sflag:s25] =	ssyncset.done $0x0  }
0x116: {  	[sflag:s25] =	ssyncadd.s32 $0xFFFFFD80  }
0x117: {  	_ =	swait.ge [sflag:s28], $0x280  }
0x118: {  	[sflag:s28] =	ssyncset.done $0x0  }
0x119: {  	[sflag:s28] =	ssyncadd.s32 $0xFFFFFD80  }
0x11a: {  	v20 =	vld.idx.msk [tilespmem:v0+s24+$0x0], $0xffff  }
0x11b: {  	v28 =	vld.idx.msk [tilespmem:v1+s24+$0x0], $0xffff  }
0x11c: {  	v29 =	vld.idx.msk [tilespmem:v2+s24+$0x0], $0xffff  }
0x11d: {  	v30 =	vld.idx.msk [tilespmem:v1+s26+$0x0], $0xffff  }
0x11e: {  	v31 =	vld.idx.msk [tilespmem:v2+s26+$0x0], $0xffff  }
0x11f: {  	v33 =	vld.idx.msk [tilespmem:v3+s24+$0x0], $0xffff  }
0x120: {  	v32 =	vld.idx.msk [tilespmem:v0+s26+$0x0], $0xffff;
	_ =	sdelay $0x2  }
0x121: {  	v21 =	vsub.f32 v30, v28  }
0x122: {  	v22 =	vsub.f32 v31, v29;
	[tilespmem:s7+$0xC440] =	vst v33  }
0x123: {  	v20 =	vsub.f32 v32, v20;
	[tilespmem:s7+$0x4F10] =	vst v21  }
0x124: {  	[tilespmem:s7+$0x7620] =	vst v22  }
0x125: {  	[tilespmem:s7+$0x9D30] =	vst v20  }
0x126: {  	v20 =	vld.idx.msk [tilespmem:v4+s24+$0x0], $0xffff  }
0x127: {  	v21 =	vld.idx.msk [tilespmem:v5+s24+$0x0], $0xffff  }
0x128: {  	v22 =	vld.idx.msk [tilespmem:v6+s24+$0x0], $0xffff  }
0x129: {  	v34 =	vld.idx.msk [tilespmem:v5+s26+$0x0], $0xffff  }
0x12a: {  	v35 =	vld.idx.msk [tilespmem:v6+s26+$0x0], $0xffff  }
0x12b: {  	v26 =	vld.idx.msk [tilespmem:v7+s24+$0x0], $0xffff  }
0x12c: {  	v36 =	vld.idx.msk [tilespmem:v4+s26+$0x0], $0xffff;
	_ =	sdelay $0x2  }
0x12d: {  	v21 =	vsub.f32 v34, v21  }
0x12e: {  	v22 =	vsub.f32 v35, v22;
	[tilespmem:s7+$0xC450] =	vst v26  }
0x12f: {  	v20 =	vsub.f32 v36, v20;
	[tilespmem:s7+$0x4F20] =	vst v21  }
0x130: {  	[tilespmem:s7+$0x7630] =	vst v22  }
0x131: {  	[tilespmem:s7+$0x9D40] =	vst v20  }
0x132: {  	v20 =	vld.idx.msk [tilespmem:v8+s24+$0x0], $0xffff  }
0x133: {  	v21 =	vld.idx.msk [tilespmem:v9+s24+$0x0], $0xffff  }
0x134: {  	v22 =	vld.idx.msk [tilespmem:v10+s24+$0x0], $0xffff  }
0x135: {  	v37 =	vld.idx.msk [tilespmem:v9+s26+$0x0], $0xffff  }
0x136: {  	v38 =	vld.idx.msk [tilespmem:v10+s26+$0x0], $0xffff  }
0x137: {  	v26 =	vld.idx.msk [tilespmem:v11+s24+$0x0], $0xffff  }
0x138: {  	v39 =	vld.idx.msk [tilespmem:v8+s26+$0x0], $0xffff;
	_ =	sdelay $0x2  }
0x139: {  	v21 =	vsub.f32 v37, v21  }
0x13a: {  	v22 =	vsub.f32 v38, v22;
	[tilespmem:s7+$0xC460] =	vst v26  }
0x13b: {  	v20 =	vsub.f32 v39, v20;
	[tilespmem:s7+$0x4F30] =	vst v21  }
0x13c: {  	[tilespmem:s7+$0x7640] =	vst v22  }
0x13d: {  	[tilespmem:s7+$0x9D50] =	vst v20  }
0x13e: {  	v20 =	vld.idx.msk [tilespmem:v12+s24+$0x0], $0xffff  }
0x13f: {  	v21 =	vld.idx.msk [tilespmem:v13+s24+$0x0], $0xffff  }
0x140: {  	v22 =	vld.idx.msk [tilespmem:v14+s24+$0x0], $0xffff  }
0x141: {  	v40 =	vld.idx.msk [tilespmem:v13+s26+$0x0], $0xffff  }
0x142: {  	v41 =	vld.idx.msk [tilespmem:v14+s26+$0x0], $0xffff  }
0x143: {  	v26 =	vld.idx.msk [tilespmem:v15+s24+$0x0], $0xffff  }
0x144: {  	v42 =	vld.idx.msk [tilespmem:v12+s26+$0x0], $0xffff;
	_ =	sdelay $0x2  }
0x145: {  	v21 =	vsub.f32 v40, v21  }
0x146: {  	v22 =	vsub.f32 v41, v22;
	[tilespmem:s7+$0xC470] =	vst v26  }
0x147: {  	v20 =	vsub.f32 v42, v20;
	[tilespmem:s7+$0x4F40] =	vst v21  }
0x148: {  	[tilespmem:s7+$0x7650] =	vst v22  }
0x149: {  	[tilespmem:s7+$0x9D60] =	vst v20  }
0x14a: {  	v20 =	vld.idx.msk [tilespmem:v16+s24+$0x0], $0xffff  }
0x14b: {  	v21 =	vld.idx.msk [tilespmem:v17+s24+$0x0], $0xffff  }
0x14c: {  	v22 =	vld.idx.msk [tilespmem:v18+s24+$0x0], $0xffff  }
0x14d: {  	v43 =	vld.idx.msk [tilespmem:v17+s26+$0x0], $0xffff  }
0x14e: {  	v44 =	vld.idx.msk [tilespmem:v18+s26+$0x0], $0xffff  }
0x14f: {  	v26 =	vld.idx.msk [tilespmem:v19+s24+$0x0], $0xffff  }
0x150: {  	v45 =	vld.idx.msk [tilespmem:v16+s26+$0x0], $0xffff;
	_ =	sdelay $0x2  }
0x151: {  	v21 =	vsub.f32 v43, v21  }
0x152: {  	v22 =	vsub.f32 v44, v22;
	[tilespmem:s7+$0xC480] =	vst v26  }
0x153: {  	v20 =	vsub.f32 v45, v20;
	[tilespmem:s7+$0x4F50] =	vst v21  }
0x154: {  	[tilespmem:s7+$0x7660] =	vst v22  }
0x155: {  	s6 =	sadd.s32 @!p0 $0x280, s8;
	s10 =	simm.s32 @!p0 $0xF1E0;
	[tilespmem:s7+$0x9D70] =	vst v20  }
0x156: {  	[tilespmem:s10], [sflag:$0x4] =	stream.indirect.gather @!p0 [hbm4b:s2+s9], $0x8, s6, s9, $0xb8;
	[tilespmem:$0x10360] =	vst v63  }
0x157: {  	s6 =	sadd.s32 @!p0 $0x2990, s8;
	s8 =	simm.s32 @!p0 $0xFE60  }
0x158: {  	[tilespmem:s8], [sflag:$0x9] =	stream.indirect.gather @!p0 [hbm4b:s2+s9], $0x8, s6, s9, $0xb8;
	[tilespmem:$0x10360] =	vst v63  }
0x159: {  	_ =	swait.ge [sflag:s30], $0x280  }
0x15a: {  	[sflag:s30] =	ssyncset.done $0x0  }
0x15b: {  	[sflag:s30] =	ssyncadd.s32 $0xFFFFFD80  }
0x15c: {  	_ =	swait.ge [sflag:s12], $0x280  }
0x15d: {  	[sflag:s12] =	ssyncset.done $0x0  }
0x15e: {  	[sflag:s12] =	ssyncadd.s32 $0xFFFFFD80  }
0x15f: {  	v20 =	vld.idx.msk [tilespmem:v0+s29+$0x0], $0xffff  }
0x160: {  	v46 =	vld.idx.msk [tilespmem:v1+s29+$0x0], $0xffff  }
0x161: {  	v47 =	vld.idx.msk [tilespmem:v2+s29+$0x0], $0xffff  }
0x162: {  	v48 =	vld.idx.msk [tilespmem:v1+s31+$0x0], $0xffff  }
0x163: {  	v49 =	vld.idx.msk [tilespmem:v2+s31+$0x0], $0xffff  }
0x164: {  	v51 =	vld.idx.msk [tilespmem:v3+s29+$0x0], $0xffff  }
0x165: {  	v50 =	vld.idx.msk [tilespmem:v0+s31+$0x0], $0xffff;
	_ =	sdelay $0x2  }
0x166: {  	v21 =	vsub.f32 v48, v46  }
0x167: {  	v22 =	vsub.f32 v49, v47;
	[tilespmem:s7+$0xC490] =	vst v51  }
0x168: {  	v20 =	vsub.f32 v50, v20;
	[tilespmem:s7+$0x4F60] =	vst v21  }
0x169: {  	[tilespmem:s7+$0x7670] =	vst v22  }
0x16a: {  	[tilespmem:s7+$0x9D80] =	vst v20  }
0x16b: {  	v20 =	vld.idx.msk [tilespmem:v4+s29+$0x0], $0xffff  }
0x16c: {  	v21 =	vld.idx.msk [tilespmem:v5+s29+$0x0], $0xffff  }
0x16d: {  	v22 =	vld.idx.msk [tilespmem:v6+s29+$0x0], $0xffff  }
0x16e: {  	v52 =	vld.idx.msk [tilespmem:v5+s31+$0x0], $0xffff  }
0x16f: {  	v53 =	vld.idx.msk [tilespmem:v6+s31+$0x0], $0xffff  }
0x170: {  	v26 =	vld.idx.msk [tilespmem:v7+s29+$0x0], $0xffff  }
0x171: {  	v54 =	vld.idx.msk [tilespmem:v4+s31+$0x0], $0xffff;
	_ =	sdelay $0x2  }
0x172: {  	v21 =	vsub.f32 v52, v21  }
0x173: {  	v22 =	vsub.f32 v53, v22;
	[tilespmem:s7+$0xC4A0] =	vst v26  }
0x174: {  	v20 =	vsub.f32 v54, v20;
	[tilespmem:s7+$0x4F70] =	vst v21  }
0x175: {  	[tilespmem:s7+$0x7680] =	vst v22  }
0x176: {  	[tilespmem:s7+$0x9D90] =	vst v20  }
0x177: {  	v20 =	vld.idx.msk [tilespmem:v8+s29+$0x0], $0xffff  }
0x178: {  	v21 =	vld.idx.msk [tilespmem:v9+s29+$0x0], $0xffff  }
0x179: {  	v22 =	vld.idx.msk [tilespmem:v10+s29+$0x0], $0xffff  }
0x17a: {  	v55 =	vld.idx.msk [tilespmem:v9+s31+$0x0], $0xffff  }
0x17b: {  	v56 =	vld.idx.msk [tilespmem:v10+s31+$0x0], $0xffff  }
0x17c: {  	v26 =	vld.idx.msk [tilespmem:v11+s29+$0x0], $0xffff  }
0x17d: {  	v57 =	vld.idx.msk [tilespmem:v8+s31+$0x0], $0xffff;
	_ =	sdelay $0x2  }
0x17e: {  	v21 =	vsub.f32 v55, v21  }
0x17f: {  	v22 =	vsub.f32 v56, v22;
	[tilespmem:s7+$0xC4B0] =	vst v26  }
0x180: {  	v20 =	vsub.f32 v57, v20;
	[tilespmem:s7+$0x4F80] =	vst v21  }
0x181: {  	[tilespmem:s7+$0x7690] =	vst v22  }
0x182: {  	[tilespmem:s7+$0x9DA0] =	vst v20  }
0x183: {  	v20 =	vld.idx.msk [tilespmem:v12+s29+$0x0], $0xffff  }
0x184: {  	v21 =	vld.idx.msk [tilespmem:v13+s29+$0x0], $0xffff  }
0x185: {  	v22 =	vld.idx.msk [tilespmem:v14+s29+$0x0], $0xffff  }
0x186: {  	v58 =	vld.idx.msk [tilespmem:v13+s31+$0x0], $0xffff  }
0x187: {  	v59 =	vld.idx.msk [tilespmem:v14+s31+$0x0], $0xffff  }
0x188: {  	v26 =	vld.idx.msk [tilespmem:v15+s29+$0x0], $0xffff  }
0x189: {  	v60 =	vld.idx.msk [tilespmem:v12+s31+$0x0], $0xffff;
	_ =	sdelay $0x2  }
0x18a: {  	v21 =	vsub.f32 v58, v21  }
0x18b: {  	v22 =	vsub.f32 v59, v22;
	[tilespmem:s7+$0xC4C0] =	vst v26  }
0x18c: {  	v20 =	vsub.f32 v60, v20;
	[tilespmem:s7+$0x4F90] =	vst v21  }
0x18d: {  	[tilespmem:s7+$0x76A0] =	vst v22  }
0x18e: {  	[tilespmem:s7+$0x9DB0] =	vst v20  }
0x18f: {  	v20 =	vld.idx.msk [tilespmem:v16+s29+$0x0], $0xffff  }
0x190: {  	v21 =	vld.idx.msk [tilespmem:v17+s29+$0x0], $0xffff  }
0x191: {  	v22 =	vld.idx.msk [tilespmem:v18+s29+$0x0], $0xffff  }
0x192: {  	v61 =	vld.idx.msk [tilespmem:v17+s31+$0x0], $0xffff  }
0x193: {  	v62 =	vld.idx.msk [tilespmem:v18+s31+$0x0], $0xffff  }
0x194: {  	v26 =	vld.idx.msk [tilespmem:v19+s29+$0x0], $0xffff  }
0x195: {  	v63 =	vld.idx.msk [tilespmem:v16+s31+$0x0], $0xffff;
	_ =	sdelay $0x2  }
.Ltmp2:
0x196: {  	v21 =	vsub.f32 v61, v21;
	(pc) =	sbr.rel @p0 .LBB2_4-.Ltmp2, $4  }
0x197: {  	v22 =	vsub.f32 v62, v22;
	[tilespmem:s7+$0xC4D0] =	vst v26  }
0x198: {  	v20 =	vsub.f32 v63, v20;
	[tilespmem:s7+$0x4FA0] =	vst v21  }
0x199: {  	[tilespmem:s7+$0x76B0] =	vst v22  }
0x19a: {  	[tilespmem:s7+$0x9DC0] =	vst v20  }
.Ltmp3:
0x19b: {  	(pc) =	sbr.rel .LBB2_2-.Ltmp3, $4  }
0x19c: {  	s6 =	sadd.s32 $0x2D0, s7  }
0x19d: {  	[tilespmem:s29], [sflag:$0x5] =	stream.indirect.gather [hbm4b:s2+s13], $0x8, s6, s13, $0xb8;
	[tilespmem:$0x10360] =	vst v63  }
0x19e: {  	s10 =	sadd.s32 $0x29E0, s7;
	s5 =	sadd.s32 $0x640, s5  }
0x19f: {  	[tilespmem:s31], [sflag:$0xA] =	stream.indirect.gather [hbm4b:s2+s13], $0x8, s10, s13, $0xb8;
	[tilespmem:$0x10360] =	vst v63  }
.LBB2_5:
0x1a0: {  	_ =	sfence.sel $0x180000  }
0x1a1: {  	[bflag:$0x0] =	sbarrier.arrive $0xFFFF  }
0x1a2: {  	_ =	strace $0x9000004A  }
0x1a3: {  	s0 =	stileid.u32;
	[bflag:$0x2] =	sbarrier.arrive $0xFFFF  }
0x1a4: {  	p0 =	sne.s32 s0, $0x0;
	s0 =	rddreg [dreg:$0x2]  }
0x1a5: {  	s0 =	sadd.s32 @!p0 $0x100000, s0  }
0x1a6: {  	[sflag:s0] =	ssyncadd.tile.s32 @!p0 $0x1;
	_ =	shalt  }
.Lfunc_end2:
_tile_overlayer_lowered:
.L_overlay_start_2:
0x1a7: {  	(tag) =	ssettag $0x2  }
0x1a8: {  	s0 =	rddreg [dreg:$0x0];
	s2 =	stileid.u32  }
0x1a9: {  	s1 =	rddreg [dreg:$0x1];
	p0 =	sne.s32 s2, $0x0  }
0x1aa: {  	s3 =	rddreg [dreg:$0x2];
	[bflag:$0x3] =	sbarrier.arrive $0xFFFF;
	s2 =	simm.s32 @!p0 $0x1C0B  }
0x1ab: {  	[timem:s3], [sflag:s2] =	dma.local @!p0 [hbm:s0], s1  }
0x1ac: {  	s0 =	simm.s32 @!p0 $0xB  }
0x1ad: {  	_ =	swait.ge @!p0 [sflag:s0], s1  }
0x1ae: {  	s1 =	ssub.s32 @!p0 $0x0, s1;
	[sflag:s0] =	ssyncset.done @!p0 $0x0  }
0x1af: {  	[sflag:s0] =	ssyncadd.s32 @!p0 s1  }
0x1b0: {  	[bflag:$0x3] =	sbarrier.arrive $0xFFFF  }
0x1b1: {  	_ =	shalt  }

</sc_bundles>
